<compile_context>
chip_gen: v7x
topology: tpu7x:2x2x1
jax: 0.10.2.dev20260603
libtpu: 0.0.44.dev20260713+nightly
codegen_flags: <defaults>
</compile_context>

<pallas_src>
import functools

import jax
import jax.numpy as jnp
from jax import lax
from jax.experimental import pallas as pl
from jax.experimental.pallas import tpu as pltpu
from jax.experimental.pallas import tpu_sc as plsc

GX = GY = GZ = 128
C = 8
NC, NS, L = 2, 16, 16
NW = NC * NS
CHUNK = 512
GROUPS = CHUNK // L
NROW = 8 * CHUNK
IDXR = NROW // 128


def _build(np_total):
    per_w = np_total // NW
    n_chunks = per_w // CHUNK
    mesh = plsc.VectorSubcoreMesh(core_axis_name="c", subcore_axis_name="s")

    buf_set = [
        pltpu.VMEM((CHUNK,), jnp.float32),
        pltpu.VMEM((CHUNK,), jnp.float32),
        pltpu.VMEM((CHUNK,), jnp.float32),
        pltpu.VMEM((NROW,), jnp.int32),
        pltpu.VMEM((NROW, C), jnp.float32),
    ]

    @functools.partial(
        pl.kernel,
        mesh=mesh,
        out_type=jax.ShapeDtypeStruct((np_total * C,), jnp.float32),
        scratch_types=[
            pltpu.VMEM((16,), jnp.float32),
            pltpu.VMEM((CHUNK * 3,), jnp.float32),
            pltpu.VMEM((CHUNK * C,), jnp.float32),
            pltpu.SemaphoreType.DMA,
        ] + buf_set,
        compiler_params=pltpu.CompilerParams(
            needs_layout_passes=False, use_tc_tiling_on_sc=False),
    )
    def grid_lookup(coords_hbm, table_hbm, params_hbm, out_hbm,
                    params_v, coords_v, outb, sem,
                    wxb0, wyb0, wzb0, idxb0, gbuf0):
        bufs = ((wxb0, wyb0, wzb0, idxb0, gbuf0),)
        wid = lax.axis_index("s") * NC + lax.axis_index("c")
        base_w = wid * per_w
        pltpu.sync_copy(params_hbm, params_v)
        lanes = jnp.arange(L, dtype=jnp.int32)
        pv = params_v[...]
        lo0 = pv[0]
        lo1 = pv[1]
        lo2 = pv[2]
        iv0 = pv[3]
        iv1 = pv[4]
        iv2 = pv[5]

        def stage(t, buf):
            wxb, wyb, wzb, idxb, _ = bufs[buf]
            b = base_w + t * CHUNK
            pltpu.sync_copy(coords_hbm.at[pl.ds(b * 3, CHUNK * 3)], coords_v)

            @plsc.parallel_loop(0, GROUPS, unroll=4)
            def idx_body(g):
                s = g * L
                x = coords_v[pl.ds(s, L)]
                y = coords_v[pl.ds(CHUNK + s, L)]
                z = coords_v[pl.ds(2 * CHUNK + s, L)]
                px = jnp.clip((x - lo0) * iv0, 0.0, GX - 1.0)
                py = jnp.clip((y - lo1) * iv1, 0.0, GY - 1.0)
                pz = jnp.clip((z - lo2) * iv2, 0.0, GZ - 1.0)
                ix0 = px.astype(jnp.int32)
                iy0 = py.astype(jnp.int32)
                iz0 = pz.astype(jnp.int32)
                wxb[pl.ds(s, L)] = px - ix0.astype(jnp.float32)
                wyb[pl.ds(s, L)] = py - iy0.astype(jnp.float32)
                wzb[pl.ds(s, L)] = pz - iz0.astype(jnp.float32)
                iz1 = jnp.minimum(iz0 + 1, GZ - 1)
                xs0 = ix0 * (GY * GZ)
                xs1 = jnp.minimum(ix0 + 1, GX - 1) * (GY * GZ)
                ys0 = iy0 * GZ
                ys1 = jnp.minimum(iy0 + 1, GY - 1) * GZ
                for j in range(8):
                    xs = xs1 if (j >> 2) & 1 else xs0
                    ys = ys1 if (j >> 1) & 1 else ys0
                    zs = iz1 if j & 1 else iz0
                    idxb[pl.ds(j * CHUNK + s, L)] = xs + ys + zs

        def fire(buf):
            _, _, _, idxb, gbuf = bufs[buf]
            return [
                pltpu.async_copy(
                    table_hbm.at[idxb.at[pl.ds(r * 128, 128)]],
                    gbuf.at[pl.ds(r * 128, 128)], sem)
                for r in range(IDXR)
            ]

        def drain(copies):
            for cp in copies:
                cp.wait()

        def blend(t, buf):
            wxb, wyb, wzb, _, gbuf = bufs[buf]
            b = base_w + t * CHUNK

            @plsc.parallel_loop(0, GROUPS, unroll=4)
            def blend_body(g):
                s = g * L
                pid = s + lanes
                wxv = wxb[pl.ds(s, L)]
                wyv = wyb[pl.ds(s, L)]
                wzv = wzb[pl.ds(s, L)]
                ux = 1.0 - wxv
                uy = 1.0 - wyv
                uz = 1.0 - wzv
                a00 = ux * uy
                a01 = ux * wyv
                a10 = wxv * uy
                a11 = wxv * wyv
                w8 = [a00 * uz, a00 * wzv, a01 * uz, a01 * wzv,
                      a10 * uz, a10 * wzv, a11 * uz, a11 * wzv]
                for ch in range(C):
                    cc = jnp.full((L,), ch, jnp.int32)
                    acc = w8[0] * plsc.load_gather(gbuf, [pid, cc])
                    for j in range(1, 8):
                        acc = acc + w8[j] * plsc.load_gather(
                            gbuf, [j * CHUNK + pid, cc])
                    plsc.store_scatter(outb, [pid * 8 + ch], acc)

            pltpu.sync_copy(outb, out_hbm.at[pl.ds(b * C, CHUNK * C)])

        def chunk_body(t, carry):
            stage(t, 0)
            drain(fire(0))
            blend(t, 0)
            return carry

        lax.fori_loop(0, n_chunks, chunk_body, 0)

    return grid_lookup


@jax.jit
def kernel(coords, grid, bbox_min, bbox_max):
    n = coords.shape[0]
    coords = coords[:, :3]
    np_total = NW * CHUNK * pl.cdiv(n, NW * CHUNK)
    pad = np_total - n
    f = (jnp.arange(pad, dtype=jnp.float32) + 0.5) / max(pad, 1)
    filler = jnp.stack([f, jnp.mod(f * 7.0, 1.0), jnp.mod(f * 13.0, 1.0)], axis=1)
    scale = jnp.clip(bbox_max - bbox_min, 1e-6, None)
    coords_p = jnp.concatenate([coords, filler * scale + bbox_min], axis=0)
    params = jnp.concatenate(
        [bbox_min.astype(jnp.float32), (GX - 1.0) / scale,
         jnp.zeros((10,), jnp.float32)])
    table = grid.reshape(-1, C)
    out = _build(np_total)(coords_p.T.reshape(-1), table, params)
    return out.reshape(np_total, C)[:n]

# --- scband reference (transcript-rebuilt; emitter-appended) ---
"""Pipeline reference for scband-patch-indicator-grid-14104672600555 (READ-ONLY COPY).

The authoritative reference and input builder live on the scoring server;
editing this copy changes nothing except your own understanding.
"""

import jax, jax.numpy as jnp
import numpy as np

GX, GY, GZ, C = 128, 128, 128, 8
N = 1000000

def setup_inputs(seed: int = 0) -> dict:
    key = jax.random.key(seed)
    k1, k2 = jax.random.split(key)
    coords = jax.random.uniform(k1, (N, 3), dtype=jnp.float32)
    grid = jax.random.normal(k2, (GX, GY, GZ, C), dtype=jnp.float32) * 0.1
    bbox_min = jnp.zeros((3,), dtype=jnp.float32)
    bbox_max = jnp.ones((3,), dtype=jnp.float32)
    return {"coords": coords, "grid": grid, "bbox_min": bbox_min, "bbox_max": bbox_max}

def reference(coords, grid, bbox_min, bbox_max):
    coords = coords[:, :3]
    eps = 1e-06
    scale = jnp.clip(bbox_max - bbox_min, eps, None)
    normalized = (coords - bbox_min) / scale
    normalized = jnp.clip(normalized, 0.0, 1.0)
    grid_size_f = jnp.array(grid.shape[:3], dtype=coords.dtype)
    pos = normalized * (grid_size_f - 1.0)
    idx0 = jnp.floor(pos).astype(jnp.int32)
    grid_size_i = jnp.array(grid.shape[:3], dtype=jnp.int32)
    idx1 = jnp.minimum(idx0 + 1, grid_size_i - 1)
    weight = jnp.clip(pos - idx0.astype(coords.dtype), 0.0, 1.0)
    x0, y0, z0 = idx0[:, 0], idx0[:, 1], idx0[:, 2]
    x1, y1, z1 = idx1[:, 0], idx1[:, 1], idx1[:, 2]
    wx, wy, wz = weight[:, 0:1], weight[:, 1:2], weight[:, 2:3]
    c000 = grid[x0, y0, z0]
    c100 = grid[x1, y0, z0]
    c010 = grid[x0, y1, z0]
    c110 = grid[x1, y1, z0]
    c001 = grid[x0, y0, z1]
    c101 = grid[x1, y0, z1]
    c011 = grid[x0, y1, z1]
    c111 = grid[x1, y1, z1]
    c00 = c000 * (1.0 - wx) + c100 * wx
    c01 = c001 * (1.0 - wx) + c101 * wx
    c10 = c010 * (1.0 - wx) + c110 * wx
    c11 = c011 * (1.0 - wx) + c111 * wx
    c0 = c00 * (1.0 - wy) + c10 * wy
    c1 = c01 * (1.0 - wy) + c11 * wy
    return c0 * (1.0 - wz) + c1 * wz

if __name__ == "__main__":
    import jax
    _d = setup_inputs()
    print(jax.jit(kernel)(*tuple(_d.values())))

</pallas_src>

<mosaic_0001>
#map = affine_map<(d0, d1) -> (0)>
#map1 = affine_map<(d0, d1) -> (0, 0)>
module attributes {stable_mosaic.version = 14 : i64} {
  func.func @grid_lookup(%arg0: i32, %arg1: i32, %arg2: memref<3047424xf32, #tpu.memory_space<hbm>>, %arg3: memref<2097152x8xf32, #tpu.memory_space<hbm>>, %arg4: memref<16xf32, #tpu.memory_space<hbm>>, %arg5: memref<8126464xf32, #tpu.memory_space<hbm>>, %arg6: memref<16xf32, #tpu.memory_space<vmem>>, %arg7: memref<1536xf32, #tpu.memory_space<vmem>>, %arg8: memref<4096xf32, #tpu.memory_space<vmem>>, %arg9: memref<!tpu.dma_semaphore, #tpu.memory_space<semaphore_mem>>, %arg10: memref<512xf32, #tpu.memory_space<vmem>>, %arg11: memref<512xf32, #tpu.memory_space<vmem>>, %arg12: memref<512xf32, #tpu.memory_space<vmem>>, %arg13: memref<4096xi32, #tpu.memory_space<vmem>>, %arg14: memref<4096x8xf32, #tpu.memory_space<vmem>>) attributes {dimension_semantics = [#tpu.dimension_semantics<core_parallel>, #tpu.dimension_semantics<subcore_parallel>], iteration_bounds = array<i64: 2, 16>, scalar_prefetch = 0 : i64, scratch_operands = 9 : i64, tpu.core_type = #tpu.core_type<sc_vector_subcore>, window_params = [{transform_indices = #map}, {transform_indices = #map1}, {transform_indices = #map}, {transform_indices = #map}]} {
    %mul3A = arith.constant 2 : i32
    %mul3A_0 = arith.muli %arg1, %mul3A : i32
    %add3A = arith.addi %mul3A_0, %arg0 : i32
    %mul3A_1 = arith.constant 31744 : i32
    %mul3A_2 = arith.muli %add3A, %mul3A_1 : i32
    "tpu.region"() ({
      %run_scoped3A = tpu.sem_alloc : memref<!tpu.dma_semaphore, #tpu.memory_space<semaphore_mem>>
      tpu.enqueue_dma source(%arg4 : memref<16xf32, #tpu.memory_space<hbm>>) target(%arg6 : memref<16xf32, #tpu.memory_space<vmem>>) target_semaphore(%run_scoped3A : memref<!tpu.dma_semaphore, #tpu.memory_space<semaphore_mem>>)
      tpu.wait_dma2 semaphore(%run_scoped3A : memref<!tpu.dma_semaphore, #tpu.memory_space<semaphore_mem>>) src(%arg4 : memref<16xf32, #tpu.memory_space<hbm>>) dst(%arg6 : memref<16xf32, #tpu.memory_space<vmem>>)
      tpu.yield
    }) : () -> ()
    %iota3A = tpu.iota {dimensions = array<i32: 0>} : vector<16xi32>
    %get3A = arith.constant 0 : index
    %get3A_3 = tpu.vector_load %arg6[%get3A] {strides = array<i32>} : memref<16xf32, #tpu.memory_space<vmem>>, vector<16xf32>,
    %slice3A = vector.extract_strided_slice %get3A_3 {offsets = [0], sizes = [1], strides = [1]} : vector<16xf32> to vector<1xf32>
    %squeeze3A = vector.extract %slice3A[0] : f32 from vector<1xf32>
    %slice3A_4 = vector.extract_strided_slice %get3A_3 {offsets = [1], sizes = [1], strides = [1]} : vector<16xf32> to vector<1xf32>
    %squeeze3A_5 = vector.extract %slice3A_4[0] : f32 from vector<1xf32>
    %slice3A_6 = vector.extract_strided_slice %get3A_3 {offsets = [2], sizes = [1], strides = [1]} : vector<16xf32> to vector<1xf32>
    %squeeze3A_7 = vector.extract %slice3A_6[0] : f32 from vector<1xf32>
    %slice3A_8 = vector.extract_strided_slice %get3A_3 {offsets = [3], sizes = [1], strides = [1]} : vector<16xf32> to vector<1xf32>
    %squeeze3A_9 = vector.extract %slice3A_8[0] : f32 from vector<1xf32>
    %slice3A_10 = vector.extract_strided_slice %get3A_3 {offsets = [4], sizes = [1], strides = [1]} : vector<16xf32> to vector<1xf32>
    %squeeze3A_11 = vector.extract %slice3A_10[0] : f32 from vector<1xf32>
    %slice3A_12 = vector.extract_strided_slice %get3A_3 {offsets = [5], sizes = [1], strides = [1]} : vector<16xf32> to vector<1xf32>
    %squeeze3A_13 = vector.extract %slice3A_12[0] : f32 from vector<1xf32>
    %scan3A = arith.constant 0 : i32
    %scan3A_14 = arith.constant 0 : i32
    %scan3A_15 = arith.constant 62 : i32
    %scan3A_16 = arith.addi %scan3A_14, %scan3A_15 : i32
    %scan3A_17 = arith.constant 1 : i32
    scf.for %scan3A_19 = %scan3A_14 to %scan3A_16 step %scan3A_17  : i32 {
      %mul3A_20 = arith.constant 512 : i32
      %mul3A_21 = arith.muli %scan3A_19, %mul3A_20 : i32
      %add3A_22 = arith.addi %mul3A_2, %mul3A_21 : i32
      %mul3A_23 = arith.constant 3 : i32
      %mul3A_24 = arith.muli %add3A_22, %mul3A_23 : i32
      "tpu.region"() ({
        %run_scoped3A = tpu.sem_alloc : memref<!tpu.dma_semaphore, #tpu.memory_space<semaphore_mem>>
        %dma_start3A_545 = tpu.memref_slice %arg2[%mul3A_24] : memref<3047424xf32, #tpu.memory_space<hbm>> -> memref<1536xf32, #tpu.memory_space<hbm>>
        %dma_start3A_546 = tpu.memref_slice %arg2[%mul3A_24] : memref<3047424xf32, #tpu.memory_space<hbm>> -> memref<1536xf32, #tpu.memory_space<hbm>>
        tpu.enqueue_dma source(%dma_start3A_546 : memref<1536xf32, #tpu.memory_space<hbm>>) target(%arg7 : memref<1536xf32, #tpu.memory_space<vmem>>) target_semaphore(%run_scoped3A : memref<!tpu.dma_semaphore, #tpu.memory_space<semaphore_mem>>)
        %dma_wait3A_547 = tpu.memref_slice %arg2[%mul3A_24] : memref<3047424xf32, #tpu.memory_space<hbm>> -> memref<1536xf32, #tpu.memory_space<hbm>>
        %dma_wait3A_548 = tpu.memref_slice %arg2[%mul3A_24] : memref<3047424xf32, #tpu.memory_space<hbm>> -> memref<1536xf32, #tpu.memory_space<hbm>>
        tpu.wait_dma2 semaphore(%run_scoped3A : memref<!tpu.dma_semaphore, #tpu.memory_space<semaphore_mem>>) src(%dma_wait3A_548 : memref<1536xf32, #tpu.memory_space<hbm>>) dst(%arg7 : memref<1536xf32, #tpu.memory_space<vmem>>)
        tpu.yield
      }) : () -> ()
      %parallel_loop3A = arith.constant 0 : i32
      %parallel_loop3A_25 = arith.constant 32 : i32
      %parallel_loop3A_26 = arith.constant 1 : i32
      scf.for %parallel_loop3A_545 = %parallel_loop3A to %parallel_loop3A_25 step %parallel_loop3A_26  : i32 {
        %parallel_loop3A_546 = arith.constant 16 : i32
        %parallel_loop3A_547 = arith.muli %parallel_loop3A_545, %parallel_loop3A_546 : i32
        %parallel_loop3A_548 = arith.index_cast %parallel_loop3A_547 : i32 to index
        %parallel_loop3A_549 = tpu.vector_load %arg7[%parallel_loop3A_548] {strides = array<i32>} : memref<1536xf32, #tpu.memory_space<vmem>>, vector<16xf32>,
        %parallel_loop3A_550 = arith.constant 512 : i32
        %parallel_loop3A_551 = arith.addi %parallel_loop3A_550, %parallel_loop3A_547 : i32
        %parallel_loop3A_552 = arith.index_cast %parallel_loop3A_551 : i32 to index
        %parallel_loop3A_553 = tpu.vector_load %arg7[%parallel_loop3A_552] {strides = array<i32>} : memref<1536xf32, #tpu.memory_space<vmem>>, vector<16xf32>,
        %parallel_loop3A_554 = arith.constant 1024 : i32
        %parallel_loop3A_555 = arith.addi %parallel_loop3A_554, %parallel_loop3A_547 : i32
        %parallel_loop3A_556 = arith.index_cast %parallel_loop3A_555 : i32 to index
        %parallel_loop3A_557 = tpu.vector_load %arg7[%parallel_loop3A_556] {strides = array<i32>} : memref<1536xf32, #tpu.memory_space<vmem>>, vector<16xf32>,
        %parallel_loop3A_558 = vector.broadcast %squeeze3A : f32 to vector<16xf32>
        %parallel_loop3A_559 = arith.subf %parallel_loop3A_549, %parallel_loop3A_558 : vector<16xf32>
        %parallel_loop3A_560 = vector.broadcast %squeeze3A_9 : f32 to vector<16xf32>
        %parallel_loop3A_561 = arith.mulf %parallel_loop3A_559, %parallel_loop3A_560 : vector<16xf32>
        %parallel_loop3A_562 = arith.constant 0.000000e+00 : f32
        %parallel_loop3A_563 = arith.constant 1.270000e+02 : f32
        %parallel_loop3A_564 = vector.broadcast %parallel_loop3A_562 : f32 to vector<16xf32>
        %parallel_loop3A_565 = arith.maximumf %parallel_loop3A_564, %parallel_loop3A_561 : vector<16xf32>
        %parallel_loop3A_566 = vector.broadcast %parallel_loop3A_563 : f32 to vector<16xf32>
        %parallel_loop3A_567 = arith.minimumf %parallel_loop3A_566, %parallel_loop3A_565 : vector<16xf32>
        %parallel_loop3A_568 = vector.broadcast %squeeze3A_5 : f32 to vector<16xf32>
        %parallel_loop3A_569 = arith.subf %parallel_loop3A_553, %parallel_loop3A_568 : vector<16xf32>
        %parallel_loop3A_570 = vector.broadcast %squeeze3A_11 : f32 to vector<16xf32>
        %parallel_loop3A_571 = arith.mulf %parallel_loop3A_569, %parallel_loop3A_570 : vector<16xf32>
        %parallel_loop3A_572 = arith.constant 0.000000e+00 : f32
        %parallel_loop3A_573 = arith.constant 1.270000e+02 : f32
        %parallel_loop3A_574 = vector.broadcast %parallel_loop3A_572 : f32 to vector<16xf32>
        %parallel_loop3A_575 = arith.maximumf %parallel_loop3A_574, %parallel_loop3A_571 : vector<16xf32>
        %parallel_loop3A_576 = vector.broadcast %parallel_loop3A_573 : f32 to vector<16xf32>
        %parallel_loop3A_577 = arith.minimumf %parallel_loop3A_576, %parallel_loop3A_575 : vector<16xf32>
        %parallel_loop3A_578 = vector.broadcast %squeeze3A_7 : f32 to vector<16xf32>
        %parallel_loop3A_579 = arith.subf %parallel_loop3A_557, %parallel_loop3A_578 : vector<16xf32>
        %parallel_loop3A_580 = vector.broadcast %squeeze3A_13 : f32 to vector<16xf32>
        %parallel_loop3A_581 = arith.mulf %parallel_loop3A_579, %parallel_loop3A_580 : vector<16xf32>
        %parallel_loop3A_582 = arith.constant 0.000000e+00 : f32
        %parallel_loop3A_583 = arith.constant 1.270000e+02 : f32
        %parallel_loop3A_584 = vector.broadcast %parallel_loop3A_582 : f32 to vector<16xf32>
        %parallel_loop3A_585 = arith.maximumf %parallel_loop3A_584, %parallel_loop3A_581 : vector<16xf32>
        %parallel_loop3A_586 = vector.broadcast %parallel_loop3A_583 : f32 to vector<16xf32>
        %parallel_loop3A_587 = arith.minimumf %parallel_loop3A_586, %parallel_loop3A_585 : vector<16xf32>
        %parallel_loop3A_588 = arith.fptosi %parallel_loop3A_567 : vector<16xf32> to vector<16xi32>
        %parallel_loop3A_589 = arith.fptosi %parallel_loop3A_577 : vector<16xf32> to vector<16xi32>
        %parallel_loop3A_590 = arith.fptosi %parallel_loop3A_587 : vector<16xf32> to vector<16xi32>
        %parallel_loop3A_591 = arith.sitofp %parallel_loop3A_588 : vector<16xi32> to vector<16xf32>
        %parallel_loop3A_592 = arith.subf %parallel_loop3A_567, %parallel_loop3A_591 : vector<16xf32>
        %parallel_loop3A_593 = arith.index_cast %parallel_loop3A_547 : i32 to index
        %parallel_loop3A_594 = tpu.vector_load %arg10[%parallel_loop3A_593] {strides = array<i32>} : memref<512xf32, #tpu.memory_space<vmem>>, vector<16xf32>,
        tpu.vector_store %arg10[%parallel_loop3A_593], %parallel_loop3A_592 {strides = array<i32>} : memref<512xf32, #tpu.memory_space<vmem>>, vector<16xf32>,
        %parallel_loop3A_595 = arith.sitofp %parallel_loop3A_589 : vector<16xi32> to vector<16xf32>
        %parallel_loop3A_596 = arith.subf %parallel_loop3A_577, %parallel_loop3A_595 : vector<16xf32>
        %parallel_loop3A_597 = arith.index_cast %parallel_loop3A_547 : i32 to index
        %parallel_loop3A_598 = tpu.vector_load %arg11[%parallel_loop3A_597] {strides = array<i32>} : memref<512xf32, #tpu.memory_space<vmem>>, vector<16xf32>,
        tpu.vector_store %arg11[%parallel_loop3A_597], %parallel_loop3A_596 {strides = array<i32>} : memref<512xf32, #tpu.memory_space<vmem>>, vector<16xf32>,
        %parallel_loop3A_599 = arith.sitofp %parallel_loop3A_590 : vector<16xi32> to vector<16xf32>
        %parallel_loop3A_600 = arith.subf %parallel_loop3A_587, %parallel_loop3A_599 : vector<16xf32>
        %parallel_loop3A_601 = arith.index_cast %parallel_loop3A_547 : i32 to index
        %parallel_loop3A_602 = tpu.vector_load %arg12[%parallel_loop3A_601] {strides = array<i32>} : memref<512xf32, #tpu.memory_space<vmem>>, vector<16xf32>,
        tpu.vector_store %arg12[%parallel_loop3A_601], %parallel_loop3A_600 {strides = array<i32>} : memref<512xf32, #tpu.memory_space<vmem>>, vector<16xf32>,
        %parallel_loop3A_603 = arith.constant 1 : i32
        %parallel_loop3A_604 = vector.broadcast %parallel_loop3A_603 : i32 to vector<16xi32>
        %parallel_loop3A_605 = arith.addi %parallel_loop3A_590, %parallel_loop3A_604 : vector<16xi32>
        %parallel_loop3A_606 = arith.constant 127 : i32
        %parallel_loop3A_607 = vector.broadcast %parallel_loop3A_606 : i32 to vector<16xi32>
        %parallel_loop3A_608 = arith.minsi %parallel_loop3A_605, %parallel_loop3A_607 : vector<16xi32>
        %parallel_loop3A_609 = arith.constant 16384 : i32
        %parallel_loop3A_610 = vector.broadcast %parallel_loop3A_609 : i32 to vector<16xi32>
        %parallel_loop3A_611 = arith.muli %parallel_loop3A_588, %parallel_loop3A_610 : vector<16xi32>
        %parallel_loop3A_612 = arith.constant 1 : i32
        %parallel_loop3A_613 = vector.broadcast %parallel_loop3A_612 : i32 to vector<16xi32>
        %parallel_loop3A_614 = arith.addi %parallel_loop3A_588, %parallel_loop3A_613 : vector<16xi32>
        %parallel_loop3A_615 = arith.constant 127 : i32
        %parallel_loop3A_616 = vector.broadcast %parallel_loop3A_615 : i32 to vector<16xi32>
        %parallel_loop3A_617 = arith.minsi %parallel_loop3A_614, %parallel_loop3A_616 : vector<16xi32>
        %parallel_loop3A_618 = arith.constant 16384 : i32
        %parallel_loop3A_619 = vector.broadcast %parallel_loop3A_618 : i32 to vector<16xi32>
        %parallel_loop3A_620 = arith.muli %parallel_loop3A_617, %parallel_loop3A_619 : vector<16xi32>
        %parallel_loop3A_621 = arith.constant 128 : i32
        %parallel_loop3A_622 = vector.broadcast %parallel_loop3A_621 : i32 to vector<16xi32>
        %parallel_loop3A_623 = arith.muli %parallel_loop3A_589, %parallel_loop3A_622 : vector<16xi32>
        %parallel_loop3A_624 = arith.constant 1 : i32
        %parallel_loop3A_625 = vector.broadcast %parallel_loop3A_624 : i32 to vector<16xi32>
        %parallel_loop3A_626 = arith.addi %parallel_loop3A_589, %parallel_loop3A_625 : vector<16xi32>
        %parallel_loop3A_627 = arith.constant 127 : i32
        %parallel_loop3A_628 = vector.broadcast %parallel_loop3A_627 : i32 to vector<16xi32>
        %parallel_loop3A_629 = arith.minsi %parallel_loop3A_626, %parallel_loop3A_628 : vector<16xi32>
        %parallel_loop3A_630 = arith.constant 128 : i32
        %parallel_loop3A_631 = vector.broadcast %parallel_loop3A_630 : i32 to vector<16xi32>
        %parallel_loop3A_632 = arith.muli %parallel_loop3A_629, %parallel_loop3A_631 : vector<16xi32>
        %parallel_loop3A_633 = arith.addi %parallel_loop3A_611, %parallel_loop3A_623 : vector<16xi32>
        %parallel_loop3A_634 = arith.addi %parallel_loop3A_633, %parallel_loop3A_590 : vector<16xi32>
        %parallel_loop3A_635 = arith.constant 0 : i32
        %parallel_loop3A_636 = arith.addi %parallel_loop3A_635, %parallel_loop3A_547 : i32
        %parallel_loop3A_637 = arith.index_cast %parallel_loop3A_636 : i32 to index
        %parallel_loop3A_638 = tpu.vector_load %arg13[%parallel_loop3A_637] {strides = array<i32>} : memref<4096xi32, #tpu.memory_space<vmem>>, vector<16xi32>,
        tpu.vector_store %arg13[%parallel_loop3A_637], %parallel_loop3A_634 {strides = array<i32>} : memref<4096xi32, #tpu.memory_space<vmem>>, vector<16xi32>,
        %parallel_loop3A_639 = arith.addi %parallel_loop3A_611, %parallel_loop3A_623 : vector<16xi32>
        %parallel_loop3A_640 = arith.addi %parallel_loop3A_639, %parallel_loop3A_608 : vector<16xi32>
        %parallel_loop3A_641 = arith.constant 512 : i32
        %parallel_loop3A_642 = arith.addi %parallel_loop3A_641, %parallel_loop3A_547 : i32
        %parallel_loop3A_643 = arith.index_cast %parallel_loop3A_642 : i32 to index
        %parallel_loop3A_644 = tpu.vector_load %arg13[%parallel_loop3A_643] {strides = array<i32>} : memref<4096xi32, #tpu.memory_space<vmem>>, vector<16xi32>,
        tpu.vector_store %arg13[%parallel_loop3A_643], %parallel_loop3A_640 {strides = array<i32>} : memref<4096xi32, #tpu.memory_space<vmem>>, vector<16xi32>,
        %parallel_loop3A_645 = arith.addi %parallel_loop3A_611, %parallel_loop3A_632 : vector<16xi32>
        %parallel_loop3A_646 = arith.addi %parallel_loop3A_645, %parallel_loop3A_590 : vector<16xi32>
        %parallel_loop3A_647 = arith.constant 1024 : i32
        %parallel_loop3A_648 = arith.addi %parallel_loop3A_647, %parallel_loop3A_547 : i32
        %parallel_loop3A_649 = arith.index_cast %parallel_loop3A_648 : i32 to index
        %parallel_loop3A_650 = tpu.vector_load %arg13[%parallel_loop3A_649] {strides = array<i32>} : memref<4096xi32, #tpu.memory_space<vmem>>, vector<16xi32>,
        tpu.vector_store %arg13[%parallel_loop3A_649], %parallel_loop3A_646 {strides = array<i32>} : memref<4096xi32, #tpu.memory_space<vmem>>, vector<16xi32>,
        %parallel_loop3A_651 = arith.addi %parallel_loop3A_611, %parallel_loop3A_632 : vector<16xi32>
        %parallel_loop3A_652 = arith.addi %parallel_loop3A_651, %parallel_loop3A_608 : vector<16xi32>
        %parallel_loop3A_653 = arith.constant 1536 : i32
        %parallel_loop3A_654 = arith.addi %parallel_loop3A_653, %parallel_loop3A_547 : i32
        %parallel_loop3A_655 = arith.index_cast %parallel_loop3A_654 : i32 to index
        %parallel_loop3A_656 = tpu.vector_load %arg13[%parallel_loop3A_655] {strides = array<i32>} : memref<4096xi32, #tpu.memory_space<vmem>>, vector<16xi32>,
        tpu.vector_store %arg13[%parallel_loop3A_655], %parallel_loop3A_652 {strides = array<i32>} : memref<4096xi32, #tpu.memory_space<vmem>>, vector<16xi32>,
        %parallel_loop3A_657 = arith.addi %parallel_loop3A_620, %parallel_loop3A_623 : vector<16xi32>
        %parallel_loop3A_658 = arith.addi %parallel_loop3A_657, %parallel_loop3A_590 : vector<16xi32>
        %parallel_loop3A_659 = arith.constant 2048 : i32
        %parallel_loop3A_660 = arith.addi %parallel_loop3A_659, %parallel_loop3A_547 : i32
        %parallel_loop3A_661 = arith.index_cast %parallel_loop3A_660 : i32 to index
        %parallel_loop3A_662 = tpu.vector_load %arg13[%parallel_loop3A_661] {strides = array<i32>} : memref<4096xi32, #tpu.memory_space<vmem>>, vector<16xi32>,
        tpu.vector_store %arg13[%parallel_loop3A_661], %parallel_loop3A_658 {strides = array<i32>} : memref<4096xi32, #tpu.memory_space<vmem>>, vector<16xi32>,
        %parallel_loop3A_663 = arith.addi %parallel_loop3A_620, %parallel_loop3A_623 : vector<16xi32>
        %parallel_loop3A_664 = arith.addi %parallel_loop3A_663, %parallel_loop3A_608 : vector<16xi32>
        %parallel_loop3A_665 = arith.constant 2560 : i32
        %parallel_loop3A_666 = arith.addi %parallel_loop3A_665, %parallel_loop3A_547 : i32
        %parallel_loop3A_667 = arith.index_cast %parallel_loop3A_666 : i32 to index
        %parallel_loop3A_668 = tpu.vector_load %arg13[%parallel_loop3A_667] {strides = array<i32>} : memref<4096xi32, #tpu.memory_space<vmem>>, vector<16xi32>,
        tpu.vector_store %arg13[%parallel_loop3A_667], %parallel_loop3A_664 {strides = array<i32>} : memref<4096xi32, #tpu.memory_space<vmem>>, vector<16xi32>,
        %parallel_loop3A_669 = arith.addi %parallel_loop3A_620, %parallel_loop3A_632 : vector<16xi32>
        %parallel_loop3A_670 = arith.addi %parallel_loop3A_669, %parallel_loop3A_590 : vector<16xi32>
        %parallel_loop3A_671 = arith.constant 3072 : i32
        %parallel_loop3A_672 = arith.addi %parallel_loop3A_671, %parallel_loop3A_547 : i32
        %parallel_loop3A_673 = arith.index_cast %parallel_loop3A_672 : i32 to index
        %parallel_loop3A_674 = tpu.vector_load %arg13[%parallel_loop3A_673] {strides = array<i32>} : memref<4096xi32, #tpu.memory_space<vmem>>, vector<16xi32>,
        tpu.vector_store %arg13[%parallel_loop3A_673], %parallel_loop3A_670 {strides = array<i32>} : memref<4096xi32, #tpu.memory_space<vmem>>, vector<16xi32>,
        %parallel_loop3A_675 = arith.addi %parallel_loop3A_620, %parallel_loop3A_632 : vector<16xi32>
        %parallel_loop3A_676 = arith.addi %parallel_loop3A_675, %parallel_loop3A_608 : vector<16xi32>
        %parallel_loop3A_677 = arith.constant 3584 : i32
        %parallel_loop3A_678 = arith.addi %parallel_loop3A_677, %parallel_loop3A_547 : i32
        %parallel_loop3A_679 = arith.index_cast %parallel_loop3A_678 : i32 to index
        %parallel_loop3A_680 = tpu.vector_load %arg13[%parallel_loop3A_679] {strides = array<i32>} : memref<4096xi32, #tpu.memory_space<vmem>>, vector<16xi32>,
        tpu.vector_store %arg13[%parallel_loop3A_679], %parallel_loop3A_676 {strides = array<i32>} : memref<4096xi32, #tpu.memory_space<vmem>>, vector<16xi32>,
      } {sc.loop_unroll_factor = 4 : i64, sc.parallel_access}
      %dma_start3A = arith.constant 0 : i32
      %dma_start3A_27 = arith.constant 0 : i32
      %dma_start3A_28 = tpu.memref_slice %arg14[%dma_start3A, %dma_start3A_27] : memref<4096x8xf32, #tpu.memory_space<vmem>> -> memref<128x8xf32, #tpu.memory_space<vmem>>
      %dma_start3A_29 = arith.constant 0 : i32
      %dma_start3A_30 = tpu.memref_slice %arg13[%dma_start3A_29] : memref<4096xi32, #tpu.memory_space<vmem>> -> memref<128xi32, #tpu.memory_space<vmem>>
      %dma_start3A_31 = arith.constant 0 : i32
      %dma_start3A_32 = arith.constant 0 : i32
      %dma_start3A_33 = tpu.memref_slice %arg3[%dma_start3A_31, %dma_start3A_32] : memref<2097152x8xf32, #tpu.memory_space<hbm>> -> memref<2097152x8xf32, #tpu.memory_space<hbm>>
      tpu.enqueue_indirect_dma source(%dma_start3A_33 : memref<2097152x8xf32, #tpu.memory_space<hbm>>) target(%dma_start3A_28 : memref<128x8xf32, #tpu.memory_space<vmem>>) offsets(%dma_start3A_30 : memref<128xi32, #tpu.memory_space<vmem>>) semaphore(%arg9 : memref<!tpu.dma_semaphore, #tpu.memory_space<semaphore_mem>>)
      %dma_start3A_34 = arith.constant 128 : i32
      %dma_start3A_35 = arith.constant 0 : i32
      %dma_start3A_36 = tpu.memref_slice %arg14[%dma_start3A_34, %dma_start3A_35] : memref<4096x8xf32, #tpu.memory_space<vmem>> -> memref<128x8xf32, #tpu.memory_space<vmem>>
      %dma_start3A_37 = arith.constant 128 : i32
      %dma_start3A_38 = tpu.memref_slice %arg13[%dma_start3A_37] : memref<4096xi32, #tpu.memory_space<vmem>> -> memref<128xi32, #tpu.memory_space<vmem>>
      %dma_start3A_39 = arith.constant 0 : i32
      %dma_start3A_40 = arith.constant 0 : i32
      %dma_start3A_41 = tpu.memref_slice %arg3[%dma_start3A_39, %dma_start3A_40] : memref<2097152x8xf32, #tpu.memory_space<hbm>> -> memref<2097152x8xf32, #tpu.memory_space<hbm>>
      tpu.enqueue_indirect_dma source(%dma_start3A_41 : memref<2097152x8xf32, #tpu.memory_space<hbm>>) target(%dma_start3A_36 : memref<128x8xf32, #tpu.memory_space<vmem>>) offsets(%dma_start3A_38 : memref<128xi32, #tpu.memory_space<vmem>>) semaphore(%arg9 : memref<!tpu.dma_semaphore, #tpu.memory_space<semaphore_mem>>)
      %dma_start3A_42 = arith.constant 256 : i32
      %dma_start3A_43 = arith.constant 0 : i32
      %dma_start3A_44 = tpu.memref_slice %arg14[%dma_start3A_42, %dma_start3A_43] : memref<4096x8xf32, #tpu.memory_space<vmem>> -> memref<128x8xf32, #tpu.memory_space<vmem>>
      %dma_start3A_45 = arith.constant 256 : i32
      %dma_start3A_46 = tpu.memref_slice %arg13[%dma_start3A_45] : memref<4096xi32, #tpu.memory_space<vmem>> -> memref<128xi32, #tpu.memory_space<vmem>>
      %dma_start3A_47 = arith.constant 0 : i32
      %dma_start3A_48 = arith.constant 0 : i32
      %dma_start3A_49 = tpu.memref_slice %arg3[%dma_start3A_47, %dma_start3A_48] : memref<2097152x8xf32, #tpu.memory_space<hbm>> -> memref<2097152x8xf32, #tpu.memory_space<hbm>>
      tpu.enqueue_indirect_dma source(%dma_start3A_49 : memref<2097152x8xf32, #tpu.memory_space<hbm>>) target(%dma_start3A_44 : memref<128x8xf32, #tpu.memory_space<vmem>>) offsets(%dma_start3A_46 : memref<128xi32, #tpu.memory_space<vmem>>) semaphore(%arg9 : memref<!tpu.dma_semaphore, #tpu.memory_space<semaphore_mem>>)
      %dma_start3A_50 = arith.constant 384 : i32
      %dma_start3A_51 = arith.constant 0 : i32
      %dma_start3A_52 = tpu.memref_slice %arg14[%dma_start3A_50, %dma_start3A_51] : memref<4096x8xf32, #tpu.memory_space<vmem>> -> memref<128x8xf32, #tpu.memory_space<vmem>>
      %dma_start3A_53 = arith.constant 384 : i32
      %dma_start3A_54 = tpu.memref_slice %arg13[%dma_start3A_53] : memref<4096xi32, #tpu.memory_space<vmem>> -> memref<128xi32, #tpu.memory_space<vmem>>
      %dma_start3A_55 = arith.constant 0 : i32
      %dma_start3A_56 = arith.constant 0 : i32
      %dma_start3A_57 = tpu.memref_slice %arg3[%dma_start3A_55, %dma_start3A_56] : memref<2097152x8xf32, #tpu.memory_space<hbm>> -> memref<2097152x8xf32, #tpu.memory_space<hbm>>
      tpu.enqueue_indirect_dma source(%dma_start3A_57 : memref<2097152x8xf32, #tpu.memory_space<hbm>>) target(%dma_start3A_52 : memref<128x8xf32, #tpu.memory_space<vmem>>) offsets(%dma_start3A_54 : memref<128xi32, #tpu.memory_space<vmem>>) semaphore(%arg9 : memref<!tpu.dma_semaphore, #tpu.memory_space<semaphore_mem>>)
      %dma_start3A_58 = arith.constant 512 : i32
      %dma_start3A_59 = arith.constant 0 : i32
      %dma_start3A_60 = tpu.memref_slice %arg14[%dma_start3A_58, %dma_start3A_59] : memref<4096x8xf32, #tpu.memory_space<vmem>> -> memref<128x8xf32, #tpu.memory_space<vmem>>
      %dma_start3A_61 = arith.constant 512 : i32
      %dma_start3A_62 = tpu.memref_slice %arg13[%dma_start3A_61] : memref<4096xi32, #tpu.memory_space<vmem>> -> memref<128xi32, #tpu.memory_space<vmem>>
      %dma_start3A_63 = arith.constant 0 : i32
      %dma_start3A_64 = arith.constant 0 : i32
      %dma_start3A_65 = tpu.memref_slice %arg3[%dma_start3A_63, %dma_start3A_64] : memref<2097152x8xf32, #tpu.memory_space<hbm>> -> memref<2097152x8xf32, #tpu.memory_space<hbm>>
      tpu.enqueue_indirect_dma source(%dma_start3A_65 : memref<2097152x8xf32, #tpu.memory_space<hbm>>) target(%dma_start3A_60 : memref<128x8xf32, #tpu.memory_space<vmem>>) offsets(%dma_start3A_62 : memref<128xi32, #tpu.memory_space<vmem>>) semaphore(%arg9 : memref<!tpu.dma_semaphore, #tpu.memory_space<semaphore_mem>>)
      %dma_start3A_66 = arith.constant 640 : i32
      %dma_start3A_67 = arith.constant 0 : i32
      %dma_start3A_68 = tpu.memref_slice %arg14[%dma_start3A_66, %dma_start3A_67] : memref<4096x8xf32, #tpu.memory_space<vmem>> -> memref<128x8xf32, #tpu.memory_space<vmem>>
      %dma_start3A_69 = arith.constant 640 : i32
      %dma_start3A_70 = tpu.memref_slice %arg13[%dma_start3A_69] : memref<4096xi32, #tpu.memory_space<vmem>> -> memref<128xi32, #tpu.memory_space<vmem>>
      %dma_start3A_71 = arith.constant 0 : i32
      %dma_start3A_72 = arith.constant 0 : i32
      %dma_start3A_73 = tpu.memref_slice %arg3[%dma_start3A_71, %dma_start3A_72] : memref<2097152x8xf32, #tpu.memory_space<hbm>> -> memref<2097152x8xf32, #tpu.memory_space<hbm>>
      tpu.enqueue_indirect_dma source(%dma_start3A_73 : memref<2097152x8xf32, #tpu.memory_space<hbm>>) target(%dma_start3A_68 : memref<128x8xf32, #tpu.memory_space<vmem>>) offsets(%dma_start3A_70 : memref<128xi32, #tpu.memory_space<vmem>>) semaphore(%arg9 : memref<!tpu.dma_semaphore, #tpu.memory_space<semaphore_mem>>)
      %dma_start3A_74 = arith.constant 768 : i32
      %dma_start3A_75 = arith.constant 0 : i32
      %dma_start3A_76 = tpu.memref_slice %arg14[%dma_start3A_74, %dma_start3A_75] : memref<4096x8xf32, #tpu.memory_space<vmem>> -> memref<128x8xf32, #tpu.memory_space<vmem>>
      %dma_start3A_77 = arith.constant 768 : i32
      %dma_start3A_78 = tpu.memref_slice %arg13[%dma_start3A_77] : memref<4096xi32, #tpu.memory_space<vmem>> -> memref<128xi32, #tpu.memory_space<vmem>>
      %dma_start3A_79 = arith.constant 0 : i32
      %dma_start3A_80 = arith.constant 0 : i32
      %dma_start3A_81 = tpu.memref_slice %arg3[%dma_start3A_79, %dma_start3A_80] : memref<2097152x8xf32, #tpu.memory_space<hbm>> -> memref<2097152x8xf32, #tpu.memory_space<hbm>>
      tpu.enqueue_indirect_dma source(%dma_start3A_81 : memref<2097152x8xf32, #tpu.memory_space<hbm>>) target(%dma_start3A_76 : memref<128x8xf32, #tpu.memory_space<vmem>>) offsets(%dma_start3A_78 : memref<128xi32, #tpu.memory_space<vmem>>) semaphore(%arg9 : memref<!tpu.dma_semaphore, #tpu.memory_space<semaphore_mem>>)
      %dma_start3A_82 = arith.constant 896 : i32
      %dma_start3A_83 = arith.constant 0 : i32
      %dma_start3A_84 = tpu.memref_slice %arg14[%dma_start3A_82, %dma_start3A_83] : memref<4096x8xf32, #tpu.memory_space<vmem>> -> memref<128x8xf32, #tpu.memory_space<vmem>>
      %dma_start3A_85 = arith.constant 896 : i32
      %dma_start3A_86 = tpu.memref_slice %arg13[%dma_start3A_85] : memref<4096xi32, #tpu.memory_space<vmem>> -> memref<128xi32, #tpu.memory_space<vmem>>
      %dma_start3A_87 = arith.constant 0 : i32
      %dma_start3A_88 = arith.constant 0 : i32
      %dma_start3A_89 = tpu.memref_slice %arg3[%dma_start3A_87, %dma_start3A_88] : memref<2097152x8xf32, #tpu.memory_space<hbm>> -> memref<2097152x8xf32, #tpu.memory_space<hbm>>
      tpu.enqueue_indirect_dma source(%dma_start3A_89 : memref<2097152x8xf32, #tpu.memory_space<hbm>>) target(%dma_start3A_84 : memref<128x8xf32, #tpu.memory_space<vmem>>) offsets(%dma_start3A_86 : memref<128xi32, #tpu.memory_space<vmem>>) semaphore(%arg9 : memref<!tpu.dma_semaphore, #tpu.memory_space<semaphore_mem>>)
      %dma_start3A_90 = arith.constant 1024 : i32
      %dma_start3A_91 = arith.constant 0 : i32
      %dma_start3A_92 = tpu.memref_slice %arg14[%dma_start3A_90, %dma_start3A_91] : memref<4096x8xf32, #tpu.memory_space<vmem>> -> memref<128x8xf32, #tpu.memory_space<vmem>>
      %dma_start3A_93 = arith.constant 1024 : i32
      %dma_start3A_94 = tpu.memref_slice %arg13[%dma_start3A_93] : memref<4096xi32, #tpu.memory_space<vmem>> -> memref<128xi32, #tpu.memory_space<vmem>>
      %dma_start3A_95 = arith.constant 0 : i32
      %dma_start3A_96 = arith.constant 0 : i32
      %dma_start3A_97 = tpu.memref_slice %arg3[%dma_start3A_95, %dma_start3A_96] : memref<2097152x8xf32, #tpu.memory_space<hbm>> -> memref<2097152x8xf32, #tpu.memory_space<hbm>>
      tpu.enqueue_indirect_dma source(%dma_start3A_97 : memref<2097152x8xf32, #tpu.memory_space<hbm>>) target(%dma_start3A_92 : memref<128x8xf32, #tpu.memory_space<vmem>>) offsets(%dma_start3A_94 : memref<128xi32, #tpu.memory_space<vmem>>) semaphore(%arg9 : memref<!tpu.dma_semaphore, #tpu.memory_space<semaphore_mem>>)
      %dma_start3A_98 = arith.constant 1152 : i32
      %dma_start3A_99 = arith.constant 0 : i32
      %dma_start3A_100 = tpu.memref_slice %arg14[%dma_start3A_98, %dma_start3A_99] : memref<4096x8xf32, #tpu.memory_space<vmem>> -> memref<128x8xf32, #tpu.memory_space<vmem>>
      %dma_start3A_101 = arith.constant 1152 : i32
      %dma_start3A_102 = tpu.memref_slice %arg13[%dma_start3A_101] : memref<4096xi32, #tpu.memory_space<vmem>> -> memref<128xi32, #tpu.memory_space<vmem>>
      %dma_start3A_103 = arith.constant 0 : i32
      %dma_start3A_104 = arith.constant 0 : i32
      %dma_start3A_105 = tpu.memref_slice %arg3[%dma_start3A_103, %dma_start3A_104] : memref<2097152x8xf32, #tpu.memory_space<hbm>> -> memref<2097152x8xf32, #tpu.memory_space<hbm>>
      tpu.enqueue_indirect_dma source(%dma_start3A_105 : memref<2097152x8xf32, #tpu.memory_space<hbm>>) target(%dma_start3A_100 : memref<128x8xf32, #tpu.memory_space<vmem>>) offsets(%dma_start3A_102 : memref<128xi32, #tpu.memory_space<vmem>>) semaphore(%arg9 : memref<!tpu.dma_semaphore, #tpu.memory_space<semaphore_mem>>)
      %dma_start3A_106 = arith.constant 1280 : i32
      %dma_start3A_107 = arith.constant 0 : i32
      %dma_start3A_108 = tpu.memref_slice %arg14[%dma_start3A_106, %dma_start3A_107] : memref<4096x8xf32, #tpu.memory_space<vmem>> -> memref<128x8xf32, #tpu.memory_space<vmem>>
      %dma_start3A_109 = arith.constant 1280 : i32
      %dma_start3A_110 = tpu.memref_slice %arg13[%dma_start3A_109] : memref<4096xi32, #tpu.memory_space<vmem>> -> memref<128xi32, #tpu.memory_space<vmem>>
      %dma_start3A_111 = arith.constant 0 : i32
      %dma_start3A_112 = arith.constant 0 : i32
      %dma_start3A_113 = tpu.memref_slice %arg3[%dma_start3A_111, %dma_start3A_112] : memref<2097152x8xf32, #tpu.memory_space<hbm>> -> memref<2097152x8xf32, #tpu.memory_space<hbm>>
      tpu.enqueue_indirect_dma source(%dma_start3A_113 : memref<2097152x8xf32, #tpu.memory_space<hbm>>) target(%dma_start3A_108 : memref<128x8xf32, #tpu.memory_space<vmem>>) offsets(%dma_start3A_110 : memref<128xi32, #tpu.memory_space<vmem>>) semaphore(%arg9 : memref<!tpu.dma_semaphore, #tpu.memory_space<semaphore_mem>>)
      %dma_start3A_114 = arith.constant 1408 : i32
      %dma_start3A_115 = arith.constant 0 : i32
      %dma_start3A_116 = tpu.memref_slice %arg14[%dma_start3A_114, %dma_start3A_115] : memref<4096x8xf32, #tpu.memory_space<vmem>> -> memref<128x8xf32, #tpu.memory_space<vmem>>
      %dma_start3A_117 = arith.constant 1408 : i32
      %dma_start3A_118 = tpu.memref_slice %arg13[%dma_start3A_117] : memref<4096xi32, #tpu.memory_space<vmem>> -> memref<128xi32, #tpu.memory_space<vmem>>
      %dma_start3A_119 = arith.constant 0 : i32
      %dma_start3A_120 = arith.constant 0 : i32
      %dma_start3A_121 = tpu.memref_slice %arg3[%dma_start3A_119, %dma_start3A_120] : memref<2097152x8xf32, #tpu.memory_space<hbm>> -> memref<2097152x8xf32, #tpu.memory_space<hbm>>
      tpu.enqueue_indirect_dma source(%dma_start3A_121 : memref<2097152x8xf32, #tpu.memory_space<hbm>>) target(%dma_start3A_116 : memref<128x8xf32, #tpu.memory_space<vmem>>) offsets(%dma_start3A_118 : memref<128xi32, #tpu.memory_space<vmem>>) semaphore(%arg9 : memref<!tpu.dma_semaphore, #tpu.memory_space<semaphore_mem>>)
      %dma_start3A_122 = arith.constant 1536 : i32
      %dma_start3A_123 = arith.constant 0 : i32
      %dma_start3A_124 = tpu.memref_slice %arg14[%dma_start3A_122, %dma_start3A_123] : memref<4096x8xf32, #tpu.memory_space<vmem>> -> memref<128x8xf32, #tpu.memory_space<vmem>>
      %dma_start3A_125 = arith.constant 1536 : i32
      %dma_start3A_126 = tpu.memref_slice %arg13[%dma_start3A_125] : memref<4096xi32, #tpu.memory_space<vmem>> -> memref<128xi32, #tpu.memory_space<vmem>>
      %dma_start3A_127 = arith.constant 0 : i32
      %dma_start3A_128 = arith.constant 0 : i32
      %dma_start3A_129 = tpu.memref_slice %arg3[%dma_start3A_127, %dma_start3A_128] : memref<2097152x8xf32, #tpu.memory_space<hbm>> -> memref<2097152x8xf32, #tpu.memory_space<hbm>>
      tpu.enqueue_indirect_dma source(%dma_start3A_129 : memref<2097152x8xf32, #tpu.memory_space<hbm>>) target(%dma_start3A_124 : memref<128x8xf32, #tpu.memory_space<vmem>>) offsets(%dma_start3A_126 : memref<128xi32, #tpu.memory_space<vmem>>) semaphore(%arg9 : memref<!tpu.dma_semaphore, #tpu.memory_space<semaphore_mem>>)
      %dma_start3A_130 = arith.constant 1664 : i32
      %dma_start3A_131 = arith.constant 0 : i32
      %dma_start3A_132 = tpu.memref_slice %arg14[%dma_start3A_130, %dma_start3A_131] : memref<4096x8xf32, #tpu.memory_space<vmem>> -> memref<128x8xf32, #tpu.memory_space<vmem>>
      %dma_start3A_133 = arith.constant 1664 : i32
      %dma_start3A_134 = tpu.memref_slice %arg13[%dma_start3A_133] : memref<4096xi32, #tpu.memory_space<vmem>> -> memref<128xi32, #tpu.memory_space<vmem>>
      %dma_start3A_135 = arith.constant 0 : i32
      %dma_start3A_136 = arith.constant 0 : i32
      %dma_start3A_137 = tpu.memref_slice %arg3[%dma_start3A_135, %dma_start3A_136] : memref<2097152x8xf32, #tpu.memory_space<hbm>> -> memref<2097152x8xf32, #tpu.memory_space<hbm>>
      tpu.enqueue_indirect_dma source(%dma_start3A_137 : memref<2097152x8xf32, #tpu.memory_space<hbm>>) target(%dma_start3A_132 : memref<128x8xf32, #tpu.memory_space<vmem>>) offsets(%dma_start3A_134 : memref<128xi32, #tpu.memory_space<vmem>>) semaphore(%arg9 : memref<!tpu.dma_semaphore, #tpu.memory_space<semaphore_mem>>)
      %dma_start3A_138 = arith.constant 1792 : i32
      %dma_start3A_139 = arith.constant 0 : i32
      %dma_start3A_140 = tpu.memref_slice %arg14[%dma_start3A_138, %dma_start3A_139] : memref<4096x8xf32, #tpu.memory_space<vmem>> -> memref<128x8xf32, #tpu.memory_space<vmem>>
      %dma_start3A_141 = arith.constant 1792 : i32
      %dma_start3A_142 = tpu.memref_slice %arg13[%dma_start3A_141] : memref<4096xi32, #tpu.memory_space<vmem>> -> memref<128xi32, #tpu.memory_space<vmem>>
      %dma_start3A_143 = arith.constant 0 : i32
      %dma_start3A_144 = arith.constant 0 : i32
      %dma_start3A_145 = tpu.memref_slice %arg3[%dma_start3A_143, %dma_start3A_144] : memref<2097152x8xf32, #tpu.memory_space<hbm>> -> memref<2097152x8xf32, #tpu.memory_space<hbm>>
      tpu.enqueue_indirect_dma source(%dma_start3A_145 : memref<2097152x8xf32, #tpu.memory_space<hbm>>) target(%dma_start3A_140 : memref<128x8xf32, #tpu.memory_space<vmem>>) offsets(%dma_start3A_142 : memref<128xi32, #tpu.memory_space<vmem>>) semaphore(%arg9 : memref<!tpu.dma_semaphore, #tpu.memory_space<semaphore_mem>>)
      %dma_start3A_146 = arith.constant 1920 : i32
      %dma_start3A_147 = arith.constant 0 : i32
      %dma_start3A_148 = tpu.memref_slice %arg14[%dma_start3A_146, %dma_start3A_147] : memref<4096x8xf32, #tpu.memory_space<vmem>> -> memref<128x8xf32, #tpu.memory_space<vmem>>
      %dma_start3A_149 = arith.constant 1920 : i32
      %dma_start3A_150 = tpu.memref_slice %arg13[%dma_start3A_149] : memref<4096xi32, #tpu.memory_space<vmem>> -> memref<128xi32, #tpu.memory_space<vmem>>
      %dma_start3A_151 = arith.constant 0 : i32
      %dma_start3A_152 = arith.constant 0 : i32
      %dma_start3A_153 = tpu.memref_slice %arg3[%dma_start3A_151, %dma_start3A_152] : memref<2097152x8xf32, #tpu.memory_space<hbm>> -> memref<2097152x8xf32, #tpu.memory_space<hbm>>
      tpu.enqueue_indirect_dma source(%dma_start3A_153 : memref<2097152x8xf32, #tpu.memory_space<hbm>>) target(%dma_start3A_148 : memref<128x8xf32, #tpu.memory_space<vmem>>) offsets(%dma_start3A_150 : memref<128xi32, #tpu.memory_space<vmem>>) semaphore(%arg9 : memref<!tpu.dma_semaphore, #tpu.memory_space<semaphore_mem>>)
      %dma_start3A_154 = arith.constant 2048 : i32
      %dma_start3A_155 = arith.constant 0 : i32
      %dma_start3A_156 = tpu.memref_slice %arg14[%dma_start3A_154, %dma_start3A_155] : memref<4096x8xf32, #tpu.memory_space<vmem>> -> memref<128x8xf32, #tpu.memory_space<vmem>>
      %dma_start3A_157 = arith.constant 2048 : i32
      %dma_start3A_158 = tpu.memref_slice %arg13[%dma_start3A_157] : memref<4096xi32, #tpu.memory_space<vmem>> -> memref<128xi32, #tpu.memory_space<vmem>>
      %dma_start3A_159 = arith.constant 0 : i32
      %dma_start3A_160 = arith.constant 0 : i32
      %dma_start3A_161 = tpu.memref_slice %arg3[%dma_start3A_159, %dma_start3A_160] : memref<2097152x8xf32, #tpu.memory_space<hbm>> -> memref<2097152x8xf32, #tpu.memory_space<hbm>>
      tpu.enqueue_indirect_dma source(%dma_start3A_161 : memref<2097152x8xf32, #tpu.memory_space<hbm>>) target(%dma_start3A_156 : memref<128x8xf32, #tpu.memory_space<vmem>>) offsets(%dma_start3A_158 : memref<128xi32, #tpu.memory_space<vmem>>) semaphore(%arg9 : memref<!tpu.dma_semaphore, #tpu.memory_space<semaphore_mem>>)
      %dma_start3A_162 = arith.constant 2176 : i32
      %dma_start3A_163 = arith.constant 0 : i32
      %dma_start3A_164 = tpu.memref_slice %arg14[%dma_start3A_162, %dma_start3A_163] : memref<4096x8xf32, #tpu.memory_space<vmem>> -> memref<128x8xf32, #tpu.memory_space<vmem>>
      %dma_start3A_165 = arith.constant 2176 : i32
      %dma_start3A_166 = tpu.memref_slice %arg13[%dma_start3A_165] : memref<4096xi32, #tpu.memory_space<vmem>> -> memref<128xi32, #tpu.memory_space<vmem>>
      %dma_start3A_167 = arith.constant 0 : i32
      %dma_start3A_168 = arith.constant 0 : i32
      %dma_start3A_169 = tpu.memref_slice %arg3[%dma_start3A_167, %dma_start3A_168] : memref<2097152x8xf32, #tpu.memory_space<hbm>> -> memref<2097152x8xf32, #tpu.memory_space<hbm>>
      tpu.enqueue_indirect_dma source(%dma_start3A_169 : memref<2097152x8xf32, #tpu.memory_space<hbm>>) target(%dma_start3A_164 : memref<128x8xf32, #tpu.memory_space<vmem>>) offsets(%dma_start3A_166 : memref<128xi32, #tpu.memory_space<vmem>>) semaphore(%arg9 : memref<!tpu.dma_semaphore, #tpu.memory_space<semaphore_mem>>)
      %dma_start3A_170 = arith.constant 2304 : i32
      %dma_start3A_171 = arith.constant 0 : i32
      %dma_start3A_172 = tpu.memref_slice %arg14[%dma_start3A_170, %dma_start3A_171] : memref<4096x8xf32, #tpu.memory_space<vmem>> -> memref<128x8xf32, #tpu.memory_space<vmem>>
      %dma_start3A_173 = arith.constant 2304 : i32
      %dma_start3A_174 = tpu.memref_slice %arg13[%dma_start3A_173] : memref<4096xi32, #tpu.memory_space<vmem>> -> memref<128xi32, #tpu.memory_space<vmem>>
      %dma_start3A_175 = arith.constant 0 : i32
      %dma_start3A_176 = arith.constant 0 : i32
      %dma_start3A_177 = tpu.memref_slice %arg3[%dma_start3A_175, %dma_start3A_176] : memref<2097152x8xf32, #tpu.memory_space<hbm>> -> memref<2097152x8xf32, #tpu.memory_space<hbm>>
      tpu.enqueue_indirect_dma source(%dma_start3A_177 : memref<2097152x8xf32, #tpu.memory_space<hbm>>) target(%dma_start3A_172 : memref<128x8xf32, #tpu.memory_space<vmem>>) offsets(%dma_start3A_174 : memref<128xi32, #tpu.memory_space<vmem>>) semaphore(%arg9 : memref<!tpu.dma_semaphore, #tpu.memory_space<semaphore_mem>>)
      %dma_start3A_178 = arith.constant 2432 : i32
      %dma_start3A_179 = arith.constant 0 : i32
      %dma_start3A_180 = tpu.memref_slice %arg14[%dma_start3A_178, %dma_start3A_179] : memref<4096x8xf32, #tpu.memory_space<vmem>> -> memref<128x8xf32, #tpu.memory_space<vmem>>
      %dma_start3A_181 = arith.constant 2432 : i32
      %dma_start3A_182 = tpu.memref_slice %arg13[%dma_start3A_181] : memref<4096xi32, #tpu.memory_space<vmem>> -> memref<128xi32, #tpu.memory_space<vmem>>
      %dma_start3A_183 = arith.constant 0 : i32
      %dma_start3A_184 = arith.constant 0 : i32
      %dma_start3A_185 = tpu.memref_slice %arg3[%dma_start3A_183, %dma_start3A_184] : memref<2097152x8xf32, #tpu.memory_space<hbm>> -> memref<2097152x8xf32, #tpu.memory_space<hbm>>
      tpu.enqueue_indirect_dma source(%dma_start3A_185 : memref<2097152x8xf32, #tpu.memory_space<hbm>>) target(%dma_start3A_180 : memref<128x8xf32, #tpu.memory_space<vmem>>) offsets(%dma_start3A_182 : memref<128xi32, #tpu.memory_space<vmem>>) semaphore(%arg9 : memref<!tpu.dma_semaphore, #tpu.memory_space<semaphore_mem>>)
      %dma_start3A_186 = arith.constant 2560 : i32
      %dma_start3A_187 = arith.constant 0 : i32
      %dma_start3A_188 = tpu.memref_slice %arg14[%dma_start3A_186, %dma_start3A_187] : memref<4096x8xf32, #tpu.memory_space<vmem>> -> memref<128x8xf32, #tpu.memory_space<vmem>>
      %dma_start3A_189 = arith.constant 2560 : i32
      %dma_start3A_190 = tpu.memref_slice %arg13[%dma_start3A_189] : memref<4096xi32, #tpu.memory_space<vmem>> -> memref<128xi32, #tpu.memory_space<vmem>>
      %dma_start3A_191 = arith.constant 0 : i32
      %dma_start3A_192 = arith.constant 0 : i32
      %dma_start3A_193 = tpu.memref_slice %arg3[%dma_start3A_191, %dma_start3A_192] : memref<2097152x8xf32, #tpu.memory_space<hbm>> -> memref<2097152x8xf32, #tpu.memory_space<hbm>>
      tpu.enqueue_indirect_dma source(%dma_start3A_193 : memref<2097152x8xf32, #tpu.memory_space<hbm>>) target(%dma_start3A_188 : memref<128x8xf32, #tpu.memory_space<vmem>>) offsets(%dma_start3A_190 : memref<128xi32, #tpu.memory_space<vmem>>) semaphore(%arg9 : memref<!tpu.dma_semaphore, #tpu.memory_space<semaphore_mem>>)
      %dma_start3A_194 = arith.constant 2688 : i32
      %dma_start3A_195 = arith.constant 0 : i32
      %dma_start3A_196 = tpu.memref_slice %arg14[%dma_start3A_194, %dma_start3A_195] : memref<4096x8xf32, #tpu.memory_space<vmem>> -> memref<128x8xf32, #tpu.memory_space<vmem>>
      %dma_start3A_197 = arith.constant 2688 : i32
      %dma_start3A_198 = tpu.memref_slice %arg13[%dma_start3A_197] : memref<4096xi32, #tpu.memory_space<vmem>> -> memref<128xi32, #tpu.memory_space<vmem>>
      %dma_start3A_199 = arith.constant 0 : i32
      %dma_start3A_200 = arith.constant 0 : i32
      %dma_start3A_201 = tpu.memref_slice %arg3[%dma_start3A_199, %dma_start3A_200] : memref<2097152x8xf32, #tpu.memory_space<hbm>> -> memref<2097152x8xf32, #tpu.memory_space<hbm>>
      tpu.enqueue_indirect_dma source(%dma_start3A_201 : memref<2097152x8xf32, #tpu.memory_space<hbm>>) target(%dma_start3A_196 : memref<128x8xf32, #tpu.memory_space<vmem>>) offsets(%dma_start3A_198 : memref<128xi32, #tpu.memory_space<vmem>>) semaphore(%arg9 : memref<!tpu.dma_semaphore, #tpu.memory_space<semaphore_mem>>)
      %dma_start3A_202 = arith.constant 2816 : i32
      %dma_start3A_203 = arith.constant 0 : i32
      %dma_start3A_204 = tpu.memref_slice %arg14[%dma_start3A_202, %dma_start3A_203] : memref<4096x8xf32, #tpu.memory_space<vmem>> -> memref<128x8xf32, #tpu.memory_space<vmem>>
      %dma_start3A_205 = arith.constant 2816 : i32
      %dma_start3A_206 = tpu.memref_slice %arg13[%dma_start3A_205] : memref<4096xi32, #tpu.memory_space<vmem>> -> memref<128xi32, #tpu.memory_space<vmem>>
      %dma_start3A_207 = arith.constant 0 : i32
      %dma_start3A_208 = arith.constant 0 : i32
      %dma_start3A_209 = tpu.memref_slice %arg3[%dma_start3A_207, %dma_start3A_208] : memref<2097152x8xf32, #tpu.memory_space<hbm>> -> memref<2097152x8xf32, #tpu.memory_space<hbm>>
      tpu.enqueue_indirect_dma source(%dma_start3A_209 : memref<2097152x8xf32, #tpu.memory_space<hbm>>) target(%dma_start3A_204 : memref<128x8xf32, #tpu.memory_space<vmem>>) offsets(%dma_start3A_206 : memref<128xi32, #tpu.memory_space<vmem>>) semaphore(%arg9 : memref<!tpu.dma_semaphore, #tpu.memory_space<semaphore_mem>>)
      %dma_start3A_210 = arith.constant 2944 : i32
      %dma_start3A_211 = arith.constant 0 : i32
      %dma_start3A_212 = tpu.memref_slice %arg14[%dma_start3A_210, %dma_start3A_211] : memref<4096x8xf32, #tpu.memory_space<vmem>> -> memref<128x8xf32, #tpu.memory_space<vmem>>
      %dma_start3A_213 = arith.constant 2944 : i32
      %dma_start3A_214 = tpu.memref_slice %arg13[%dma_start3A_213] : memref<4096xi32, #tpu.memory_space<vmem>> -> memref<128xi32, #tpu.memory_space<vmem>>
      %dma_start3A_215 = arith.constant 0 : i32
      %dma_start3A_216 = arith.constant 0 : i32
      %dma_start3A_217 = tpu.memref_slice %arg3[%dma_start3A_215, %dma_start3A_216] : memref<2097152x8xf32, #tpu.memory_space<hbm>> -> memref<2097152x8xf32, #tpu.memory_space<hbm>>
      tpu.enqueue_indirect_dma source(%dma_start3A_217 : memref<2097152x8xf32, #tpu.memory_space<hbm>>) target(%dma_start3A_212 : memref<128x8xf32, #tpu.memory_space<vmem>>) offsets(%dma_start3A_214 : memref<128xi32, #tpu.memory_space<vmem>>) semaphore(%arg9 : memref<!tpu.dma_semaphore, #tpu.memory_space<semaphore_mem>>)
      %dma_start3A_218 = arith.constant 3072 : i32
      %dma_start3A_219 = arith.constant 0 : i32
      %dma_start3A_220 = tpu.memref_slice %arg14[%dma_start3A_218, %dma_start3A_219] : memref<4096x8xf32, #tpu.memory_space<vmem>> -> memref<128x8xf32, #tpu.memory_space<vmem>>
      %dma_start3A_221 = arith.constant 3072 : i32
      %dma_start3A_222 = tpu.memref_slice %arg13[%dma_start3A_221] : memref<4096xi32, #tpu.memory_space<vmem>> -> memref<128xi32, #tpu.memory_space<vmem>>
      %dma_start3A_223 = arith.constant 0 : i32
      %dma_start3A_224 = arith.constant 0 : i32
      %dma_start3A_225 = tpu.memref_slice %arg3[%dma_start3A_223, %dma_start3A_224] : memref<2097152x8xf32, #tpu.memory_space<hbm>> -> memref<2097152x8xf32, #tpu.memory_space<hbm>>
      tpu.enqueue_indirect_dma source(%dma_start3A_225 : memref<2097152x8xf32, #tpu.memory_space<hbm>>) target(%dma_start3A_220 : memref<128x8xf32, #tpu.memory_space<vmem>>) offsets(%dma_start3A_222 : memref<128xi32, #tpu.memory_space<vmem>>) semaphore(%arg9 : memref<!tpu.dma_semaphore, #tpu.memory_space<semaphore_mem>>)
      %dma_start3A_226 = arith.constant 3200 : i32
      %dma_start3A_227 = arith.constant 0 : i32
      %dma_start3A_228 = tpu.memref_slice %arg14[%dma_start3A_226, %dma_start3A_227] : memref<4096x8xf32, #tpu.memory_space<vmem>> -> memref<128x8xf32, #tpu.memory_space<vmem>>
      %dma_start3A_229 = arith.constant 3200 : i32
      %dma_start3A_230 = tpu.memref_slice %arg13[%dma_start3A_229] : memref<4096xi32, #tpu.memory_space<vmem>> -> memref<128xi32, #tpu.memory_space<vmem>>
      %dma_start3A_231 = arith.constant 0 : i32
      %dma_start3A_232 = arith.constant 0 : i32
      %dma_start3A_233 = tpu.memref_slice %arg3[%dma_start3A_231, %dma_start3A_232] : memref<2097152x8xf32, #tpu.memory_space<hbm>> -> memref<2097152x8xf32, #tpu.memory_space<hbm>>
      tpu.enqueue_indirect_dma source(%dma_start3A_233 : memref<2097152x8xf32, #tpu.memory_space<hbm>>) target(%dma_start3A_228 : memref<128x8xf32, #tpu.memory_space<vmem>>) offsets(%dma_start3A_230 : memref<128xi32, #tpu.memory_space<vmem>>) semaphore(%arg9 : memref<!tpu.dma_semaphore, #tpu.memory_space<semaphore_mem>>)
      %dma_start3A_234 = arith.constant 3328 : i32
      %dma_start3A_235 = arith.constant 0 : i32
      %dma_start3A_236 = tpu.memref_slice %arg14[%dma_start3A_234, %dma_start3A_235] : memref<4096x8xf32, #tpu.memory_space<vmem>> -> memref<128x8xf32, #tpu.memory_space<vmem>>
      %dma_start3A_237 = arith.constant 3328 : i32
      %dma_start3A_238 = tpu.memref_slice %arg13[%dma_start3A_237] : memref<4096xi32, #tpu.memory_space<vmem>> -> memref<128xi32, #tpu.memory_space<vmem>>
      %dma_start3A_239 = arith.constant 0 : i32
      %dma_start3A_240 = arith.constant 0 : i32
      %dma_start3A_241 = tpu.memref_slice %arg3[%dma_start3A_239, %dma_start3A_240] : memref<2097152x8xf32, #tpu.memory_space<hbm>> -> memref<2097152x8xf32, #tpu.memory_space<hbm>>
      tpu.enqueue_indirect_dma source(%dma_start3A_241 : memref<2097152x8xf32, #tpu.memory_space<hbm>>) target(%dma_start3A_236 : memref<128x8xf32, #tpu.memory_space<vmem>>) offsets(%dma_start3A_238 : memref<128xi32, #tpu.memory_space<vmem>>) semaphore(%arg9 : memref<!tpu.dma_semaphore, #tpu.memory_space<semaphore_mem>>)
      %dma_start3A_242 = arith.constant 3456 : i32
      %dma_start3A_243 = arith.constant 0 : i32
      %dma_start3A_244 = tpu.memref_slice %arg14[%dma_start3A_242, %dma_start3A_243] : memref<4096x8xf32, #tpu.memory_space<vmem>> -> memref<128x8xf32, #tpu.memory_space<vmem>>
      %dma_start3A_245 = arith.constant 3456 : i32
      %dma_start3A_246 = tpu.memref_slice %arg13[%dma_start3A_245] : memref<4096xi32, #tpu.memory_space<vmem>> -> memref<128xi32, #tpu.memory_space<vmem>>
      %dma_start3A_247 = arith.constant 0 : i32
      %dma_start3A_248 = arith.constant 0 : i32
      %dma_start3A_249 = tpu.memref_slice %arg3[%dma_start3A_247, %dma_start3A_248] : memref<2097152x8xf32, #tpu.memory_space<hbm>> -> memref<2097152x8xf32, #tpu.memory_space<hbm>>
      tpu.enqueue_indirect_dma source(%dma_start3A_249 : memref<2097152x8xf32, #tpu.memory_space<hbm>>) target(%dma_start3A_244 : memref<128x8xf32, #tpu.memory_space<vmem>>) offsets(%dma_start3A_246 : memref<128xi32, #tpu.memory_space<vmem>>) semaphore(%arg9 : memref<!tpu.dma_semaphore, #tpu.memory_space<semaphore_mem>>)
      %dma_start3A_250 = arith.constant 3584 : i32
      %dma_start3A_251 = arith.constant 0 : i32
      %dma_start3A_252 = tpu.memref_slice %arg14[%dma_start3A_250, %dma_start3A_251] : memref<4096x8xf32, #tpu.memory_space<vmem>> -> memref<128x8xf32, #tpu.memory_space<vmem>>
      %dma_start3A_253 = arith.constant 3584 : i32
      %dma_start3A_254 = tpu.memref_slice %arg13[%dma_start3A_253] : memref<4096xi32, #tpu.memory_space<vmem>> -> memref<128xi32, #tpu.memory_space<vmem>>
      %dma_start3A_255 = arith.constant 0 : i32
      %dma_start3A_256 = arith.constant 0 : i32
      %dma_start3A_257 = tpu.memref_slice %arg3[%dma_start3A_255, %dma_start3A_256] : memref<2097152x8xf32, #tpu.memory_space<hbm>> -> memref<2097152x8xf32, #tpu.memory_space<hbm>>
      tpu.enqueue_indirect_dma source(%dma_start3A_257 : memref<2097152x8xf32, #tpu.memory_space<hbm>>) target(%dma_start3A_252 : memref<128x8xf32, #tpu.memory_space<vmem>>) offsets(%dma_start3A_254 : memref<128xi32, #tpu.memory_space<vmem>>) semaphore(%arg9 : memref<!tpu.dma_semaphore, #tpu.memory_space<semaphore_mem>>)
      %dma_start3A_258 = arith.constant 3712 : i32
      %dma_start3A_259 = arith.constant 0 : i32
      %dma_start3A_260 = tpu.memref_slice %arg14[%dma_start3A_258, %dma_start3A_259] : memref<4096x8xf32, #tpu.memory_space<vmem>> -> memref<128x8xf32, #tpu.memory_space<vmem>>
      %dma_start3A_261 = arith.constant 3712 : i32
      %dma_start3A_262 = tpu.memref_slice %arg13[%dma_start3A_261] : memref<4096xi32, #tpu.memory_space<vmem>> -> memref<128xi32, #tpu.memory_space<vmem>>
      %dma_start3A_263 = arith.constant 0 : i32
      %dma_start3A_264 = arith.constant 0 : i32
      %dma_start3A_265 = tpu.memref_slice %arg3[%dma_start3A_263, %dma_start3A_264] : memref<2097152x8xf32, #tpu.memory_space<hbm>> -> memref<2097152x8xf32, #tpu.memory_space<hbm>>
      tpu.enqueue_indirect_dma source(%dma_start3A_265 : memref<2097152x8xf32, #tpu.memory_space<hbm>>) target(%dma_start3A_260 : memref<128x8xf32, #tpu.memory_space<vmem>>) offsets(%dma_start3A_262 : memref<128xi32, #tpu.memory_space<vmem>>) semaphore(%arg9 : memref<!tpu.dma_semaphore, #tpu.memory_space<semaphore_mem>>)
      %dma_start3A_266 = arith.constant 3840 : i32
      %dma_start3A_267 = arith.constant 0 : i32
      %dma_start3A_268 = tpu.memref_slice %arg14[%dma_start3A_266, %dma_start3A_267] : memref<4096x8xf32, #tpu.memory_space<vmem>> -> memref<128x8xf32, #tpu.memory_space<vmem>>
      %dma_start3A_269 = arith.constant 3840 : i32
      %dma_start3A_270 = tpu.memref_slice %arg13[%dma_start3A_269] : memref<4096xi32, #tpu.memory_space<vmem>> -> memref<128xi32, #tpu.memory_space<vmem>>
      %dma_start3A_271 = arith.constant 0 : i32
      %dma_start3A_272 = arith.constant 0 : i32
      %dma_start3A_273 = tpu.memref_slice %arg3[%dma_start3A_271, %dma_start3A_272] : memref<2097152x8xf32, #tpu.memory_space<hbm>> -> memref<2097152x8xf32, #tpu.memory_space<hbm>>
      tpu.enqueue_indirect_dma source(%dma_start3A_273 : memref<2097152x8xf32, #tpu.memory_space<hbm>>) target(%dma_start3A_268 : memref<128x8xf32, #tpu.memory_space<vmem>>) offsets(%dma_start3A_270 : memref<128xi32, #tpu.memory_space<vmem>>) semaphore(%arg9 : memref<!tpu.dma_semaphore, #tpu.memory_space<semaphore_mem>>)
      %dma_start3A_274 = arith.constant 3968 : i32
      %dma_start3A_275 = arith.constant 0 : i32
      %dma_start3A_276 = tpu.memref_slice %arg14[%dma_start3A_274, %dma_start3A_275] : memref<4096x8xf32, #tpu.memory_space<vmem>> -> memref<128x8xf32, #tpu.memory_space<vmem>>
      %dma_start3A_277 = arith.constant 3968 : i32
      %dma_start3A_278 = tpu.memref_slice %arg13[%dma_start3A_277] : memref<4096xi32, #tpu.memory_space<vmem>> -> memref<128xi32, #tpu.memory_space<vmem>>
      %dma_start3A_279 = arith.constant 0 : i32
      %dma_start3A_280 = arith.constant 0 : i32
      %dma_start3A_281 = tpu.memref_slice %arg3[%dma_start3A_279, %dma_start3A_280] : memref<2097152x8xf32, #tpu.memory_space<hbm>> -> memref<2097152x8xf32, #tpu.memory_space<hbm>>
      tpu.enqueue_indirect_dma source(%dma_start3A_281 : memref<2097152x8xf32, #tpu.memory_space<hbm>>) target(%dma_start3A_276 : memref<128x8xf32, #tpu.memory_space<vmem>>) offsets(%dma_start3A_278 : memref<128xi32, #tpu.memory_space<vmem>>) semaphore(%arg9 : memref<!tpu.dma_semaphore, #tpu.memory_space<semaphore_mem>>)
      %dma_wait3A = arith.constant 0 : i32
      %dma_wait3A_282 = arith.constant 0 : i32
      %dma_wait3A_283 = tpu.memref_slice %arg14[%dma_wait3A, %dma_wait3A_282] : memref<4096x8xf32, #tpu.memory_space<vmem>> -> memref<128x8xf32, #tpu.memory_space<vmem>>
      %dma_wait3A_284 = arith.constant 0 : i32
      %dma_wait3A_285 = tpu.memref_slice %arg13[%dma_wait3A_284] : memref<4096xi32, #tpu.memory_space<vmem>> -> memref<128xi32, #tpu.memory_space<vmem>>
      %dma_wait3A_286 = arith.constant 0 : i32
      %dma_wait3A_287 = arith.constant 0 : i32
      %dma_wait3A_288 = tpu.memref_slice %arg3[%dma_wait3A_286, %dma_wait3A_287] : memref<2097152x8xf32, #tpu.memory_space<hbm>> -> memref<2097152x8xf32, #tpu.memory_space<hbm>>
      tpu.wait_indirect_dma semaphore(%arg9 : memref<!tpu.dma_semaphore, #tpu.memory_space<semaphore_mem>>) src(%dma_wait3A_288 : memref<2097152x8xf32, #tpu.memory_space<hbm>>) dst(%dma_wait3A_283 : memref<128x8xf32, #tpu.memory_space<vmem>>)
      %dma_wait3A_289 = arith.constant 128 : i32
      %dma_wait3A_290 = arith.constant 0 : i32
      %dma_wait3A_291 = tpu.memref_slice %arg14[%dma_wait3A_289, %dma_wait3A_290] : memref<4096x8xf32, #tpu.memory_space<vmem>> -> memref<128x8xf32, #tpu.memory_space<vmem>>
      %dma_wait3A_292 = arith.constant 128 : i32
      %dma_wait3A_293 = tpu.memref_slice %arg13[%dma_wait3A_292] : memref<4096xi32, #tpu.memory_space<vmem>> -> memref<128xi32, #tpu.memory_space<vmem>>
      %dma_wait3A_294 = arith.constant 0 : i32
      %dma_wait3A_295 = arith.constant 0 : i32
      %dma_wait3A_296 = tpu.memref_slice %arg3[%dma_wait3A_294, %dma_wait3A_295] : memref<2097152x8xf32, #tpu.memory_space<hbm>> -> memref<2097152x8xf32, #tpu.memory_space<hbm>>
      tpu.wait_indirect_dma semaphore(%arg9 : memref<!tpu.dma_semaphore, #tpu.memory_space<semaphore_mem>>) src(%dma_wait3A_296 : memref<2097152x8xf32, #tpu.memory_space<hbm>>) dst(%dma_wait3A_291 : memref<128x8xf32, #tpu.memory_space<vmem>>)
      %dma_wait3A_297 = arith.constant 256 : i32
      %dma_wait3A_298 = arith.constant 0 : i32
      %dma_wait3A_299 = tpu.memref_slice %arg14[%dma_wait3A_297, %dma_wait3A_298] : memref<4096x8xf32, #tpu.memory_space<vmem>> -> memref<128x8xf32, #tpu.memory_space<vmem>>
      %dma_wait3A_300 = arith.constant 256 : i32
      %dma_wait3A_301 = tpu.memref_slice %arg13[%dma_wait3A_300] : memref<4096xi32, #tpu.memory_space<vmem>> -> memref<128xi32, #tpu.memory_space<vmem>>
      %dma_wait3A_302 = arith.constant 0 : i32
      %dma_wait3A_303 = arith.constant 0 : i32
      %dma_wait3A_304 = tpu.memref_slice %arg3[%dma_wait3A_302, %dma_wait3A_303] : memref<2097152x8xf32, #tpu.memory_space<hbm>> -> memref<2097152x8xf32, #tpu.memory_space<hbm>>
      tpu.wait_indirect_dma semaphore(%arg9 : memref<!tpu.dma_semaphore, #tpu.memory_space<semaphore_mem>>) src(%dma_wait3A_304 : memref<2097152x8xf32, #tpu.memory_space<hbm>>) dst(%dma_wait3A_299 : memref<128x8xf32, #tpu.memory_space<vmem>>)
      %dma_wait3A_305 = arith.constant 384 : i32
      %dma_wait3A_306 = arith.constant 0 : i32
      %dma_wait3A_307 = tpu.memref_slice %arg14[%dma_wait3A_305, %dma_wait3A_306] : memref<4096x8xf32, #tpu.memory_space<vmem>> -> memref<128x8xf32, #tpu.memory_space<vmem>>
      %dma_wait3A_308 = arith.constant 384 : i32
      %dma_wait3A_309 = tpu.memref_slice %arg13[%dma_wait3A_308] : memref<4096xi32, #tpu.memory_space<vmem>> -> memref<128xi32, #tpu.memory_space<vmem>>
      %dma_wait3A_310 = arith.constant 0 : i32
      %dma_wait3A_311 = arith.constant 0 : i32
      %dma_wait3A_312 = tpu.memref_slice %arg3[%dma_wait3A_310, %dma_wait3A_311] : memref<2097152x8xf32, #tpu.memory_space<hbm>> -> memref<2097152x8xf32, #tpu.memory_space<hbm>>
      tpu.wait_indirect_dma semaphore(%arg9 : memref<!tpu.dma_semaphore, #tpu.memory_space<semaphore_mem>>) src(%dma_wait3A_312 : memref<2097152x8xf32, #tpu.memory_space<hbm>>) dst(%dma_wait3A_307 : memref<128x8xf32, #tpu.memory_space<vmem>>)
      %dma_wait3A_313 = arith.constant 512 : i32
      %dma_wait3A_314 = arith.constant 0 : i32
      %dma_wait3A_315 = tpu.memref_slice %arg14[%dma_wait3A_313, %dma_wait3A_314] : memref<4096x8xf32, #tpu.memory_space<vmem>> -> memref<128x8xf32, #tpu.memory_space<vmem>>
      %dma_wait3A_316 = arith.constant 512 : i32
      %dma_wait3A_317 = tpu.memref_slice %arg13[%dma_wait3A_316] : memref<4096xi32, #tpu.memory_space<vmem>> -> memref<128xi32, #tpu.memory_space<vmem>>
      %dma_wait3A_318 = arith.constant 0 : i32
      %dma_wait3A_319 = arith.constant 0 : i32
      %dma_wait3A_320 = tpu.memref_slice %arg3[%dma_wait3A_318, %dma_wait3A_319] : memref<2097152x8xf32, #tpu.memory_space<hbm>> -> memref<2097152x8xf32, #tpu.memory_space<hbm>>
      tpu.wait_indirect_dma semaphore(%arg9 : memref<!tpu.dma_semaphore, #tpu.memory_space<semaphore_mem>>) src(%dma_wait3A_320 : memref<2097152x8xf32, #tpu.memory_space<hbm>>) dst(%dma_wait3A_315 : memref<128x8xf32, #tpu.memory_space<vmem>>)
      %dma_wait3A_321 = arith.constant 640 : i32
      %dma_wait3A_322 = arith.constant 0 : i32
      %dma_wait3A_323 = tpu.memref_slice %arg14[%dma_wait3A_321, %dma_wait3A_322] : memref<4096x8xf32, #tpu.memory_space<vmem>> -> memref<128x8xf32, #tpu.memory_space<vmem>>
      %dma_wait3A_324 = arith.constant 640 : i32
      %dma_wait3A_325 = tpu.memref_slice %arg13[%dma_wait3A_324] : memref<4096xi32, #tpu.memory_space<vmem>> -> memref<128xi32, #tpu.memory_space<vmem>>
      %dma_wait3A_326 = arith.constant 0 : i32
      %dma_wait3A_327 = arith.constant 0 : i32
      %dma_wait3A_328 = tpu.memref_slice %arg3[%dma_wait3A_326, %dma_wait3A_327] : memref<2097152x8xf32, #tpu.memory_space<hbm>> -> memref<2097152x8xf32, #tpu.memory_space<hbm>>
      tpu.wait_indirect_dma semaphore(%arg9 : memref<!tpu.dma_semaphore, #tpu.memory_space<semaphore_mem>>) src(%dma_wait3A_328 : memref<2097152x8xf32, #tpu.memory_space<hbm>>) dst(%dma_wait3A_323 : memref<128x8xf32, #tpu.memory_space<vmem>>)
      %dma_wait3A_329 = arith.constant 768 : i32
      %dma_wait3A_330 = arith.constant 0 : i32
      %dma_wait3A_331 = tpu.memref_slice %arg14[%dma_wait3A_329, %dma_wait3A_330] : memref<4096x8xf32, #tpu.memory_space<vmem>> -> memref<128x8xf32, #tpu.memory_space<vmem>>
      %dma_wait3A_332 = arith.constant 768 : i32
      %dma_wait3A_333 = tpu.memref_slice %arg13[%dma_wait3A_332] : memref<4096xi32, #tpu.memory_space<vmem>> -> memref<128xi32, #tpu.memory_space<vmem>>
      %dma_wait3A_334 = arith.constant 0 : i32
      %dma_wait3A_335 = arith.constant 0 : i32
      %dma_wait3A_336 = tpu.memref_slice %arg3[%dma_wait3A_334, %dma_wait3A_335] : memref<2097152x8xf32, #tpu.memory_space<hbm>> -> memref<2097152x8xf32, #tpu.memory_space<hbm>>
      tpu.wait_indirect_dma semaphore(%arg9 : memref<!tpu.dma_semaphore, #tpu.memory_space<semaphore_mem>>) src(%dma_wait3A_336 : memref<2097152x8xf32, #tpu.memory_space<hbm>>) dst(%dma_wait3A_331 : memref<128x8xf32, #tpu.memory_space<vmem>>)
      %dma_wait3A_337 = arith.constant 896 : i32
      %dma_wait3A_338 = arith.constant 0 : i32
      %dma_wait3A_339 = tpu.memref_slice %arg14[%dma_wait3A_337, %dma_wait3A_338] : memref<4096x8xf32, #tpu.memory_space<vmem>> -> memref<128x8xf32, #tpu.memory_space<vmem>>
      %dma_wait3A_340 = arith.constant 896 : i32
      %dma_wait3A_341 = tpu.memref_slice %arg13[%dma_wait3A_340] : memref<4096xi32, #tpu.memory_space<vmem>> -> memref<128xi32, #tpu.memory_space<vmem>>
      %dma_wait3A_342 = arith.constant 0 : i32
      %dma_wait3A_343 = arith.constant 0 : i32
      %dma_wait3A_344 = tpu.memref_slice %arg3[%dma_wait3A_342, %dma_wait3A_343] : memref<2097152x8xf32, #tpu.memory_space<hbm>> -> memref<2097152x8xf32, #tpu.memory_space<hbm>>
      tpu.wait_indirect_dma semaphore(%arg9 : memref<!tpu.dma_semaphore, #tpu.memory_space<semaphore_mem>>) src(%dma_wait3A_344 : memref<2097152x8xf32, #tpu.memory_space<hbm>>) dst(%dma_wait3A_339 : memref<128x8xf32, #tpu.memory_space<vmem>>)
      %dma_wait3A_345 = arith.constant 1024 : i32
      %dma_wait3A_346 = arith.constant 0 : i32
      %dma_wait3A_347 = tpu.memref_slice %arg14[%dma_wait3A_345, %dma_wait3A_346] : memref<4096x8xf32, #tpu.memory_space<vmem>> -> memref<128x8xf32, #tpu.memory_space<vmem>>
      %dma_wait3A_348 = arith.constant 1024 : i32
      %dma_wait3A_349 = tpu.memref_slice %arg13[%dma_wait3A_348] : memref<4096xi32, #tpu.memory_space<vmem>> -> memref<128xi32, #tpu.memory_space<vmem>>
      %dma_wait3A_350 = arith.constant 0 : i32
      %dma_wait3A_351 = arith.constant 0 : i32
      %dma_wait3A_352 = tpu.memref_slice %arg3[%dma_wait3A_350, %dma_wait3A_351] : memref<2097152x8xf32, #tpu.memory_space<hbm>> -> memref<2097152x8xf32, #tpu.memory_space<hbm>>
      tpu.wait_indirect_dma semaphore(%arg9 : memref<!tpu.dma_semaphore, #tpu.memory_space<semaphore_mem>>) src(%dma_wait3A_352 : memref<2097152x8xf32, #tpu.memory_space<hbm>>) dst(%dma_wait3A_347 : memref<128x8xf32, #tpu.memory_space<vmem>>)
      %dma_wait3A_353 = arith.constant 1152 : i32
      %dma_wait3A_354 = arith.constant 0 : i32
      %dma_wait3A_355 = tpu.memref_slice %arg14[%dma_wait3A_353, %dma_wait3A_354] : memref<4096x8xf32, #tpu.memory_space<vmem>> -> memref<128x8xf32, #tpu.memory_space<vmem>>
      %dma_wait3A_356 = arith.constant 1152 : i32
      %dma_wait3A_357 = tpu.memref_slice %arg13[%dma_wait3A_356] : memref<4096xi32, #tpu.memory_space<vmem>> -> memref<128xi32, #tpu.memory_space<vmem>>
      %dma_wait3A_358 = arith.constant 0 : i32
      %dma_wait3A_359 = arith.constant 0 : i32
      %dma_wait3A_360 = tpu.memref_slice %arg3[%dma_wait3A_358, %dma_wait3A_359] : memref<2097152x8xf32, #tpu.memory_space<hbm>> -> memref<2097152x8xf32, #tpu.memory_space<hbm>>
      tpu.wait_indirect_dma semaphore(%arg9 : memref<!tpu.dma_semaphore, #tpu.memory_space<semaphore_mem>>) src(%dma_wait3A_360 : memref<2097152x8xf32, #tpu.memory_space<hbm>>) dst(%dma_wait3A_355 : memref<128x8xf32, #tpu.memory_space<vmem>>)
      %dma_wait3A_361 = arith.constant 1280 : i32
      %dma_wait3A_362 = arith.constant 0 : i32
      %dma_wait3A_363 = tpu.memref_slice %arg14[%dma_wait3A_361, %dma_wait3A_362] : memref<4096x8xf32, #tpu.memory_space<vmem>> -> memref<128x8xf32, #tpu.memory_space<vmem>>
      %dma_wait3A_364 = arith.constant 1280 : i32
      %dma_wait3A_365 = tpu.memref_slice %arg13[%dma_wait3A_364] : memref<4096xi32, #tpu.memory_space<vmem>> -> memref<128xi32, #tpu.memory_space<vmem>>
      %dma_wait3A_366 = arith.constant 0 : i32
      %dma_wait3A_367 = arith.constant 0 : i32
      %dma_wait3A_368 = tpu.memref_slice %arg3[%dma_wait3A_366, %dma_wait3A_367] : memref<2097152x8xf32, #tpu.memory_space<hbm>> -> memref<2097152x8xf32, #tpu.memory_space<hbm>>
      tpu.wait_indirect_dma semaphore(%arg9 : memref<!tpu.dma_semaphore, #tpu.memory_space<semaphore_mem>>) src(%dma_wait3A_368 : memref<2097152x8xf32, #tpu.memory_space<hbm>>) dst(%dma_wait3A_363 : memref<128x8xf32, #tpu.memory_space<vmem>>)
      %dma_wait3A_369 = arith.constant 1408 : i32
      %dma_wait3A_370 = arith.constant 0 : i32
      %dma_wait3A_371 = tpu.memref_slice %arg14[%dma_wait3A_369, %dma_wait3A_370] : memref<4096x8xf32, #tpu.memory_space<vmem>> -> memref<128x8xf32, #tpu.memory_space<vmem>>
      %dma_wait3A_372 = arith.constant 1408 : i32
      %dma_wait3A_373 = tpu.memref_slice %arg13[%dma_wait3A_372] : memref<4096xi32, #tpu.memory_space<vmem>> -> memref<128xi32, #tpu.memory_space<vmem>>
      %dma_wait3A_374 = arith.constant 0 : i32
      %dma_wait3A_375 = arith.constant 0 : i32
      %dma_wait3A_376 = tpu.memref_slice %arg3[%dma_wait3A_374, %dma_wait3A_375] : memref<2097152x8xf32, #tpu.memory_space<hbm>> -> memref<2097152x8xf32, #tpu.memory_space<hbm>>
      tpu.wait_indirect_dma semaphore(%arg9 : memref<!tpu.dma_semaphore, #tpu.memory_space<semaphore_mem>>) src(%dma_wait3A_376 : memref<2097152x8xf32, #tpu.memory_space<hbm>>) dst(%dma_wait3A_371 : memref<128x8xf32, #tpu.memory_space<vmem>>)
      %dma_wait3A_377 = arith.constant 1536 : i32
      %dma_wait3A_378 = arith.constant 0 : i32
      %dma_wait3A_379 = tpu.memref_slice %arg14[%dma_wait3A_377, %dma_wait3A_378] : memref<4096x8xf32, #tpu.memory_space<vmem>> -> memref<128x8xf32, #tpu.memory_space<vmem>>
      %dma_wait3A_380 = arith.constant 1536 : i32
      %dma_wait3A_381 = tpu.memref_slice %arg13[%dma_wait3A_380] : memref<4096xi32, #tpu.memory_space<vmem>> -> memref<128xi32, #tpu.memory_space<vmem>>
      %dma_wait3A_382 = arith.constant 0 : i32
      %dma_wait3A_383 = arith.constant 0 : i32
      %dma_wait3A_384 = tpu.memref_slice %arg3[%dma_wait3A_382, %dma_wait3A_383] : memref<2097152x8xf32, #tpu.memory_space<hbm>> -> memref<2097152x8xf32, #tpu.memory_space<hbm>>
      tpu.wait_indirect_dma semaphore(%arg9 : memref<!tpu.dma_semaphore, #tpu.memory_space<semaphore_mem>>) src(%dma_wait3A_384 : memref<2097152x8xf32, #tpu.memory_space<hbm>>) dst(%dma_wait3A_379 : memref<128x8xf32, #tpu.memory_space<vmem>>)
      %dma_wait3A_385 = arith.constant 1664 : i32
      %dma_wait3A_386 = arith.constant 0 : i32
      %dma_wait3A_387 = tpu.memref_slice %arg14[%dma_wait3A_385, %dma_wait3A_386] : memref<4096x8xf32, #tpu.memory_space<vmem>> -> memref<128x8xf32, #tpu.memory_space<vmem>>
      %dma_wait3A_388 = arith.constant 1664 : i32
      %dma_wait3A_389 = tpu.memref_slice %arg13[%dma_wait3A_388] : memref<4096xi32, #tpu.memory_space<vmem>> -> memref<128xi32, #tpu.memory_space<vmem>>
      %dma_wait3A_390 = arith.constant 0 : i32
      %dma_wait3A_391 = arith.constant 0 : i32
      %dma_wait3A_392 = tpu.memref_slice %arg3[%dma_wait3A_390, %dma_wait3A_391] : memref<2097152x8xf32, #tpu.memory_space<hbm>> -> memref<2097152x8xf32, #tpu.memory_space<hbm>>
      tpu.wait_indirect_dma semaphore(%arg9 : memref<!tpu.dma_semaphore, #tpu.memory_space<semaphore_mem>>) src(%dma_wait3A_392 : memref<2097152x8xf32, #tpu.memory_space<hbm>>) dst(%dma_wait3A_387 : memref<128x8xf32, #tpu.memory_space<vmem>>)
      %dma_wait3A_393 = arith.constant 1792 : i32
      %dma_wait3A_394 = arith.constant 0 : i32
      %dma_wait3A_395 = tpu.memref_slice %arg14[%dma_wait3A_393, %dma_wait3A_394] : memref<4096x8xf32, #tpu.memory_space<vmem>> -> memref<128x8xf32, #tpu.memory_space<vmem>>
      %dma_wait3A_396 = arith.constant 1792 : i32
      %dma_wait3A_397 = tpu.memref_slice %arg13[%dma_wait3A_396] : memref<4096xi32, #tpu.memory_space<vmem>> -> memref<128xi32, #tpu.memory_space<vmem>>
      %dma_wait3A_398 = arith.constant 0 : i32
      %dma_wait3A_399 = arith.constant 0 : i32
      %dma_wait3A_400 = tpu.memref_slice %arg3[%dma_wait3A_398, %dma_wait3A_399] : memref<2097152x8xf32, #tpu.memory_space<hbm>> -> memref<2097152x8xf32, #tpu.memory_space<hbm>>
      tpu.wait_indirect_dma semaphore(%arg9 : memref<!tpu.dma_semaphore, #tpu.memory_space<semaphore_mem>>) src(%dma_wait3A_400 : memref<2097152x8xf32, #tpu.memory_space<hbm>>) dst(%dma_wait3A_395 : memref<128x8xf32, #tpu.memory_space<vmem>>)
      %dma_wait3A_401 = arith.constant 1920 : i32
      %dma_wait3A_402 = arith.constant 0 : i32
      %dma_wait3A_403 = tpu.memref_slice %arg14[%dma_wait3A_401, %dma_wait3A_402] : memref<4096x8xf32, #tpu.memory_space<vmem>> -> memref<128x8xf32, #tpu.memory_space<vmem>>
      %dma_wait3A_404 = arith.constant 1920 : i32
      %dma_wait3A_405 = tpu.memref_slice %arg13[%dma_wait3A_404] : memref<4096xi32, #tpu.memory_space<vmem>> -> memref<128xi32, #tpu.memory_space<vmem>>
      %dma_wait3A_406 = arith.constant 0 : i32
      %dma_wait3A_407 = arith.constant 0 : i32
      %dma_wait3A_408 = tpu.memref_slice %arg3[%dma_wait3A_406, %dma_wait3A_407] : memref<2097152x8xf32, #tpu.memory_space<hbm>> -> memref<2097152x8xf32, #tpu.memory_space<hbm>>
      tpu.wait_indirect_dma semaphore(%arg9 : memref<!tpu.dma_semaphore, #tpu.memory_space<semaphore_mem>>) src(%dma_wait3A_408 : memref<2097152x8xf32, #tpu.memory_space<hbm>>) dst(%dma_wait3A_403 : memref<128x8xf32, #tpu.memory_space<vmem>>)
      %dma_wait3A_409 = arith.constant 2048 : i32
      %dma_wait3A_410 = arith.constant 0 : i32
      %dma_wait3A_411 = tpu.memref_slice %arg14[%dma_wait3A_409, %dma_wait3A_410] : memref<4096x8xf32, #tpu.memory_space<vmem>> -> memref<128x8xf32, #tpu.memory_space<vmem>>
      %dma_wait3A_412 = arith.constant 2048 : i32
      %dma_wait3A_413 = tpu.memref_slice %arg13[%dma_wait3A_412] : memref<4096xi32, #tpu.memory_space<vmem>> -> memref<128xi32, #tpu.memory_space<vmem>>
      %dma_wait3A_414 = arith.constant 0 : i32
      %dma_wait3A_415 = arith.constant 0 : i32
      %dma_wait3A_416 = tpu.memref_slice %arg3[%dma_wait3A_414, %dma_wait3A_415] : memref<2097152x8xf32, #tpu.memory_space<hbm>> -> memref<2097152x8xf32, #tpu.memory_space<hbm>>
      tpu.wait_indirect_dma semaphore(%arg9 : memref<!tpu.dma_semaphore, #tpu.memory_space<semaphore_mem>>) src(%dma_wait3A_416 : memref<2097152x8xf32, #tpu.memory_space<hbm>>) dst(%dma_wait3A_411 : memref<128x8xf32, #tpu.memory_space<vmem>>)
      %dma_wait3A_417 = arith.constant 2176 : i32
      %dma_wait3A_418 = arith.constant 0 : i32
      %dma_wait3A_419 = tpu.memref_slice %arg14[%dma_wait3A_417, %dma_wait3A_418] : memref<4096x8xf32, #tpu.memory_space<vmem>> -> memref<128x8xf32, #tpu.memory_space<vmem>>
      %dma_wait3A_420 = arith.constant 2176 : i32
      %dma_wait3A_421 = tpu.memref_slice %arg13[%dma_wait3A_420] : memref<4096xi32, #tpu.memory_space<vmem>> -> memref<128xi32, #tpu.memory_space<vmem>>
      %dma_wait3A_422 = arith.constant 0 : i32
      %dma_wait3A_423 = arith.constant 0 : i32
      %dma_wait3A_424 = tpu.memref_slice %arg3[%dma_wait3A_422, %dma_wait3A_423] : memref<2097152x8xf32, #tpu.memory_space<hbm>> -> memref<2097152x8xf32, #tpu.memory_space<hbm>>
      tpu.wait_indirect_dma semaphore(%arg9 : memref<!tpu.dma_semaphore, #tpu.memory_space<semaphore_mem>>) src(%dma_wait3A_424 : memref<2097152x8xf32, #tpu.memory_space<hbm>>) dst(%dma_wait3A_419 : memref<128x8xf32, #tpu.memory_space<vmem>>)
      %dma_wait3A_425 = arith.constant 2304 : i32
      %dma_wait3A_426 = arith.constant 0 : i32
      %dma_wait3A_427 = tpu.memref_slice %arg14[%dma_wait3A_425, %dma_wait3A_426] : memref<4096x8xf32, #tpu.memory_space<vmem>> -> memref<128x8xf32, #tpu.memory_space<vmem>>
      %dma_wait3A_428 = arith.constant 2304 : i32
      %dma_wait3A_429 = tpu.memref_slice %arg13[%dma_wait3A_428] : memref<4096xi32, #tpu.memory_space<vmem>> -> memref<128xi32, #tpu.memory_space<vmem>>
      %dma_wait3A_430 = arith.constant 0 : i32
      %dma_wait3A_431 = arith.constant 0 : i32
      %dma_wait3A_432 = tpu.memref_slice %arg3[%dma_wait3A_430, %dma_wait3A_431] : memref<2097152x8xf32, #tpu.memory_space<hbm>> -> memref<2097152x8xf32, #tpu.memory_space<hbm>>
      tpu.wait_indirect_dma semaphore(%arg9 : memref<!tpu.dma_semaphore, #tpu.memory_space<semaphore_mem>>) src(%dma_wait3A_432 : memref<2097152x8xf32, #tpu.memory_space<hbm>>) dst(%dma_wait3A_427 : memref<128x8xf32, #tpu.memory_space<vmem>>)
      %dma_wait3A_433 = arith.constant 2432 : i32
      %dma_wait3A_434 = arith.constant 0 : i32
      %dma_wait3A_435 = tpu.memref_slice %arg14[%dma_wait3A_433, %dma_wait3A_434] : memref<4096x8xf32, #tpu.memory_space<vmem>> -> memref<128x8xf32, #tpu.memory_space<vmem>>
      %dma_wait3A_436 = arith.constant 2432 : i32
      %dma_wait3A_437 = tpu.memref_slice %arg13[%dma_wait3A_436] : memref<4096xi32, #tpu.memory_space<vmem>> -> memref<128xi32, #tpu.memory_space<vmem>>
      %dma_wait3A_438 = arith.constant 0 : i32
      %dma_wait3A_439 = arith.constant 0 : i32
      %dma_wait3A_440 = tpu.memref_slice %arg3[%dma_wait3A_438, %dma_wait3A_439] : memref<2097152x8xf32, #tpu.memory_space<hbm>> -> memref<2097152x8xf32, #tpu.memory_space<hbm>>
      tpu.wait_indirect_dma semaphore(%arg9 : memref<!tpu.dma_semaphore, #tpu.memory_space<semaphore_mem>>) src(%dma_wait3A_440 : memref<2097152x8xf32, #tpu.memory_space<hbm>>) dst(%dma_wait3A_435 : memref<128x8xf32, #tpu.memory_space<vmem>>)
      %dma_wait3A_441 = arith.constant 2560 : i32
      %dma_wait3A_442 = arith.constant 0 : i32
      %dma_wait3A_443 = tpu.memref_slice %arg14[%dma_wait3A_441, %dma_wait3A_442] : memref<4096x8xf32, #tpu.memory_space<vmem>> -> memref<128x8xf32, #tpu.memory_space<vmem>>
      %dma_wait3A_444 = arith.constant 2560 : i32
      %dma_wait3A_445 = tpu.memref_slice %arg13[%dma_wait3A_444] : memref<4096xi32, #tpu.memory_space<vmem>> -> memref<128xi32, #tpu.memory_space<vmem>>
      %dma_wait3A_446 = arith.constant 0 : i32
      %dma_wait3A_447 = arith.constant 0 : i32
      %dma_wait3A_448 = tpu.memref_slice %arg3[%dma_wait3A_446, %dma_wait3A_447] : memref<2097152x8xf32, #tpu.memory_space<hbm>> -> memref<2097152x8xf32, #tpu.memory_space<hbm>>
      tpu.wait_indirect_dma semaphore(%arg9 : memref<!tpu.dma_semaphore, #tpu.memory_space<semaphore_mem>>) src(%dma_wait3A_448 : memref<2097152x8xf32, #tpu.memory_space<hbm>>) dst(%dma_wait3A_443 : memref<128x8xf32, #tpu.memory_space<vmem>>)
      %dma_wait3A_449 = arith.constant 2688 : i32
      %dma_wait3A_450 = arith.constant 0 : i32
      %dma_wait3A_451 = tpu.memref_slice %arg14[%dma_wait3A_449, %dma_wait3A_450] : memref<4096x8xf32, #tpu.memory_space<vmem>> -> memref<128x8xf32, #tpu.memory_space<vmem>>
      %dma_wait3A_452 = arith.constant 2688 : i32
      %dma_wait3A_453 = tpu.memref_slice %arg13[%dma_wait3A_452] : memref<4096xi32, #tpu.memory_space<vmem>> -> memref<128xi32, #tpu.memory_space<vmem>>
      %dma_wait3A_454 = arith.constant 0 : i32
      %dma_wait3A_455 = arith.constant 0 : i32
      %dma_wait3A_456 = tpu.memref_slice %arg3[%dma_wait3A_454, %dma_wait3A_455] : memref<2097152x8xf32, #tpu.memory_space<hbm>> -> memref<2097152x8xf32, #tpu.memory_space<hbm>>
      tpu.wait_indirect_dma semaphore(%arg9 : memref<!tpu.dma_semaphore, #tpu.memory_space<semaphore_mem>>) src(%dma_wait3A_456 : memref<2097152x8xf32, #tpu.memory_space<hbm>>) dst(%dma_wait3A_451 : memref<128x8xf32, #tpu.memory_space<vmem>>)
      %dma_wait3A_457 = arith.constant 2816 : i32
      %dma_wait3A_458 = arith.constant 0 : i32
      %dma_wait3A_459 = tpu.memref_slice %arg14[%dma_wait3A_457, %dma_wait3A_458] : memref<4096x8xf32, #tpu.memory_space<vmem>> -> memref<128x8xf32, #tpu.memory_space<vmem>>
      %dma_wait3A_460 = arith.constant 2816 : i32
      %dma_wait3A_461 = tpu.memref_slice %arg13[%dma_wait3A_460] : memref<4096xi32, #tpu.memory_space<vmem>> -> memref<128xi32, #tpu.memory_space<vmem>>
      %dma_wait3A_462 = arith.constant 0 : i32
      %dma_wait3A_463 = arith.constant 0 : i32
      %dma_wait3A_464 = tpu.memref_slice %arg3[%dma_wait3A_462, %dma_wait3A_463] : memref<2097152x8xf32, #tpu.memory_space<hbm>> -> memref<2097152x8xf32, #tpu.memory_space<hbm>>
      tpu.wait_indirect_dma semaphore(%arg9 : memref<!tpu.dma_semaphore, #tpu.memory_space<semaphore_mem>>) src(%dma_wait3A_464 : memref<2097152x8xf32, #tpu.memory_space<hbm>>) dst(%dma_wait3A_459 : memref<128x8xf32, #tpu.memory_space<vmem>>)
      %dma_wait3A_465 = arith.constant 2944 : i32
      %dma_wait3A_466 = arith.constant 0 : i32
      %dma_wait3A_467 = tpu.memref_slice %arg14[%dma_wait3A_465, %dma_wait3A_466] : memref<4096x8xf32, #tpu.memory_space<vmem>> -> memref<128x8xf32, #tpu.memory_space<vmem>>
      %dma_wait3A_468 = arith.constant 2944 : i32
      %dma_wait3A_469 = tpu.memref_slice %arg13[%dma_wait3A_468] : memref<4096xi32, #tpu.memory_space<vmem>> -> memref<128xi32, #tpu.memory_space<vmem>>
      %dma_wait3A_470 = arith.constant 0 : i32
      %dma_wait3A_471 = arith.constant 0 : i32
      %dma_wait3A_472 = tpu.memref_slice %arg3[%dma_wait3A_470, %dma_wait3A_471] : memref<2097152x8xf32, #tpu.memory_space<hbm>> -> memref<2097152x8xf32, #tpu.memory_space<hbm>>
      tpu.wait_indirect_dma semaphore(%arg9 : memref<!tpu.dma_semaphore, #tpu.memory_space<semaphore_mem>>) src(%dma_wait3A_472 : memref<2097152x8xf32, #tpu.memory_space<hbm>>) dst(%dma_wait3A_467 : memref<128x8xf32, #tpu.memory_space<vmem>>)
      %dma_wait3A_473 = arith.constant 3072 : i32
      %dma_wait3A_474 = arith.constant 0 : i32
      %dma_wait3A_475 = tpu.memref_slice %arg14[%dma_wait3A_473, %dma_wait3A_474] : memref<4096x8xf32, #tpu.memory_space<vmem>> -> memref<128x8xf32, #tpu.memory_space<vmem>>
      %dma_wait3A_476 = arith.constant 3072 : i32
      %dma_wait3A_477 = tpu.memref_slice %arg13[%dma_wait3A_476] : memref<4096xi32, #tpu.memory_space<vmem>> -> memref<128xi32, #tpu.memory_space<vmem>>
      %dma_wait3A_478 = arith.constant 0 : i32
      %dma_wait3A_479 = arith.constant 0 : i32
      %dma_wait3A_480 = tpu.memref_slice %arg3[%dma_wait3A_478, %dma_wait3A_479] : memref<2097152x8xf32, #tpu.memory_space<hbm>> -> memref<2097152x8xf32, #tpu.memory_space<hbm>>
      tpu.wait_indirect_dma semaphore(%arg9 : memref<!tpu.dma_semaphore, #tpu.memory_space<semaphore_mem>>) src(%dma_wait3A_480 : memref<2097152x8xf32, #tpu.memory_space<hbm>>) dst(%dma_wait3A_475 : memref<128x8xf32, #tpu.memory_space<vmem>>)
      %dma_wait3A_481 = arith.constant 3200 : i32
      %dma_wait3A_482 = arith.constant 0 : i32
      %dma_wait3A_483 = tpu.memref_slice %arg14[%dma_wait3A_481, %dma_wait3A_482] : memref<4096x8xf32, #tpu.memory_space<vmem>> -> memref<128x8xf32, #tpu.memory_space<vmem>>
      %dma_wait3A_484 = arith.constant 3200 : i32
      %dma_wait3A_485 = tpu.memref_slice %arg13[%dma_wait3A_484] : memref<4096xi32, #tpu.memory_space<vmem>> -> memref<128xi32, #tpu.memory_space<vmem>>
      %dma_wait3A_486 = arith.constant 0 : i32
      %dma_wait3A_487 = arith.constant 0 : i32
      %dma_wait3A_488 = tpu.memref_slice %arg3[%dma_wait3A_486, %dma_wait3A_487] : memref<2097152x8xf32, #tpu.memory_space<hbm>> -> memref<2097152x8xf32, #tpu.memory_space<hbm>>
      tpu.wait_indirect_dma semaphore(%arg9 : memref<!tpu.dma_semaphore, #tpu.memory_space<semaphore_mem>>) src(%dma_wait3A_488 : memref<2097152x8xf32, #tpu.memory_space<hbm>>) dst(%dma_wait3A_483 : memref<128x8xf32, #tpu.memory_space<vmem>>)
      %dma_wait3A_489 = arith.constant 3328 : i32
      %dma_wait3A_490 = arith.constant 0 : i32
      %dma_wait3A_491 = tpu.memref_slice %arg14[%dma_wait3A_489, %dma_wait3A_490] : memref<4096x8xf32, #tpu.memory_space<vmem>> -> memref<128x8xf32, #tpu.memory_space<vmem>>
      %dma_wait3A_492 = arith.constant 3328 : i32
      %dma_wait3A_493 = tpu.memref_slice %arg13[%dma_wait3A_492] : memref<4096xi32, #tpu.memory_space<vmem>> -> memref<128xi32, #tpu.memory_space<vmem>>
      %dma_wait3A_494 = arith.constant 0 : i32
      %dma_wait3A_495 = arith.constant 0 : i32
      %dma_wait3A_496 = tpu.memref_slice %arg3[%dma_wait3A_494, %dma_wait3A_495] : memref<2097152x8xf32, #tpu.memory_space<hbm>> -> memref<2097152x8xf32, #tpu.memory_space<hbm>>
      tpu.wait_indirect_dma semaphore(%arg9 : memref<!tpu.dma_semaphore, #tpu.memory_space<semaphore_mem>>) src(%dma_wait3A_496 : memref<2097152x8xf32, #tpu.memory_space<hbm>>) dst(%dma_wait3A_491 : memref<128x8xf32, #tpu.memory_space<vmem>>)
      %dma_wait3A_497 = arith.constant 3456 : i32
      %dma_wait3A_498 = arith.constant 0 : i32
      %dma_wait3A_499 = tpu.memref_slice %arg14[%dma_wait3A_497, %dma_wait3A_498] : memref<4096x8xf32, #tpu.memory_space<vmem>> -> memref<128x8xf32, #tpu.memory_space<vmem>>
      %dma_wait3A_500 = arith.constant 3456 : i32
      %dma_wait3A_501 = tpu.memref_slice %arg13[%dma_wait3A_500] : memref<4096xi32, #tpu.memory_space<vmem>> -> memref<128xi32, #tpu.memory_space<vmem>>
      %dma_wait3A_502 = arith.constant 0 : i32
      %dma_wait3A_503 = arith.constant 0 : i32
      %dma_wait3A_504 = tpu.memref_slice %arg3[%dma_wait3A_502, %dma_wait3A_503] : memref<2097152x8xf32, #tpu.memory_space<hbm>> -> memref<2097152x8xf32, #tpu.memory_space<hbm>>
      tpu.wait_indirect_dma semaphore(%arg9 : memref<!tpu.dma_semaphore, #tpu.memory_space<semaphore_mem>>) src(%dma_wait3A_504 : memref<2097152x8xf32, #tpu.memory_space<hbm>>) dst(%dma_wait3A_499 : memref<128x8xf32, #tpu.memory_space<vmem>>)
      %dma_wait3A_505 = arith.constant 3584 : i32
      %dma_wait3A_506 = arith.constant 0 : i32
      %dma_wait3A_507 = tpu.memref_slice %arg14[%dma_wait3A_505, %dma_wait3A_506] : memref<4096x8xf32, #tpu.memory_space<vmem>> -> memref<128x8xf32, #tpu.memory_space<vmem>>
      %dma_wait3A_508 = arith.constant 3584 : i32
      %dma_wait3A_509 = tpu.memref_slice %arg13[%dma_wait3A_508] : memref<4096xi32, #tpu.memory_space<vmem>> -> memref<128xi32, #tpu.memory_space<vmem>>
      %dma_wait3A_510 = arith.constant 0 : i32
      %dma_wait3A_511 = arith.constant 0 : i32
      %dma_wait3A_512 = tpu.memref_slice %arg3[%dma_wait3A_510, %dma_wait3A_511] : memref<2097152x8xf32, #tpu.memory_space<hbm>> -> memref<2097152x8xf32, #tpu.memory_space<hbm>>
      tpu.wait_indirect_dma semaphore(%arg9 : memref<!tpu.dma_semaphore, #tpu.memory_space<semaphore_mem>>) src(%dma_wait3A_512 : memref<2097152x8xf32, #tpu.memory_space<hbm>>) dst(%dma_wait3A_507 : memref<128x8xf32, #tpu.memory_space<vmem>>)
      %dma_wait3A_513 = arith.constant 3712 : i32
      %dma_wait3A_514 = arith.constant 0 : i32
      %dma_wait3A_515 = tpu.memref_slice %arg14[%dma_wait3A_513, %dma_wait3A_514] : memref<4096x8xf32, #tpu.memory_space<vmem>> -> memref<128x8xf32, #tpu.memory_space<vmem>>
      %dma_wait3A_516 = arith.constant 3712 : i32
      %dma_wait3A_517 = tpu.memref_slice %arg13[%dma_wait3A_516] : memref<4096xi32, #tpu.memory_space<vmem>> -> memref<128xi32, #tpu.memory_space<vmem>>
      %dma_wait3A_518 = arith.constant 0 : i32
      %dma_wait3A_519 = arith.constant 0 : i32
      %dma_wait3A_520 = tpu.memref_slice %arg3[%dma_wait3A_518, %dma_wait3A_519] : memref<2097152x8xf32, #tpu.memory_space<hbm>> -> memref<2097152x8xf32, #tpu.memory_space<hbm>>
      tpu.wait_indirect_dma semaphore(%arg9 : memref<!tpu.dma_semaphore, #tpu.memory_space<semaphore_mem>>) src(%dma_wait3A_520 : memref<2097152x8xf32, #tpu.memory_space<hbm>>) dst(%dma_wait3A_515 : memref<128x8xf32, #tpu.memory_space<vmem>>)
      %dma_wait3A_521 = arith.constant 3840 : i32
      %dma_wait3A_522 = arith.constant 0 : i32
      %dma_wait3A_523 = tpu.memref_slice %arg14[%dma_wait3A_521, %dma_wait3A_522] : memref<4096x8xf32, #tpu.memory_space<vmem>> -> memref<128x8xf32, #tpu.memory_space<vmem>>
      %dma_wait3A_524 = arith.constant 3840 : i32
      %dma_wait3A_525 = tpu.memref_slice %arg13[%dma_wait3A_524] : memref<4096xi32, #tpu.memory_space<vmem>> -> memref<128xi32, #tpu.memory_space<vmem>>
      %dma_wait3A_526 = arith.constant 0 : i32
      %dma_wait3A_527 = arith.constant 0 : i32
      %dma_wait3A_528 = tpu.memref_slice %arg3[%dma_wait3A_526, %dma_wait3A_527] : memref<2097152x8xf32, #tpu.memory_space<hbm>> -> memref<2097152x8xf32, #tpu.memory_space<hbm>>
      tpu.wait_indirect_dma semaphore(%arg9 : memref<!tpu.dma_semaphore, #tpu.memory_space<semaphore_mem>>) src(%dma_wait3A_528 : memref<2097152x8xf32, #tpu.memory_space<hbm>>) dst(%dma_wait3A_523 : memref<128x8xf32, #tpu.memory_space<vmem>>)
      %dma_wait3A_529 = arith.constant 3968 : i32
      %dma_wait3A_530 = arith.constant 0 : i32
      %dma_wait3A_531 = tpu.memref_slice %arg14[%dma_wait3A_529, %dma_wait3A_530] : memref<4096x8xf32, #tpu.memory_space<vmem>> -> memref<128x8xf32, #tpu.memory_space<vmem>>
      %dma_wait3A_532 = arith.constant 3968 : i32
      %dma_wait3A_533 = tpu.memref_slice %arg13[%dma_wait3A_532] : memref<4096xi32, #tpu.memory_space<vmem>> -> memref<128xi32, #tpu.memory_space<vmem>>
      %dma_wait3A_534 = arith.constant 0 : i32
      %dma_wait3A_535 = arith.constant 0 : i32
      %dma_wait3A_536 = tpu.memref_slice %arg3[%dma_wait3A_534, %dma_wait3A_535] : memref<2097152x8xf32, #tpu.memory_space<hbm>> -> memref<2097152x8xf32, #tpu.memory_space<hbm>>
      tpu.wait_indirect_dma semaphore(%arg9 : memref<!tpu.dma_semaphore, #tpu.memory_space<semaphore_mem>>) src(%dma_wait3A_536 : memref<2097152x8xf32, #tpu.memory_space<hbm>>) dst(%dma_wait3A_531 : memref<128x8xf32, #tpu.memory_space<vmem>>)
      %mul3A_537 = arith.constant 512 : i32
      %mul3A_538 = arith.muli %scan3A_19, %mul3A_537 : i32
      %add3A_539 = arith.addi %mul3A_2, %mul3A_538 : i32
      %parallel_loop3A_540 = arith.constant 0 : i32
      %parallel_loop3A_541 = arith.constant 32 : i32
      %parallel_loop3A_542 = arith.constant 1 : i32
      scf.for %parallel_loop3A_545 = %parallel_loop3A_540 to %parallel_loop3A_541 step %parallel_loop3A_542  : i32 {
        %parallel_loop3A_546 = arith.constant 16 : i32
        %parallel_loop3A_547 = arith.muli %parallel_loop3A_545, %parallel_loop3A_546 : i32
        %parallel_loop3A_548 = vector.broadcast %parallel_loop3A_547 : i32 to vector<16xi32>
        %parallel_loop3A_549 = arith.addi %parallel_loop3A_548, %iota3A : vector<16xi32>
        %parallel_loop3A_550 = arith.index_cast %parallel_loop3A_547 : i32 to index
        %parallel_loop3A_551 = tpu.vector_load %arg10[%parallel_loop3A_550] {strides = array<i32>} : memref<512xf32, #tpu.memory_space<vmem>>, vector<16xf32>,
        %parallel_loop3A_552 = arith.index_cast %parallel_loop3A_547 : i32 to index
        %parallel_loop3A_553 = tpu.vector_load %arg11[%parallel_loop3A_552] {strides = array<i32>} : memref<512xf32, #tpu.memory_space<vmem>>, vector<16xf32>,
        %parallel_loop3A_554 = arith.index_cast %parallel_loop3A_547 : i32 to index
        %parallel_loop3A_555 = tpu.vector_load %arg12[%parallel_loop3A_554] {strides = array<i32>} : memref<512xf32, #tpu.memory_space<vmem>>, vector<16xf32>,
        %parallel_loop3A_556 = arith.constant 1.000000e+00 : f32
        %parallel_loop3A_557 = vector.broadcast %parallel_loop3A_556 : f32 to vector<16xf32>
        %parallel_loop3A_558 = arith.subf %parallel_loop3A_557, %parallel_loop3A_551 : vector<16xf32>
        %parallel_loop3A_559 = arith.constant 1.000000e+00 : f32
        %parallel_loop3A_560 = vector.broadcast %parallel_loop3A_559 : f32 to vector<16xf32>
        %parallel_loop3A_561 = arith.subf %parallel_loop3A_560, %parallel_loop3A_553 : vector<16xf32>
        %parallel_loop3A_562 = arith.constant 1.000000e+00 : f32
        %parallel_loop3A_563 = vector.broadcast %parallel_loop3A_562 : f32 to vector<16xf32>
        %parallel_loop3A_564 = arith.subf %parallel_loop3A_563, %parallel_loop3A_555 : vector<16xf32>
        %parallel_loop3A_565 = arith.mulf %parallel_loop3A_558, %parallel_loop3A_561 : vector<16xf32>
        %parallel_loop3A_566 = arith.mulf %parallel_loop3A_558, %parallel_loop3A_553 : vector<16xf32>
        %parallel_loop3A_567 = arith.mulf %parallel_loop3A_551, %parallel_loop3A_561 : vector<16xf32>
        %parallel_loop3A_568 = arith.mulf %parallel_loop3A_551, %parallel_loop3A_553 : vector<16xf32>
        %parallel_loop3A_569 = arith.mulf %parallel_loop3A_565, %parallel_loop3A_564 : vector<16xf32>
        %parallel_loop3A_570 = arith.mulf %parallel_loop3A_565, %parallel_loop3A_555 : vector<16xf32>
        %parallel_loop3A_571 = arith.mulf %parallel_loop3A_566, %parallel_loop3A_564 : vector<16xf32>
        %parallel_loop3A_572 = arith.mulf %parallel_loop3A_566, %parallel_loop3A_555 : vector<16xf32>
        %parallel_loop3A_573 = arith.mulf %parallel_loop3A_567, %parallel_loop3A_564 : vector<16xf32>
        %parallel_loop3A_574 = arith.mulf %parallel_loop3A_567, %parallel_loop3A_555 : vector<16xf32>
        %parallel_loop3A_575 = arith.mulf %parallel_loop3A_568, %parallel_loop3A_564 : vector<16xf32>
        %parallel_loop3A_576 = arith.mulf %parallel_loop3A_568, %parallel_loop3A_555 : vector<16xf32>
        %parallel_loop3A_577 = arith.constant 0 : i32
        %parallel_loop3A_578 = vector.broadcast %parallel_loop3A_577 : i32 to vector<16xi32>
        %parallel_loop3A_579 = tpu.vector_load_idx %arg14[%parallel_loop3A_549, %parallel_loop3A_578] : memref<4096x8xf32, #tpu.memory_space<vmem>>[vector<16xi32>, vector<16xi32>], vector<16xf32>,
        %parallel_loop3A_580 = arith.mulf %parallel_loop3A_569, %parallel_loop3A_579 : vector<16xf32>
        %parallel_loop3A_581 = arith.constant 512 : i32
        %parallel_loop3A_582 = vector.broadcast %parallel_loop3A_581 : i32 to vector<16xi32>
        %parallel_loop3A_583 = arith.addi %parallel_loop3A_582, %parallel_loop3A_549 : vector<16xi32>
        %parallel_loop3A_584 = tpu.vector_load_idx %arg14[%parallel_loop3A_583, %parallel_loop3A_578] : memref<4096x8xf32, #tpu.memory_space<vmem>>[vector<16xi32>, vector<16xi32>], vector<16xf32>,
        %parallel_loop3A_585 = arith.mulf %parallel_loop3A_570, %parallel_loop3A_584 : vector<16xf32>
        %parallel_loop3A_586 = arith.addf %parallel_loop3A_580, %parallel_loop3A_585 : vector<16xf32>
        %parallel_loop3A_587 = arith.constant 1024 : i32
        %parallel_loop3A_588 = vector.broadcast %parallel_loop3A_587 : i32 to vector<16xi32>
        %parallel_loop3A_589 = arith.addi %parallel_loop3A_588, %parallel_loop3A_549 : vector<16xi32>
        %parallel_loop3A_590 = tpu.vector_load_idx %arg14[%parallel_loop3A_589, %parallel_loop3A_578] : memref<4096x8xf32, #tpu.memory_space<vmem>>[vector<16xi32>, vector<16xi32>], vector<16xf32>,
        %parallel_loop3A_591 = arith.mulf %parallel_loop3A_571, %parallel_loop3A_590 : vector<16xf32>
        %parallel_loop3A_592 = arith.addf %parallel_loop3A_586, %parallel_loop3A_591 : vector<16xf32>
        %parallel_loop3A_593 = arith.constant 1536 : i32
        %parallel_loop3A_594 = vector.broadcast %parallel_loop3A_593 : i32 to vector<16xi32>
        %parallel_loop3A_595 = arith.addi %parallel_loop3A_594, %parallel_loop3A_549 : vector<16xi32>
        %parallel_loop3A_596 = tpu.vector_load_idx %arg14[%parallel_loop3A_595, %parallel_loop3A_578] : memref<4096x8xf32, #tpu.memory_space<vmem>>[vector<16xi32>, vector<16xi32>], vector<16xf32>,
        %parallel_loop3A_597 = arith.mulf %parallel_loop3A_572, %parallel_loop3A_596 : vector<16xf32>
        %parallel_loop3A_598 = arith.addf %parallel_loop3A_592, %parallel_loop3A_597 : vector<16xf32>
        %parallel_loop3A_599 = arith.constant 2048 : i32
        %parallel_loop3A_600 = vector.broadcast %parallel_loop3A_599 : i32 to vector<16xi32>
        %parallel_loop3A_601 = arith.addi %parallel_loop3A_600, %parallel_loop3A_549 : vector<16xi32>
        %parallel_loop3A_602 = tpu.vector_load_idx %arg14[%parallel_loop3A_601, %parallel_loop3A_578] : memref<4096x8xf32, #tpu.memory_space<vmem>>[vector<16xi32>, vector<16xi32>], vector<16xf32>,
        %parallel_loop3A_603 = arith.mulf %parallel_loop3A_573, %parallel_loop3A_602 : vector<16xf32>
        %parallel_loop3A_604 = arith.addf %parallel_loop3A_598, %parallel_loop3A_603 : vector<16xf32>
        %parallel_loop3A_605 = arith.constant 2560 : i32
        %parallel_loop3A_606 = vector.broadcast %parallel_loop3A_605 : i32 to vector<16xi32>
        %parallel_loop3A_607 = arith.addi %parallel_loop3A_606, %parallel_loop3A_549 : vector<16xi32>
        %parallel_loop3A_608 = tpu.vector_load_idx %arg14[%parallel_loop3A_607, %parallel_loop3A_578] : memref<4096x8xf32, #tpu.memory_space<vmem>>[vector<16xi32>, vector<16xi32>], vector<16xf32>,
        %parallel_loop3A_609 = arith.mulf %parallel_loop3A_574, %parallel_loop3A_608 : vector<16xf32>
        %parallel_loop3A_610 = arith.addf %parallel_loop3A_604, %parallel_loop3A_609 : vector<16xf32>
        %parallel_loop3A_611 = arith.constant 3072 : i32
        %parallel_loop3A_612 = vector.broadcast %parallel_loop3A_611 : i32 to vector<16xi32>
        %parallel_loop3A_613 = arith.addi %parallel_loop3A_612, %parallel_loop3A_549 : vector<16xi32>
        %parallel_loop3A_614 = tpu.vector_load_idx %arg14[%parallel_loop3A_613, %parallel_loop3A_578] : memref<4096x8xf32, #tpu.memory_space<vmem>>[vector<16xi32>, vector<16xi32>], vector<16xf32>,
        %parallel_loop3A_615 = arith.mulf %parallel_loop3A_575, %parallel_loop3A_614 : vector<16xf32>
        %parallel_loop3A_616 = arith.addf %parallel_loop3A_610, %parallel_loop3A_615 : vector<16xf32>
        %parallel_loop3A_617 = arith.constant 3584 : i32
        %parallel_loop3A_618 = vector.broadcast %parallel_loop3A_617 : i32 to vector<16xi32>
        %parallel_loop3A_619 = arith.addi %parallel_loop3A_618, %parallel_loop3A_549 : vector<16xi32>
        %parallel_loop3A_620 = tpu.vector_load_idx %arg14[%parallel_loop3A_619, %parallel_loop3A_578] : memref<4096x8xf32, #tpu.memory_space<vmem>>[vector<16xi32>, vector<16xi32>], vector<16xf32>,
        %parallel_loop3A_621 = arith.mulf %parallel_loop3A_576, %parallel_loop3A_620 : vector<16xf32>
        %parallel_loop3A_622 = arith.addf %parallel_loop3A_616, %parallel_loop3A_621 : vector<16xf32>
        %parallel_loop3A_623 = arith.constant 8 : i32
        %parallel_loop3A_624 = vector.broadcast %parallel_loop3A_623 : i32 to vector<16xi32>
        %parallel_loop3A_625 = arith.muli %parallel_loop3A_549, %parallel_loop3A_624 : vector<16xi32>
        %parallel_loop3A_626 = arith.constant 0 : i32
        %parallel_loop3A_627 = vector.broadcast %parallel_loop3A_626 : i32 to vector<16xi32>
        %parallel_loop3A_628 = arith.addi %parallel_loop3A_625, %parallel_loop3A_627 : vector<16xi32>
        tpu.vector_store_idx %arg8[%parallel_loop3A_628], %parallel_loop3A_622 : memref<4096xf32, #tpu.memory_space<vmem>>[vector<16xi32>], vector<16xf32>,
        %parallel_loop3A_629 = arith.constant 1 : i32
        %parallel_loop3A_630 = vector.broadcast %parallel_loop3A_629 : i32 to vector<16xi32>
        %parallel_loop3A_631 = tpu.vector_load_idx %arg14[%parallel_loop3A_549, %parallel_loop3A_630] : memref<4096x8xf32, #tpu.memory_space<vmem>>[vector<16xi32>, vector<16xi32>], vector<16xf32>,
        %parallel_loop3A_632 = arith.mulf %parallel_loop3A_569, %parallel_loop3A_631 : vector<16xf32>
        %parallel_loop3A_633 = arith.constant 512 : i32
        %parallel_loop3A_634 = vector.broadcast %parallel_loop3A_633 : i32 to vector<16xi32>
        %parallel_loop3A_635 = arith.addi %parallel_loop3A_634, %parallel_loop3A_549 : vector<16xi32>
        %parallel_loop3A_636 = tpu.vector_load_idx %arg14[%parallel_loop3A_635, %parallel_loop3A_630] : memref<4096x8xf32, #tpu.memory_space<vmem>>[vector<16xi32>, vector<16xi32>], vector<16xf32>,
        %parallel_loop3A_637 = arith.mulf %parallel_loop3A_570, %parallel_loop3A_636 : vector<16xf32>
        %parallel_loop3A_638 = arith.addf %parallel_loop3A_632, %parallel_loop3A_637 : vector<16xf32>
        %parallel_loop3A_639 = arith.constant 1024 : i32
        %parallel_loop3A_640 = vector.broadcast %parallel_loop3A_639 : i32 to vector<16xi32>
        %parallel_loop3A_641 = arith.addi %parallel_loop3A_640, %parallel_loop3A_549 : vector<16xi32>
        %parallel_loop3A_642 = tpu.vector_load_idx %arg14[%parallel_loop3A_641, %parallel_loop3A_630] : memref<4096x8xf32, #tpu.memory_space<vmem>>[vector<16xi32>, vector<16xi32>], vector<16xf32>,
        %parallel_loop3A_643 = arith.mulf %parallel_loop3A_571, %parallel_loop3A_642 : vector<16xf32>
        %parallel_loop3A_644 = arith.addf %parallel_loop3A_638, %parallel_loop3A_643 : vector<16xf32>
        %parallel_loop3A_645 = arith.constant 1536 : i32
        %parallel_loop3A_646 = vector.broadcast %parallel_loop3A_645 : i32 to vector<16xi32>
        %parallel_loop3A_647 = arith.addi %parallel_loop3A_646, %parallel_loop3A_549 : vector<16xi32>
        %parallel_loop3A_648 = tpu.vector_load_idx %arg14[%parallel_loop3A_647, %parallel_loop3A_630] : memref<4096x8xf32, #tpu.memory_space<vmem>>[vector<16xi32>, vector<16xi32>], vector<16xf32>,
        %parallel_loop3A_649 = arith.mulf %parallel_loop3A_572, %parallel_loop3A_648 : vector<16xf32>
        %parallel_loop3A_650 = arith.addf %parallel_loop3A_644, %parallel_loop3A_649 : vector<16xf32>
        %parallel_loop3A_651 = arith.constant 2048 : i32
        %parallel_loop3A_652 = vector.broadcast %parallel_loop3A_651 : i32 to vector<16xi32>
        %parallel_loop3A_653 = arith.addi %parallel_loop3A_652, %parallel_loop3A_549 : vector<16xi32>
        %parallel_loop3A_654 = tpu.vector_load_idx %arg14[%parallel_loop3A_653, %parallel_loop3A_630] : memref<4096x8xf32, #tpu.memory_space<vmem>>[vector<16xi32>, vector<16xi32>], vector<16xf32>,
        %parallel_loop3A_655 = arith.mulf %parallel_loop3A_573, %parallel_loop3A_654 : vector<16xf32>
        %parallel_loop3A_656 = arith.addf %parallel_loop3A_650, %parallel_loop3A_655 : vector<16xf32>
        %parallel_loop3A_657 = arith.constant 2560 : i32
        %parallel_loop3A_658 = vector.broadcast %parallel_loop3A_657 : i32 to vector<16xi32>
        %parallel_loop3A_659 = arith.addi %parallel_loop3A_658, %parallel_loop3A_549 : vector<16xi32>
        %parallel_loop3A_660 = tpu.vector_load_idx %arg14[%parallel_loop3A_659, %parallel_loop3A_630] : memref<4096x8xf32, #tpu.memory_space<vmem>>[vector<16xi32>, vector<16xi32>], vector<16xf32>,
        %parallel_loop3A_661 = arith.mulf %parallel_loop3A_574, %parallel_loop3A_660 : vector<16xf32>
        %parallel_loop3A_662 = arith.addf %parallel_loop3A_656, %parallel_loop3A_661 : vector<16xf32>
        %parallel_loop3A_663 = arith.constant 3072 : i32
        %parallel_loop3A_664 = vector.broadcast %parallel_loop3A_663 : i32 to vector<16xi32>
        %parallel_loop3A_665 = arith.addi %parallel_loop3A_664, %parallel_loop3A_549 : vector<16xi32>
        %parallel_loop3A_666 = tpu.vector_load_idx %arg14[%parallel_loop3A_665, %parallel_loop3A_630] : memref<4096x8xf32, #tpu.memory_space<vmem>>[vector<16xi32>, vector<16xi32>], vector<16xf32>,
        %parallel_loop3A_667 = arith.mulf %parallel_loop3A_575, %parallel_loop3A_666 : vector<16xf32>
        %parallel_loop3A_668 = arith.addf %parallel_loop3A_662, %parallel_loop3A_667 : vector<16xf32>
        %parallel_loop3A_669 = arith.constant 3584 : i32
        %parallel_loop3A_670 = vector.broadcast %parallel_loop3A_669 : i32 to vector<16xi32>
        %parallel_loop3A_671 = arith.addi %parallel_loop3A_670, %parallel_loop3A_549 : vector<16xi32>
        %parallel_loop3A_672 = tpu.vector_load_idx %arg14[%parallel_loop3A_671, %parallel_loop3A_630] : memref<4096x8xf32, #tpu.memory_space<vmem>>[vector<16xi32>, vector<16xi32>], vector<16xf32>,
        %parallel_loop3A_673 = arith.mulf %parallel_loop3A_576, %parallel_loop3A_672 : vector<16xf32>
        %parallel_loop3A_674 = arith.addf %parallel_loop3A_668, %parallel_loop3A_673 : vector<16xf32>
        %parallel_loop3A_675 = arith.constant 8 : i32
        %parallel_loop3A_676 = vector.broadcast %parallel_loop3A_675 : i32 to vector<16xi32>
        %parallel_loop3A_677 = arith.muli %parallel_loop3A_549, %parallel_loop3A_676 : vector<16xi32>
        %parallel_loop3A_678 = arith.constant 1 : i32
        %parallel_loop3A_679 = vector.broadcast %parallel_loop3A_678 : i32 to vector<16xi32>
        %parallel_loop3A_680 = arith.addi %parallel_loop3A_677, %parallel_loop3A_679 : vector<16xi32>
        tpu.vector_store_idx %arg8[%parallel_loop3A_680], %parallel_loop3A_674 : memref<4096xf32, #tpu.memory_space<vmem>>[vector<16xi32>], vector<16xf32>,
        %parallel_loop3A_681 = arith.constant 2 : i32
        %parallel_loop3A_682 = vector.broadcast %parallel_loop3A_681 : i32 to vector<16xi32>
        %parallel_loop3A_683 = tpu.vector_load_idx %arg14[%parallel_loop3A_549, %parallel_loop3A_682] : memref<4096x8xf32, #tpu.memory_space<vmem>>[vector<16xi32>, vector<16xi32>], vector<16xf32>,
        %parallel_loop3A_684 = arith.mulf %parallel_loop3A_569, %parallel_loop3A_683 : vector<16xf32>
        %parallel_loop3A_685 = arith.constant 512 : i32
        %parallel_loop3A_686 = vector.broadcast %parallel_loop3A_685 : i32 to vector<16xi32>
        %parallel_loop3A_687 = arith.addi %parallel_loop3A_686, %parallel_loop3A_549 : vector<16xi32>
        %parallel_loop3A_688 = tpu.vector_load_idx %arg14[%parallel_loop3A_687, %parallel_loop3A_682] : memref<4096x8xf32, #tpu.memory_space<vmem>>[vector<16xi32>, vector<16xi32>], vector<16xf32>,
        %parallel_loop3A_689 = arith.mulf %parallel_loop3A_570, %parallel_loop3A_688 : vector<16xf32>
        %parallel_loop3A_690 = arith.addf %parallel_loop3A_684, %parallel_loop3A_689 : vector<16xf32>
        %parallel_loop3A_691 = arith.constant 1024 : i32
        %parallel_loop3A_692 = vector.broadcast %parallel_loop3A_691 : i32 to vector<16xi32>
        %parallel_loop3A_693 = arith.addi %parallel_loop3A_692, %parallel_loop3A_549 : vector<16xi32>
        %parallel_loop3A_694 = tpu.vector_load_idx %arg14[%parallel_loop3A_693, %parallel_loop3A_682] : memref<4096x8xf32, #tpu.memory_space<vmem>>[vector<16xi32>, vector<16xi32>], vector<16xf32>,
        %parallel_loop3A_695 = arith.mulf %parallel_loop3A_571, %parallel_loop3A_694 : vector<16xf32>
        %parallel_loop3A_696 = arith.addf %parallel_loop3A_690, %parallel_loop3A_695 : vector<16xf32>
        %parallel_loop3A_697 = arith.constant 1536 : i32
        %parallel_loop3A_698 = vector.broadcast %parallel_loop3A_697 : i32 to vector<16xi32>
        %parallel_loop3A_699 = arith.addi %parallel_loop3A_698, %parallel_loop3A_549 : vector<16xi32>
        %parallel_loop3A_700 = tpu.vector_load_idx %arg14[%parallel_loop3A_699, %parallel_loop3A_682] : memref<4096x8xf32, #tpu.memory_space<vmem>>[vector<16xi32>, vector<16xi32>], vector<16xf32>,
        %parallel_loop3A_701 = arith.mulf %parallel_loop3A_572, %parallel_loop3A_700 : vector<16xf32>
        %parallel_loop3A_702 = arith.addf %parallel_loop3A_696, %parallel_loop3A_701 : vector<16xf32>
        %parallel_loop3A_703 = arith.constant 2048 : i32
        %parallel_loop3A_704 = vector.broadcast %parallel_loop3A_703 : i32 to vector<16xi32>
        %parallel_loop3A_705 = arith.addi %parallel_loop3A_704, %parallel_loop3A_549 : vector<16xi32>
        %parallel_loop3A_706 = tpu.vector_load_idx %arg14[%parallel_loop3A_705, %parallel_loop3A_682] : memref<4096x8xf32, #tpu.memory_space<vmem>>[vector<16xi32>, vector<16xi32>], vector<16xf32>,
        %parallel_loop3A_707 = arith.mulf %parallel_loop3A_573, %parallel_loop3A_706 : vector<16xf32>
        %parallel_loop3A_708 = arith.addf %parallel_loop3A_702, %parallel_loop3A_707 : vector<16xf32>
        %parallel_loop3A_709 = arith.constant 2560 : i32
        %parallel_loop3A_710 = vector.broadcast %parallel_loop3A_709 : i32 to vector<16xi32>
        %parallel_loop3A_711 = arith.addi %parallel_loop3A_710, %parallel_loop3A_549 : vector<16xi32>
        %parallel_loop3A_712 = tpu.vector_load_idx %arg14[%parallel_loop3A_711, %parallel_loop3A_682] : memref<4096x8xf32, #tpu.memory_space<vmem>>[vector<16xi32>, vector<16xi32>], vector<16xf32>,
        %parallel_loop3A_713 = arith.mulf %parallel_loop3A_574, %parallel_loop3A_712 : vector<16xf32>
        %parallel_loop3A_714 = arith.addf %parallel_loop3A_708, %parallel_loop3A_713 : vector<16xf32>
        %parallel_loop3A_715 = arith.constant 3072 : i32
        %parallel_loop3A_716 = vector.broadcast %parallel_loop3A_715 : i32 to vector<16xi32>
        %parallel_loop3A_717 = arith.addi %parallel_loop3A_716, %parallel_loop3A_549 : vector<16xi32>
        %parallel_loop3A_718 = tpu.vector_load_idx %arg14[%parallel_loop3A_717, %parallel_loop3A_682] : memref<4096x8xf32, #tpu.memory_space<vmem>>[vector<16xi32>, vector<16xi32>], vector<16xf32>,
        %parallel_loop3A_719 = arith.mulf %parallel_loop3A_575, %parallel_loop3A_718 : vector<16xf32>
        %parallel_loop3A_720 = arith.addf %parallel_loop3A_714, %parallel_loop3A_719 : vector<16xf32>
        %parallel_loop3A_721 = arith.constant 3584 : i32
        %parallel_loop3A_722 = vector.broadcast %parallel_loop3A_721 : i32 to vector<16xi32>
        %parallel_loop3A_723 = arith.addi %parallel_loop3A_722, %parallel_loop3A_549 : vector<16xi32>
        %parallel_loop3A_724 = tpu.vector_load_idx %arg14[%parallel_loop3A_723, %parallel_loop3A_682] : memref<4096x8xf32, #tpu.memory_space<vmem>>[vector<16xi32>, vector<16xi32>], vector<16xf32>,
        %parallel_loop3A_725 = arith.mulf %parallel_loop3A_576, %parallel_loop3A_724 : vector<16xf32>
        %parallel_loop3A_726 = arith.addf %parallel_loop3A_720, %parallel_loop3A_725 : vector<16xf32>
        %parallel_loop3A_727 = arith.constant 8 : i32
        %parallel_loop3A_728 = vector.broadcast %parallel_loop3A_727 : i32 to vector<16xi32>
        %parallel_loop3A_729 = arith.muli %parallel_loop3A_549, %parallel_loop3A_728 : vector<16xi32>
        %parallel_loop3A_730 = arith.constant 2 : i32
        %parallel_loop3A_731 = vector.broadcast %parallel_loop3A_730 : i32 to vector<16xi32>
        %parallel_loop3A_732 = arith.addi %parallel_loop3A_729, %parallel_loop3A_731 : vector<16xi32>
        tpu.vector_store_idx %arg8[%parallel_loop3A_732], %parallel_loop3A_726 : memref<4096xf32, #tpu.memory_space<vmem>>[vector<16xi32>], vector<16xf32>,
        %parallel_loop3A_733 = arith.constant 3 : i32
        %parallel_loop3A_734 = vector.broadcast %parallel_loop3A_733 : i32 to vector<16xi32>
        %parallel_loop3A_735 = tpu.vector_load_idx %arg14[%parallel_loop3A_549, %parallel_loop3A_734] : memref<4096x8xf32, #tpu.memory_space<vmem>>[vector<16xi32>, vector<16xi32>], vector<16xf32>,
        %parallel_loop3A_736 = arith.mulf %parallel_loop3A_569, %parallel_loop3A_735 : vector<16xf32>
        %parallel_loop3A_737 = arith.constant 512 : i32
        %parallel_loop3A_738 = vector.broadcast %parallel_loop3A_737 : i32 to vector<16xi32>
        %parallel_loop3A_739 = arith.addi %parallel_loop3A_738, %parallel_loop3A_549 : vector<16xi32>
        %parallel_loop3A_740 = tpu.vector_load_idx %arg14[%parallel_loop3A_739, %parallel_loop3A_734] : memref<4096x8xf32, #tpu.memory_space<vmem>>[vector<16xi32>, vector<16xi32>], vector<16xf32>,
        %parallel_loop3A_741 = arith.mulf %parallel_loop3A_570, %parallel_loop3A_740 : vector<16xf32>
        %parallel_loop3A_742 = arith.addf %parallel_loop3A_736, %parallel_loop3A_741 : vector<16xf32>
        %parallel_loop3A_743 = arith.constant 1024 : i32
        %parallel_loop3A_744 = vector.broadcast %parallel_loop3A_743 : i32 to vector<16xi32>
        %parallel_loop3A_745 = arith.addi %parallel_loop3A_744, %parallel_loop3A_549 : vector<16xi32>
        %parallel_loop3A_746 = tpu.vector_load_idx %arg14[%parallel_loop3A_745, %parallel_loop3A_734] : memref<4096x8xf32, #tpu.memory_space<vmem>>[vector<16xi32>, vector<16xi32>], vector<16xf32>,
        %parallel_loop3A_747 = arith.mulf %parallel_loop3A_571, %parallel_loop3A_746 : vector<16xf32>
        %parallel_loop3A_748 = arith.addf %parallel_loop3A_742, %parallel_loop3A_747 : vector<16xf32>
        %parallel_loop3A_749 = arith.constant 1536 : i32
        %parallel_loop3A_750 = vector.broadcast %parallel_loop3A_749 : i32 to vector<16xi32>
        %parallel_loop3A_751 = arith.addi %parallel_loop3A_750, %parallel_loop3A_549 : vector<16xi32>
        %parallel_loop3A_752 = tpu.vector_load_idx %arg14[%parallel_loop3A_751, %parallel_loop3A_734] : memref<4096x8xf32, #tpu.memory_space<vmem>>[vector<16xi32>, vector<16xi32>], vector<16xf32>,
        %parallel_loop3A_753 = arith.mulf %parallel_loop3A_572, %parallel_loop3A_752 : vector<16xf32>
        %parallel_loop3A_754 = arith.addf %parallel_loop3A_748, %parallel_loop3A_753 : vector<16xf32>
        %parallel_loop3A_755 = arith.constant 2048 : i32
        %parallel_loop3A_756 = vector.broadcast %parallel_loop3A_755 : i32 to vector<16xi32>
        %parallel_loop3A_757 = arith.addi %parallel_loop3A_756, %parallel_loop3A_549 : vector<16xi32>
        %parallel_loop3A_758 = tpu.vector_load_idx %arg14[%parallel_loop3A_757, %parallel_loop3A_734] : memref<4096x8xf32, #tpu.memory_space<vmem>>[vector<16xi32>, vector<16xi32>], vector<16xf32>,
        %parallel_loop3A_759 = arith.mulf %parallel_loop3A_573, %parallel_loop3A_758 : vector<16xf32>
        %parallel_loop3A_760 = arith.addf %parallel_loop3A_754, %parallel_loop3A_759 : vector<16xf32>
        %parallel_loop3A_761 = arith.constant 2560 : i32
        %parallel_loop3A_762 = vector.broadcast %parallel_loop3A_761 : i32 to vector<16xi32>
        %parallel_loop3A_763 = arith.addi %parallel_loop3A_762, %parallel_loop3A_549 : vector<16xi32>
        %parallel_loop3A_764 = tpu.vector_load_idx %arg14[%parallel_loop3A_763, %parallel_loop3A_734] : memref<4096x8xf32, #tpu.memory_space<vmem>>[vector<16xi32>, vector<16xi32>], vector<16xf32>,
        %parallel_loop3A_765 = arith.mulf %parallel_loop3A_574, %parallel_loop3A_764 : vector<16xf32>
        %parallel_loop3A_766 = arith.addf %parallel_loop3A_760, %parallel_loop3A_765 : vector<16xf32>
        %parallel_loop3A_767 = arith.constant 3072 : i32
        %parallel_loop3A_768 = vector.broadcast %parallel_loop3A_767 : i32 to vector<16xi32>
        %parallel_loop3A_769 = arith.addi %parallel_loop3A_768, %parallel_loop3A_549 : vector<16xi32>
        %parallel_loop3A_770 = tpu.vector_load_idx %arg14[%parallel_loop3A_769, %parallel_loop3A_734] : memref<4096x8xf32, #tpu.memory_space<vmem>>[vector<16xi32>, vector<16xi32>], vector<16xf32>,
        %parallel_loop3A_771 = arith.mulf %parallel_loop3A_575, %parallel_loop3A_770 : vector<16xf32>
        %parallel_loop3A_772 = arith.addf %parallel_loop3A_766, %parallel_loop3A_771 : vector<16xf32>
        %parallel_loop3A_773 = arith.constant 3584 : i32
        %parallel_loop3A_774 = vector.broadcast %parallel_loop3A_773 : i32 to vector<16xi32>
        %parallel_loop3A_775 = arith.addi %parallel_loop3A_774, %parallel_loop3A_549 : vector<16xi32>
        %parallel_loop3A_776 = tpu.vector_load_idx %arg14[%parallel_loop3A_775, %parallel_loop3A_734] : memref<4096x8xf32, #tpu.memory_space<vmem>>[vector<16xi32>, vector<16xi32>], vector<16xf32>,
        %parallel_loop3A_777 = arith.mulf %parallel_loop3A_576, %parallel_loop3A_776 : vector<16xf32>
        %parallel_loop3A_778 = arith.addf %parallel_loop3A_772, %parallel_loop3A_777 : vector<16xf32>
        %parallel_loop3A_779 = arith.constant 8 : i32
        %parallel_loop3A_780 = vector.broadcast %parallel_loop3A_779 : i32 to vector<16xi32>
        %parallel_loop3A_781 = arith.muli %parallel_loop3A_549, %parallel_loop3A_780 : vector<16xi32>
        %parallel_loop3A_782 = arith.constant 3 : i32
        %parallel_loop3A_783 = vector.broadcast %parallel_loop3A_782 : i32 to vector<16xi32>
        %parallel_loop3A_784 = arith.addi %parallel_loop3A_781, %parallel_loop3A_783 : vector<16xi32>
        tpu.vector_store_idx %arg8[%parallel_loop3A_784], %parallel_loop3A_778 : memref<4096xf32, #tpu.memory_space<vmem>>[vector<16xi32>], vector<16xf32>,
        %parallel_loop3A_785 = arith.constant 4 : i32
        %parallel_loop3A_786 = vector.broadcast %parallel_loop3A_785 : i32 to vector<16xi32>
        %parallel_loop3A_787 = tpu.vector_load_idx %arg14[%parallel_loop3A_549, %parallel_loop3A_786] : memref<4096x8xf32, #tpu.memory_space<vmem>>[vector<16xi32>, vector<16xi32>], vector<16xf32>,
        %parallel_loop3A_788 = arith.mulf %parallel_loop3A_569, %parallel_loop3A_787 : vector<16xf32>
        %parallel_loop3A_789 = arith.constant 512 : i32
        %parallel_loop3A_790 = vector.broadcast %parallel_loop3A_789 : i32 to vector<16xi32>
        %parallel_loop3A_791 = arith.addi %parallel_loop3A_790, %parallel_loop3A_549 : vector<16xi32>
        %parallel_loop3A_792 = tpu.vector_load_idx %arg14[%parallel_loop3A_791, %parallel_loop3A_786] : memref<4096x8xf32, #tpu.memory_space<vmem>>[vector<16xi32>, vector<16xi32>], vector<16xf32>,
        %parallel_loop3A_793 = arith.mulf %parallel_loop3A_570, %parallel_loop3A_792 : vector<16xf32>
        %parallel_loop3A_794 = arith.addf %parallel_loop3A_788, %parallel_loop3A_793 : vector<16xf32>
        %parallel_loop3A_795 = arith.constant 1024 : i32
        %parallel_loop3A_796 = vector.broadcast %parallel_loop3A_795 : i32 to vector<16xi32>
        %parallel_loop3A_797 = arith.addi %parallel_loop3A_796, %parallel_loop3A_549 : vector<16xi32>
        %parallel_loop3A_798 = tpu.vector_load_idx %arg14[%parallel_loop3A_797, %parallel_loop3A_786] : memref<4096x8xf32, #tpu.memory_space<vmem>>[vector<16xi32>, vector<16xi32>], vector<16xf32>,
        %parallel_loop3A_799 = arith.mulf %parallel_loop3A_571, %parallel_loop3A_798 : vector<16xf32>
        %parallel_loop3A_800 = arith.addf %parallel_loop3A_794, %parallel_loop3A_799 : vector<16xf32>
        %parallel_loop3A_801 = arith.constant 1536 : i32
        %parallel_loop3A_802 = vector.broadcast %parallel_loop3A_801 : i32 to vector<16xi32>
        %parallel_loop3A_803 = arith.addi %parallel_loop3A_802, %parallel_loop3A_549 : vector<16xi32>
        %parallel_loop3A_804 = tpu.vector_load_idx %arg14[%parallel_loop3A_803, %parallel_loop3A_786] : memref<4096x8xf32, #tpu.memory_space<vmem>>[vector<16xi32>, vector<16xi32>], vector<16xf32>,
        %parallel_loop3A_805 = arith.mulf %parallel_loop3A_572, %parallel_loop3A_804 : vector<16xf32>
        %parallel_loop3A_806 = arith.addf %parallel_loop3A_800, %parallel_loop3A_805 : vector<16xf32>
        %parallel_loop3A_807 = arith.constant 2048 : i32
        %parallel_loop3A_808 = vector.broadcast %parallel_loop3A_807 : i32 to vector<16xi32>
        %parallel_loop3A_809 = arith.addi %parallel_loop3A_808, %parallel_loop3A_549 : vector<16xi32>
        %parallel_loop3A_810 = tpu.vector_load_idx %arg14[%parallel_loop3A_809, %parallel_loop3A_786] : memref<4096x8xf32, #tpu.memory_space<vmem>>[vector<16xi32>, vector<16xi32>], vector<16xf32>,
        %parallel_loop3A_811 = arith.mulf %parallel_loop3A_573, %parallel_loop3A_810 : vector<16xf32>
        %parallel_loop3A_812 = arith.addf %parallel_loop3A_806, %parallel_loop3A_811 : vector<16xf32>
        %parallel_loop3A_813 = arith.constant 2560 : i32
        %parallel_loop3A_814 = vector.broadcast %parallel_loop3A_813 : i32 to vector<16xi32>
        %parallel_loop3A_815 = arith.addi %parallel_loop3A_814, %parallel_loop3A_549 : vector<16xi32>
        %parallel_loop3A_816 = tpu.vector_load_idx %arg14[%parallel_loop3A_815, %parallel_loop3A_786] : memref<4096x8xf32, #tpu.memory_space<vmem>>[vector<16xi32>, vector<16xi32>], vector<16xf32>,
        %parallel_loop3A_817 = arith.mulf %parallel_loop3A_574, %parallel_loop3A_816 : vector<16xf32>
        %parallel_loop3A_818 = arith.addf %parallel_loop3A_812, %parallel_loop3A_817 : vector<16xf32>
        %parallel_loop3A_819 = arith.constant 3072 : i32
        %parallel_loop3A_820 = vector.broadcast %parallel_loop3A_819 : i32 to vector<16xi32>
        %parallel_loop3A_821 = arith.addi %parallel_loop3A_820, %parallel_loop3A_549 : vector<16xi32>
        %parallel_loop3A_822 = tpu.vector_load_idx %arg14[%parallel_loop3A_821, %parallel_loop3A_786] : memref<4096x8xf32, #tpu.memory_space<vmem>>[vector<16xi32>, vector<16xi32>], vector<16xf32>,
        %parallel_loop3A_823 = arith.mulf %parallel_loop3A_575, %parallel_loop3A_822 : vector<16xf32>
        %parallel_loop3A_824 = arith.addf %parallel_loop3A_818, %parallel_loop3A_823 : vector<16xf32>
        %parallel_loop3A_825 = arith.constant 3584 : i32
        %parallel_loop3A_826 = vector.broadcast %parallel_loop3A_825 : i32 to vector<16xi32>
        %parallel_loop3A_827 = arith.addi %parallel_loop3A_826, %parallel_loop3A_549 : vector<16xi32>
        %parallel_loop3A_828 = tpu.vector_load_idx %arg14[%parallel_loop3A_827, %parallel_loop3A_786] : memref<4096x8xf32, #tpu.memory_space<vmem>>[vector<16xi32>, vector<16xi32>], vector<16xf32>,
        %parallel_loop3A_829 = arith.mulf %parallel_loop3A_576, %parallel_loop3A_828 : vector<16xf32>
        %parallel_loop3A_830 = arith.addf %parallel_loop3A_824, %parallel_loop3A_829 : vector<16xf32>
        %parallel_loop3A_831 = arith.constant 8 : i32
        %parallel_loop3A_832 = vector.broadcast %parallel_loop3A_831 : i32 to vector<16xi32>
        %parallel_loop3A_833 = arith.muli %parallel_loop3A_549, %parallel_loop3A_832 : vector<16xi32>
        %parallel_loop3A_834 = arith.constant 4 : i32
        %parallel_loop3A_835 = vector.broadcast %parallel_loop3A_834 : i32 to vector<16xi32>
        %parallel_loop3A_836 = arith.addi %parallel_loop3A_833, %parallel_loop3A_835 : vector<16xi32>
        tpu.vector_store_idx %arg8[%parallel_loop3A_836], %parallel_loop3A_830 : memref<4096xf32, #tpu.memory_space<vmem>>[vector<16xi32>], vector<16xf32>,
        %parallel_loop3A_837 = arith.constant 5 : i32
        %parallel_loop3A_838 = vector.broadcast %parallel_loop3A_837 : i32 to vector<16xi32>
        %parallel_loop3A_839 = tpu.vector_load_idx %arg14[%parallel_loop3A_549, %parallel_loop3A_838] : memref<4096x8xf32, #tpu.memory_space<vmem>>[vector<16xi32>, vector<16xi32>], vector<16xf32>,
        %parallel_loop3A_840 = arith.mulf %parallel_loop3A_569, %parallel_loop3A_839 : vector<16xf32>
        %parallel_loop3A_841 = arith.constant 512 : i32
        %parallel_loop3A_842 = vector.broadcast %parallel_loop3A_841 : i32 to vector<16xi32>
        %parallel_loop3A_843 = arith.addi %parallel_loop3A_842, %parallel_loop3A_549 : vector<16xi32>
        %parallel_loop3A_844 = tpu.vector_load_idx %arg14[%parallel_loop3A_843, %parallel_loop3A_838] : memref<4096x8xf32, #tpu.memory_space<vmem>>[vector<16xi32>, vector<16xi32>], vector<16xf32>,
        %parallel_loop3A_845 = arith.mulf %parallel_loop3A_570, %parallel_loop3A_844 : vector<16xf32>
        %parallel_loop3A_846 = arith.addf %parallel_loop3A_840, %parallel_loop3A_845 : vector<16xf32>
        %parallel_loop3A_847 = arith.constant 1024 : i32
        %parallel_loop3A_848 = vector.broadcast %parallel_loop3A_847 : i32 to vector<16xi32>
        %parallel_loop3A_849 = arith.addi %parallel_loop3A_848, %parallel_loop3A_549 : vector<16xi32>
        %parallel_loop3A_850 = tpu.vector_load_idx %arg14[%parallel_loop3A_849, %parallel_loop3A_838] : memref<4096x8xf32, #tpu.memory_space<vmem>>[vector<16xi32>, vector<16xi32>], vector<16xf32>,
        %parallel_loop3A_851 = arith.mulf %parallel_loop3A_571, %parallel_loop3A_850 : vector<16xf32>
        %parallel_loop3A_852 = arith.addf %parallel_loop3A_846, %parallel_loop3A_851 : vector<16xf32>
        %parallel_loop3A_853 = arith.constant 1536 : i32
        %parallel_loop3A_854 = vector.broadcast %parallel_loop3A_853 : i32 to vector<16xi32>
        %parallel_loop3A_855 = arith.addi %parallel_loop3A_854, %parallel_loop3A_549 : vector<16xi32>
        %parallel_loop3A_856 = tpu.vector_load_idx %arg14[%parallel_loop3A_855, %parallel_loop3A_838] : memref<4096x8xf32, #tpu.memory_space<vmem>>[vector<16xi32>, vector<16xi32>], vector<16xf32>,
        %parallel_loop3A_857 = arith.mulf %parallel_loop3A_572, %parallel_loop3A_856 : vector<16xf32>
        %parallel_loop3A_858 = arith.addf %parallel_loop3A_852, %parallel_loop3A_857 : vector<16xf32>
        %parallel_loop3A_859 = arith.constant 2048 : i32
        %parallel_loop3A_860 = vector.broadcast %parallel_loop3A_859 : i32 to vector<16xi32>
        %parallel_loop3A_861 = arith.addi %parallel_loop3A_860, %parallel_loop3A_549 : vector<16xi32>
        %parallel_loop3A_862 = tpu.vector_load_idx %arg14[%parallel_loop3A_861, %parallel_loop3A_838] : memref<4096x8xf32, #tpu.memory_space<vmem>>[vector<16xi32>, vector<16xi32>], vector<16xf32>,
        %parallel_loop3A_863 = arith.mulf %parallel_loop3A_573, %parallel_loop3A_862 : vector<16xf32>
        %parallel_loop3A_864 = arith.addf %parallel_loop3A_858, %parallel_loop3A_863 : vector<16xf32>
        %parallel_loop3A_865 = arith.constant 2560 : i32
        %parallel_loop3A_866 = vector.broadcast %parallel_loop3A_865 : i32 to vector<16xi32>
        %parallel_loop3A_867 = arith.addi %parallel_loop3A_866, %parallel_loop3A_549 : vector<16xi32>
        %parallel_loop3A_868 = tpu.vector_load_idx %arg14[%parallel_loop3A_867, %parallel_loop3A_838] : memref<4096x8xf32, #tpu.memory_space<vmem>>[vector<16xi32>, vector<16xi32>], vector<16xf32>,
        %parallel_loop3A_869 = arith.mulf %parallel_loop3A_574, %parallel_loop3A_868 : vector<16xf32>
        %parallel_loop3A_870 = arith.addf %parallel_loop3A_864, %parallel_loop3A_869 : vector<16xf32>
        %parallel_loop3A_871 = arith.constant 3072 : i32
        %parallel_loop3A_872 = vector.broadcast %parallel_loop3A_871 : i32 to vector<16xi32>
        %parallel_loop3A_873 = arith.addi %parallel_loop3A_872, %parallel_loop3A_549 : vector<16xi32>
        %parallel_loop3A_874 = tpu.vector_load_idx %arg14[%parallel_loop3A_873, %parallel_loop3A_838] : memref<4096x8xf32, #tpu.memory_space<vmem>>[vector<16xi32>, vector<16xi32>], vector<16xf32>,
        %parallel_loop3A_875 = arith.mulf %parallel_loop3A_575, %parallel_loop3A_874 : vector<16xf32>
        %parallel_loop3A_876 = arith.addf %parallel_loop3A_870, %parallel_loop3A_875 : vector<16xf32>
        %parallel_loop3A_877 = arith.constant 3584 : i32
        %parallel_loop3A_878 = vector.broadcast %parallel_loop3A_877 : i32 to vector<16xi32>
        %parallel_loop3A_879 = arith.addi %parallel_loop3A_878, %parallel_loop3A_549 : vector<16xi32>
        %parallel_loop3A_880 = tpu.vector_load_idx %arg14[%parallel_loop3A_879, %parallel_loop3A_838] : memref<4096x8xf32, #tpu.memory_space<vmem>>[vector<16xi32>, vector<16xi32>], vector<16xf32>,
        %parallel_loop3A_881 = arith.mulf %parallel_loop3A_576, %parallel_loop3A_880 : vector<16xf32>
        %parallel_loop3A_882 = arith.addf %parallel_loop3A_876, %parallel_loop3A_881 : vector<16xf32>
        %parallel_loop3A_883 = arith.constant 8 : i32
        %parallel_loop3A_884 = vector.broadcast %parallel_loop3A_883 : i32 to vector<16xi32>
        %parallel_loop3A_885 = arith.muli %parallel_loop3A_549, %parallel_loop3A_884 : vector<16xi32>
        %parallel_loop3A_886 = arith.constant 5 : i32
        %parallel_loop3A_887 = vector.broadcast %parallel_loop3A_886 : i32 to vector<16xi32>
        %parallel_loop3A_888 = arith.addi %parallel_loop3A_885, %parallel_loop3A_887 : vector<16xi32>
        tpu.vector_store_idx %arg8[%parallel_loop3A_888], %parallel_loop3A_882 : memref<4096xf32, #tpu.memory_space<vmem>>[vector<16xi32>], vector<16xf32>,
        %parallel_loop3A_889 = arith.constant 6 : i32
        %parallel_loop3A_890 = vector.broadcast %parallel_loop3A_889 : i32 to vector<16xi32>
        %parallel_loop3A_891 = tpu.vector_load_idx %arg14[%parallel_loop3A_549, %parallel_loop3A_890] : memref<4096x8xf32, #tpu.memory_space<vmem>>[vector<16xi32>, vector<16xi32>], vector<16xf32>,
        %parallel_loop3A_892 = arith.mulf %parallel_loop3A_569, %parallel_loop3A_891 : vector<16xf32>
        %parallel_loop3A_893 = arith.constant 512 : i32
        %parallel_loop3A_894 = vector.broadcast %parallel_loop3A_893 : i32 to vector<16xi32>
        %parallel_loop3A_895 = arith.addi %parallel_loop3A_894, %parallel_loop3A_549 : vector<16xi32>
        %parallel_loop3A_896 = tpu.vector_load_idx %arg14[%parallel_loop3A_895, %parallel_loop3A_890] : memref<4096x8xf32, #tpu.memory_space<vmem>>[vector<16xi32>, vector<16xi32>], vector<16xf32>,
        %parallel_loop3A_897 = arith.mulf %parallel_loop3A_570, %parallel_loop3A_896 : vector<16xf32>
        %parallel_loop3A_898 = arith.addf %parallel_loop3A_892, %parallel_loop3A_897 : vector<16xf32>
        %parallel_loop3A_899 = arith.constant 1024 : i32
        %parallel_loop3A_900 = vector.broadcast %parallel_loop3A_899 : i32 to vector<16xi32>
        %parallel_loop3A_901 = arith.addi %parallel_loop3A_900, %parallel_loop3A_549 : vector<16xi32>
        %parallel_loop3A_902 = tpu.vector_load_idx %arg14[%parallel_loop3A_901, %parallel_loop3A_890] : memref<4096x8xf32, #tpu.memory_space<vmem>>[vector<16xi32>, vector<16xi32>], vector<16xf32>,
        %parallel_loop3A_903 = arith.mulf %parallel_loop3A_571, %parallel_loop3A_902 : vector<16xf32>
        %parallel_loop3A_904 = arith.addf %parallel_loop3A_898, %parallel_loop3A_903 : vector<16xf32>
        %parallel_loop3A_905 = arith.constant 1536 : i32
        %parallel_loop3A_906 = vector.broadcast %parallel_loop3A_905 : i32 to vector<16xi32>
        %parallel_loop3A_907 = arith.addi %parallel_loop3A_906, %parallel_loop3A_549 : vector<16xi32>
        %parallel_loop3A_908 = tpu.vector_load_idx %arg14[%parallel_loop3A_907, %parallel_loop3A_890] : memref<4096x8xf32, #tpu.memory_space<vmem>>[vector<16xi32>, vector<16xi32>], vector<16xf32>,
        %parallel_loop3A_909 = arith.mulf %parallel_loop3A_572, %parallel_loop3A_908 : vector<16xf32>
        %parallel_loop3A_910 = arith.addf %parallel_loop3A_904, %parallel_loop3A_909 : vector<16xf32>
        %parallel_loop3A_911 = arith.constant 2048 : i32
        %parallel_loop3A_912 = vector.broadcast %parallel_loop3A_911 : i32 to vector<16xi32>
        %parallel_loop3A_913 = arith.addi %parallel_loop3A_912, %parallel_loop3A_549 : vector<16xi32>
        %parallel_loop3A_914 = tpu.vector_load_idx %arg14[%parallel_loop3A_913, %parallel_loop3A_890] : memref<4096x8xf32, #tpu.memory_space<vmem>>[vector<16xi32>, vector<16xi32>], vector<16xf32>,
        %parallel_loop3A_915 = arith.mulf %parallel_loop3A_573, %parallel_loop3A_914 : vector<16xf32>
        %parallel_loop3A_916 = arith.addf %parallel_loop3A_910, %parallel_loop3A_915 : vector<16xf32>
        %parallel_loop3A_917 = arith.constant 2560 : i32
        %parallel_loop3A_918 = vector.broadcast %parallel_loop3A_917 : i32 to vector<16xi32>
        %parallel_loop3A_919 = arith.addi %parallel_loop3A_918, %parallel_loop3A_549 : vector<16xi32>
        %parallel_loop3A_920 = tpu.vector_load_idx %arg14[%parallel_loop3A_919, %parallel_loop3A_890] : memref<4096x8xf32, #tpu.memory_space<vmem>>[vector<16xi32>, vector<16xi32>], vector<16xf32>,
        %parallel_loop3A_921 = arith.mulf %parallel_loop3A_574, %parallel_loop3A_920 : vector<16xf32>
        %parallel_loop3A_922 = arith.addf %parallel_loop3A_916, %parallel_loop3A_921 : vector<16xf32>
        %parallel_loop3A_923 = arith.constant 3072 : i32
        %parallel_loop3A_924 = vector.broadcast %parallel_loop3A_923 : i32 to vector<16xi32>
        %parallel_loop3A_925 = arith.addi %parallel_loop3A_924, %parallel_loop3A_549 : vector<16xi32>
        %parallel_loop3A_926 = tpu.vector_load_idx %arg14[%parallel_loop3A_925, %parallel_loop3A_890] : memref<4096x8xf32, #tpu.memory_space<vmem>>[vector<16xi32>, vector<16xi32>], vector<16xf32>,
        %parallel_loop3A_927 = arith.mulf %parallel_loop3A_575, %parallel_loop3A_926 : vector<16xf32>
        %parallel_loop3A_928 = arith.addf %parallel_loop3A_922, %parallel_loop3A_927 : vector<16xf32>
        %parallel_loop3A_929 = arith.constant 3584 : i32
        %parallel_loop3A_930 = vector.broadcast %parallel_loop3A_929 : i32 to vector<16xi32>
        %parallel_loop3A_931 = arith.addi %parallel_loop3A_930, %parallel_loop3A_549 : vector<16xi32>
        %parallel_loop3A_932 = tpu.vector_load_idx %arg14[%parallel_loop3A_931, %parallel_loop3A_890] : memref<4096x8xf32, #tpu.memory_space<vmem>>[vector<16xi32>, vector<16xi32>], vector<16xf32>,
        %parallel_loop3A_933 = arith.mulf %parallel_loop3A_576, %parallel_loop3A_932 : vector<16xf32>
        %parallel_loop3A_934 = arith.addf %parallel_loop3A_928, %parallel_loop3A_933 : vector<16xf32>
        %parallel_loop3A_935 = arith.constant 8 : i32
        %parallel_loop3A_936 = vector.broadcast %parallel_loop3A_935 : i32 to vector<16xi32>
        %parallel_loop3A_937 = arith.muli %parallel_loop3A_549, %parallel_loop3A_936 : vector<16xi32>
        %parallel_loop3A_938 = arith.constant 6 : i32
        %parallel_loop3A_939 = vector.broadcast %parallel_loop3A_938 : i32 to vector<16xi32>
        %parallel_loop3A_940 = arith.addi %parallel_loop3A_937, %parallel_loop3A_939 : vector<16xi32>
        tpu.vector_store_idx %arg8[%parallel_loop3A_940], %parallel_loop3A_934 : memref<4096xf32, #tpu.memory_space<vmem>>[vector<16xi32>], vector<16xf32>,
        %parallel_loop3A_941 = arith.constant 7 : i32
        %parallel_loop3A_942 = vector.broadcast %parallel_loop3A_941 : i32 to vector<16xi32>
        %parallel_loop3A_943 = tpu.vector_load_idx %arg14[%parallel_loop3A_549, %parallel_loop3A_942] : memref<4096x8xf32, #tpu.memory_space<vmem>>[vector<16xi32>, vector<16xi32>], vector<16xf32>,
        %parallel_loop3A_944 = arith.mulf %parallel_loop3A_569, %parallel_loop3A_943 : vector<16xf32>
        %parallel_loop3A_945 = arith.constant 512 : i32
        %parallel_loop3A_946 = vector.broadcast %parallel_loop3A_945 : i32 to vector<16xi32>
        %parallel_loop3A_947 = arith.addi %parallel_loop3A_946, %parallel_loop3A_549 : vector<16xi32>
        %parallel_loop3A_948 = tpu.vector_load_idx %arg14[%parallel_loop3A_947, %parallel_loop3A_942] : memref<4096x8xf32, #tpu.memory_space<vmem>>[vector<16xi32>, vector<16xi32>], vector<16xf32>,
        %parallel_loop3A_949 = arith.mulf %parallel_loop3A_570, %parallel_loop3A_948 : vector<16xf32>
        %parallel_loop3A_950 = arith.addf %parallel_loop3A_944, %parallel_loop3A_949 : vector<16xf32>
        %parallel_loop3A_951 = arith.constant 1024 : i32
        %parallel_loop3A_952 = vector.broadcast %parallel_loop3A_951 : i32 to vector<16xi32>
        %parallel_loop3A_953 = arith.addi %parallel_loop3A_952, %parallel_loop3A_549 : vector<16xi32>
        %parallel_loop3A_954 = tpu.vector_load_idx %arg14[%parallel_loop3A_953, %parallel_loop3A_942] : memref<4096x8xf32, #tpu.memory_space<vmem>>[vector<16xi32>, vector<16xi32>], vector<16xf32>,
        %parallel_loop3A_955 = arith.mulf %parallel_loop3A_571, %parallel_loop3A_954 : vector<16xf32>
        %parallel_loop3A_956 = arith.addf %parallel_loop3A_950, %parallel_loop3A_955 : vector<16xf32>
        %parallel_loop3A_957 = arith.constant 1536 : i32
        %parallel_loop3A_958 = vector.broadcast %parallel_loop3A_957 : i32 to vector<16xi32>
        %parallel_loop3A_959 = arith.addi %parallel_loop3A_958, %parallel_loop3A_549 : vector<16xi32>
        %parallel_loop3A_960 = tpu.vector_load_idx %arg14[%parallel_loop3A_959, %parallel_loop3A_942] : memref<4096x8xf32, #tpu.memory_space<vmem>>[vector<16xi32>, vector<16xi32>], vector<16xf32>,
        %parallel_loop3A_961 = arith.mulf %parallel_loop3A_572, %parallel_loop3A_960 : vector<16xf32>
        %parallel_loop3A_962 = arith.addf %parallel_loop3A_956, %parallel_loop3A_961 : vector<16xf32>
        %parallel_loop3A_963 = arith.constant 2048 : i32
        %parallel_loop3A_964 = vector.broadcast %parallel_loop3A_963 : i32 to vector<16xi32>
        %parallel_loop3A_965 = arith.addi %parallel_loop3A_964, %parallel_loop3A_549 : vector<16xi32>
        %parallel_loop3A_966 = tpu.vector_load_idx %arg14[%parallel_loop3A_965, %parallel_loop3A_942] : memref<4096x8xf32, #tpu.memory_space<vmem>>[vector<16xi32>, vector<16xi32>], vector<16xf32>,
        %parallel_loop3A_967 = arith.mulf %parallel_loop3A_573, %parallel_loop3A_966 : vector<16xf32>
        %parallel_loop3A_968 = arith.addf %parallel_loop3A_962, %parallel_loop3A_967 : vector<16xf32>
        %parallel_loop3A_969 = arith.constant 2560 : i32
        %parallel_loop3A_970 = vector.broadcast %parallel_loop3A_969 : i32 to vector<16xi32>
        %parallel_loop3A_971 = arith.addi %parallel_loop3A_970, %parallel_loop3A_549 : vector<16xi32>
        %parallel_loop3A_972 = tpu.vector_load_idx %arg14[%parallel_loop3A_971, %parallel_loop3A_942] : memref<4096x8xf32, #tpu.memory_space<vmem>>[vector<16xi32>, vector<16xi32>], vector<16xf32>,
        %parallel_loop3A_973 = arith.mulf %parallel_loop3A_574, %parallel_loop3A_972 : vector<16xf32>
        %parallel_loop3A_974 = arith.addf %parallel_loop3A_968, %parallel_loop3A_973 : vector<16xf32>
        %parallel_loop3A_975 = arith.constant 3072 : i32
        %parallel_loop3A_976 = vector.broadcast %parallel_loop3A_975 : i32 to vector<16xi32>
        %parallel_loop3A_977 = arith.addi %parallel_loop3A_976, %parallel_loop3A_549 : vector<16xi32>
        %parallel_loop3A_978 = tpu.vector_load_idx %arg14[%parallel_loop3A_977, %parallel_loop3A_942] : memref<4096x8xf32, #tpu.memory_space<vmem>>[vector<16xi32>, vector<16xi32>], vector<16xf32>,
        %parallel_loop3A_979 = arith.mulf %parallel_loop3A_575, %parallel_loop3A_978 : vector<16xf32>
        %parallel_loop3A_980 = arith.addf %parallel_loop3A_974, %parallel_loop3A_979 : vector<16xf32>
        %parallel_loop3A_981 = arith.constant 3584 : i32
        %parallel_loop3A_982 = vector.broadcast %parallel_loop3A_981 : i32 to vector<16xi32>
        %parallel_loop3A_983 = arith.addi %parallel_loop3A_982, %parallel_loop3A_549 : vector<16xi32>
        %parallel_loop3A_984 = tpu.vector_load_idx %arg14[%parallel_loop3A_983, %parallel_loop3A_942] : memref<4096x8xf32, #tpu.memory_space<vmem>>[vector<16xi32>, vector<16xi32>], vector<16xf32>,
        %parallel_loop3A_985 = arith.mulf %parallel_loop3A_576, %parallel_loop3A_984 : vector<16xf32>
        %parallel_loop3A_986 = arith.addf %parallel_loop3A_980, %parallel_loop3A_985 : vector<16xf32>
        %parallel_loop3A_987 = arith.constant 8 : i32
        %parallel_loop3A_988 = vector.broadcast %parallel_loop3A_987 : i32 to vector<16xi32>
        %parallel_loop3A_989 = arith.muli %parallel_loop3A_549, %parallel_loop3A_988 : vector<16xi32>
        %parallel_loop3A_990 = arith.constant 7 : i32
        %parallel_loop3A_991 = vector.broadcast %parallel_loop3A_990 : i32 to vector<16xi32>
        %parallel_loop3A_992 = arith.addi %parallel_loop3A_989, %parallel_loop3A_991 : vector<16xi32>
        tpu.vector_store_idx %arg8[%parallel_loop3A_992], %parallel_loop3A_986 : memref<4096xf32, #tpu.memory_space<vmem>>[vector<16xi32>], vector<16xf32>,
      } {sc.loop_unroll_factor = 4 : i64, sc.parallel_access}
      %mul3A_543 = arith.constant 8 : i32
      %mul3A_544 = arith.muli %add3A_539, %mul3A_543 : i32
      "tpu.region"() ({
        %run_scoped3A = tpu.sem_alloc : memref<!tpu.dma_semaphore, #tpu.memory_space<semaphore_mem>>
        %dma_start3A_545 = tpu.memref_slice %arg5[%mul3A_544] : memref<8126464xf32, #tpu.memory_space<hbm>> -> memref<4096xf32, #tpu.memory_space<hbm>>
        %dma_start3A_546 = tpu.memref_slice %arg5[%mul3A_544] : memref<8126464xf32, #tpu.memory_space<hbm>> -> memref<4096xf32, #tpu.memory_space<hbm>>
        tpu.enqueue_dma source(%arg8 : memref<4096xf32, #tpu.memory_space<vmem>>) target(%dma_start3A_546 : memref<4096xf32, #tpu.memory_space<hbm>>) target_semaphore(%run_scoped3A : memref<!tpu.dma_semaphore, #tpu.memory_space<semaphore_mem>>)
        %dma_wait3A_547 = tpu.memref_slice %arg5[%mul3A_544] : memref<8126464xf32, #tpu.memory_space<hbm>> -> memref<4096xf32, #tpu.memory_space<hbm>>
        %dma_wait3A_548 = tpu.memref_slice %arg5[%mul3A_544] : memref<8126464xf32, #tpu.memory_space<hbm>> -> memref<4096xf32, #tpu.memory_space<hbm>>
        tpu.wait_dma2 semaphore(%run_scoped3A : memref<!tpu.dma_semaphore, #tpu.memory_space<semaphore_mem>>) src(%arg8 : memref<4096xf32, #tpu.memory_space<vmem>>) dst(%dma_wait3A_548 : memref<4096xf32, #tpu.memory_space<hbm>>)
        tpu.yield
      }) : () -> ()
    }
    %scan3A_18 = arith.constant 62 : i32
    return
  }
}

</mosaic_0001>

<sc_bundles>
// kernel: kernel.3.cloned.1.call-start
scs
__scs_entry_jumppad:
0x0: {  	(pc) =	sbr.rel $0x88, $3  }
0x1: {  	(tag) =	ssettag $0x0;
	lr =	simm.s32 $0x1  }
0x2: {  	[smem:$0x3F9D] =	sst lr;
	_ =	strace $0xD0000000  }
0x3: {  	_ = 	snop  }
0x4: {  	_ = 	snop  }
0x5: {  	_ = 	snop  }
0x6: {  	_ = 	snop  }
0x7: {  	_ = 	snop  }
__scs_overlays_trampoline_lowered:
0x8: {  	[smem:$0x3FAC] =	sst s0  }
0x9: {  	[smem:$0x3FAD] =	sst s1  }
0xa: {  	[smem:$0x3FAE] =	sst s2  }
0xb: {  	[smem:$0x3FAF] =	sst s3  }
0xc: {  	[smem:$0x3FB0] =	sst s4  }
0xd: {  	[smem:$0x3FB1] =	sst s5  }
0xe: {  	[smem:$0x3FB2] =	sst s6  }
0xf: {  	[smem:$0x3FB3] =	sst s7  }
0x10: {  	[smem:$0x3FB4] =	sst s8  }
0x11: {  	[smem:$0x3FB5] =	sst s9;
	s0 =	simm.s32 @!p0 $0x0  }
0x12: {  	s1 =	sld [smem:$0x3F9B];
	s0 =	simm.s32 @p0 $0x1  }
0x13: {  	[smem:$0x3FB6] =	sst s0;
	s0 =	simm.s32 @!p1 $0x0  }
0x14: {  	s2 =	sld [smem:$0x3F9A];
	s0 =	simm.s32 @p1 $0x1  }
0x15: {  	[smem:$0x3FB7] =	sst s0;
	s0 =	simm.s32 @!p2 $0x0  }
0x16: {  	s3 =	sld [smem:$0x3FDB];
	s0 =	simm.s32 @p2 $0x1  }
0x17: {  	s4 =	simm.s32 $0x1BF5;
	[smem:$0x3FB9] =	sst s0  }
0x18: {  	s0 =	sld [smem:$0x3F9C];
	_ =	swait.ge [sflag:s4], $0x0  }
0x19: {  	s7 =	sld [smem:$0x3F9D]  }
0x1a: {  	s8 =	sadd.s32 $0xFFFFE003, lr  }
0x1b: {  	s9 =	sadd.s32 $0xFFFFFEF7, lr;
	s5 =	simm.s32 $0xFFFFFFFF;
	p2 =	slt.u32 s8, $0xFFFFF086  }
0x1c: {  	p1 =	slt.u32 s9, $0xF7A;
	s5 =	simm.s32 @!p2 $0x0  }
0x1d: {  	s5 =	simm.s32 @p1 $0x1;
	p0 =	seq.s32 s7, s2  }
0x1e: {  	s7 =	smul.u32 @!p0 $0xF7A, s2;
	p2 =	seq.s32 @!p0 s5, $0x0  }
0x1f: {  	s9 =	smul.u32 $0xF7A, s1;
	s8 =	simm.s32 @!p0 $0x1BF5;
	p2 =	por !p2, p0  }
0x20: {  	[sflag:s8] =	ssyncset.s32 @!p0 $0xFFFFF086;
	s6 =	sadd.s32 @!p0 s3, s7;
	s7 =	simm.s32 @!p0 $0x108  }
0x21: {  	s3 =	sadd.s32 s3, s9;
	s6 =	sadd.s32 @!p0 $0x88, s6;
	s7 =	simm.s32 @p2 $0x1082  }
0x22: {  	[simem:s7], [sflag:s8] =	dma.local @!p0 [hbm:s6], $0xF7A  }
0x23: {  	s9 =	sor.u32 $0xD0000000, s2;
	s6 =	simm.s32 $0x108;
	_ =	swait.ge @!p0 [sflag:s8], $0x0  }
0x24: {  	s3 =	sadd.s32 $0x88, s3;
	s6 =	simm.s32 @!p1 $0x1082;
	[sflag:s4] =	ssyncset.s32 $0xFFFFF086  }
0x25: {  	[simem:s6], [sflag:s4] =	dma.local [hbm:s3], $0xF7A  }
0x26: {  	[smem:$0x3F9D] =	sst s1;
	(tag) =	ssettag s2;
	_ =	strace s9  }
0x27: {  	s1 =	sld [smem:$0x3FAD]  }
0x28: {  	s2 =	sld [smem:$0x3FAE]  }
0x29: {  	s4 =	sld [smem:$0x3FB0]  }
0x2a: {  	p0 =	seq.s32 s5, $0x0;
	s5 =	sld [smem:$0x3FB1]  }
0x2b: {  	s6 =	sld [smem:$0x3FB2]  }
0x2c: {  	s7 =	sld [smem:$0x3FB3]  }
0x2d: {  	s3 =	simm.s32 $0x108;
	s8 =	sld [smem:$0x3FB4]  }
0x2e: {  	s3 =	simm.s32 @!p0 $0x1082;
	s9 =	sld [smem:$0x3FB5]  }
0x2f: {  	lr =	sadd.s32 s0, s3;
	s0 =	sld [smem:$0x3FAC]  }
0x30: {  	s3 =	sld [smem:$0x3FAF]  }
0x31: {  	[smem:$0x3FB8] =	sst s10  }
0x32: {  	s10 =	sld [smem:$0x3FB6];
	_ =	sdelay $0x3  }
0x33: {  	p0 =	seq.s32 s10, $0x1;
	s10 =	sld [smem:$0x3FB8];
	_ =	sdelay $0x3  }
0x34: {  	[smem:$0x3FB8] =	sst s10  }
0x35: {  	s10 =	sld [smem:$0x3FB7];
	_ =	sdelay $0x3  }
0x36: {  	p1 =	seq.s32 s10, $0x1;
	s10 =	sld [smem:$0x3FB8];
	_ =	sdelay $0x3  }
0x37: {  	[smem:$0x3FB8] =	sst s10  }
0x38: {  	s10 =	sld [smem:$0x3FB9]  }
0x39: {  	_ = 	snop;
	(pc) =	sbr.ind lr, $3  }
0x3a: {  	_ = 	snop  }
0x3b: {  	_ = 	snop  }
0x3c: {  	p2 =	seq.s32 s10, $0x1;
	s10 =	sld [smem:$0x3FB8]  }
0x3d: {  	_ =	shalt  }
0x3e: {  	_ =	shalt  }
0x3f: {  	_ =	shalt  }
0x40: {  	_ =	shalt  }
0x41: {  	_ =	shalt  }
0x42: {  	_ =	shalt  }
0x43: {  	_ =	shalt  }
0x44: {  	_ =	shalt  }
0x45: {  	_ =	shalt  }
0x46: {  	_ =	shalt  }
0x47: {  	_ =	shalt  }
0x48: {  	_ =	shalt  }
0x49: {  	_ =	shalt  }
0x4a: {  	_ =	shalt  }
0x4b: {  	_ =	shalt  }
0x4c: {  	_ =	shalt  }
0x4d: {  	_ =	shalt  }
0x4e: {  	_ =	shalt  }
0x4f: {  	_ =	shalt  }
0x50: {  	_ =	shalt  }
0x51: {  	_ =	shalt  }
0x52: {  	_ =	shalt  }
0x53: {  	_ =	shalt  }
0x54: {  	_ =	shalt  }
0x55: {  	_ =	shalt  }
0x56: {  	_ =	shalt  }
0x57: {  	_ =	shalt  }
0x58: {  	_ =	shalt  }
0x59: {  	_ =	shalt  }
0x5a: {  	_ =	shalt  }
0x5b: {  	_ =	shalt  }
0x5c: {  	_ =	shalt  }
0x5d: {  	_ =	shalt  }
0x5e: {  	_ =	shalt  }
0x5f: {  	_ =	shalt  }
0x60: {  	_ =	shalt  }
0x61: {  	_ =	shalt  }
0x62: {  	_ =	shalt  }
0x63: {  	_ =	shalt  }
0x64: {  	_ =	shalt  }
0x65: {  	_ =	shalt  }
0x66: {  	_ =	shalt  }
0x67: {  	_ =	shalt  }
0x68: {  	_ =	shalt  }
0x69: {  	_ =	shalt  }
0x6a: {  	_ =	shalt  }
0x6b: {  	_ =	shalt  }
0x6c: {  	_ =	shalt  }
0x6d: {  	_ =	shalt  }
0x6e: {  	_ =	shalt  }
0x6f: {  	_ =	shalt  }
0x70: {  	_ =	shalt  }
0x71: {  	_ =	shalt  }
0x72: {  	_ =	shalt  }
0x73: {  	_ =	shalt  }
0x74: {  	_ =	shalt  }
0x75: {  	_ =	shalt  }
0x76: {  	_ =	shalt  }
0x77: {  	_ =	shalt  }
0x78: {  	_ =	shalt  }
0x79: {  	_ =	shalt  }
0x7a: {  	_ =	shalt  }
0x7b: {  	_ =	shalt  }
0x7c: {  	_ =	shalt  }
0x7d: {  	_ =	shalt  }
0x7e: {  	_ =	shalt  }
0x7f: {  	_ =	shalt  }
0x80: {  	_ =	shalt  }
0x81: {  	_ =	shalt  }
0x82: {  	_ =	shalt  }
0x83: {  	_ =	shalt  }
0x84: {  	_ =	shalt  }
0x85: {  	_ =	shalt  }
0x86: {  	_ =	shalt  }
0x87: {  	_ =	shalt  }
.Lfunc_end0:
.L_simem_size_0:
called_computation_lowered:
.L_overlay_start_0:
0x88: {  	s2 =	sld [smem:$0x3FD9]  }
0x89: {  	s3 =	sld [smem:$0x3FFE];
	_ =	sdelay $0x1  }
0x8a: {  	s1 =	srdreg.scid  }
0x8b: {  	s0 =	sand.u32 $0x1, s1  }
0x8c: {  	s17 =	sshll.u32 s0, $0xA;
	s2 =	sadd.s32 s3, s2  }
0x8d: {  	s2 =	sadd.s32 s2, s17  }
0x8e: {  	[smem:$0x3FC4] =	sst s2  }
0x8f: {  	_ = 	snop  }
0x90: {  	s2 =	sld [smem:$0x3FD0];
	(tm) =	ssettm $0x1  }
0x91: {  	s18 =	sld [smem:$0x3FFB];
	_ =	sdelay $0x3  }
0x92: {  	_ =	strace s18  }
0x93: {  	s3 =	sld [smem:$0x3FFC];
	_ =	sdelay $0x3  }
0x94: {  	_ =	strace s3  }
0x95: {  	s3 =	sld [smem:$0x3FFD];
	_ =	sdelay $0x3  }
0x96: {  	_ =	strace s3  }
0x97: {  	_ =	strace $0x8FFFFFFF  }
0x98: {  	s19 =	sld [smem:$0x3FDB];
	_ =	sdelay $0x1  }
0x99: {  	s4 =	simm.s32 $_scs_section_size  }
0x9a: {  	s5 =	simm.s32 $_size__tile_overlayer_lowered;
	s6 =	simm.s32 $_tile_overlayer_lowered  }
0x9b: {  	s22 =	simm.s32 $0x1BFF;
	s21 =	sshll.u32 s6, $0x1;
	s3 =	sadd.s32 s4, s19  }
0x9c: {  	s7 =	simm.s32 $0x0;
	s20 =	sshll.u32 s5, $0x1;
	s5 =	sadd.s32 s21, s3  }
0x9d: {  	[timem:s7], [sflag:s22] =	dma.local [hbm:s5], s20  }
0x9e: {  	_ =	swait.ge [sflag:s22], s20  }
0x9f: {  	s4 =	ssub.s32 $0x0, s20;
	[sflag:s22] =	ssyncset.done $0x0  }
0xa0: {  	[sflag:s22] =	ssyncadd.s32 s4;
	_ =	sdelay $0x1  }
0xa1: {  	s23 =	simm.s32 $0x1B8B  }
0xa2: {  	_ =	swait.ge [sflag:s23], $0x1  }
0xa3: {  	[sflag:s23] =	ssyncset.done $0x0  }
0xa4: {  	s25 =	simm.s32 $0x1B8E;
	s24 =	sld [smem:$0x3FFE];
	[sflag:s23] =	ssyncadd.s32 $0xFFFFFFFF  }
0xa5: {  	s26 =	simm.s32 $execute0_lowered;
	[smem:$0x3FD2] =	sst s25  }
0xa6: {  	s5 =	sshll.u32 s26, $0x1;
	_ =	strace $0x80000046;
	[dreg:$0x1] =	wrdreg $0xFFFFFFFF  }
0xa7: {  	s28 =	simm.s32 $_size_execute0_lowered;
	s3 =	sadd.s32 s3, s5;
	[dreg:$0x0] =	wrdreg $0x0  }
0xa8: {  	s5 =	sshll.u32 s28, $0x1;
	[dreg:$0x2] =	wrdreg s3  }
0xa9: {  	[dreg:$0x3] =	wrdreg s5  }
0xaa: {  	[dreg:$0x4] =	wrdreg $0xC0  }
0xab: {  	_ =	task [dreg:s7], $0x5FFFF  }
0xac: {  	[dreg:$0x1] =	wrdreg $0xFFFFFFFF  }
0xad: {  	[dreg:$0x0] =	wrdreg $0x60  }
0xae: {  	[dreg:$0x2] =	wrdreg s2  }
0xaf: {  	[dreg:$0x3] =	wrdreg s24  }
0xb0: {  	[dreg:$0x4] =	wrdreg $0x9  }
0xb1: {  	_ =	task.clear_ibuf [dreg:s7], $0x5FFFF;
	_ =	strace $0x90000046  }
0xb2: {  	s29 =	simm.s32 $0x9;
	_ =	strace $0x80000048  }
0xb3: {  	_ =	swait.ge [sflag:s29], $0x1  }
0xb4: {  	[sflag:s29] =	ssyncadd.s32 $0xFFFFFFFF  }
0xb5: {  	_ =	strace $0x90000048  }
0xb6: {  	_ =	sfence  }
0xb7: {  	s30 =	sld [smem:$0x0];
	_ =	sdelay $0x2  }
0xb8: {  	s31 =	sshll.u32 s1, $0xD;
	s1 =	sshrl.u32 s1, $0x2  }
0xb9: {  	s3 =	sand.u32 $0x4000, s31;
	s1 =	sadd.s32 s1, s30  }
0xba: {  	s0 =	sor.u32 s3, s0;
	s1 =	sshll.u32 s1, $0x11  }
0xbb: {  	s0 =	sor.u32 s1, s0  }
0xbc: {  	s0 =	sadd.s32 $0x8F2B, s0  }
0xbd: {  	[sflag:s0] =	ssyncadd.remote.s32 $0x1  }
0xbe: {  	_ =	sfence.sel $0xFFFF  }
0xbf: {  	[dreg:$0x0] =	wrdreg $0xFFFFFFFF;
	(pc) =	sbr.abs _section_cstart, $3  }
0xc0: {  	[dreg:$0x1] =	wrdreg $0xFFFFFFFF  }
0xc1: {  	_ =	task.clear_ibuf [dreg:s7], $0x2FFFF;
	_ =	strace $0x9FFFFFFF  }
0xc2: {  	(tm) =	ssettm $0x7FFFFFFF  }
0xc3: {  	_ =	shalt  }
tec
execute0_lowered:
.L_overlay_start_1:
0x0: {  	(tag) =	ssettag $0x1  }
0x1: {  	s0 =	rddreg [dreg:$0x1];
	s2 =	simm.s32 $0x0  }
0x2: {  	s1 =	srdreg.scid;
	s6 =	stileid.u32;
	s9 =	simm.s32 $0x2  }
0x3: {  	s11 =	simm.s32 $0x80;
	s13 =	simm.s32 $0x2C10;
	s18 =	simm.s32 $0x2990  }
0x4: {  	s19 =	simm.s32 $0x9810;
	s20 =	simm.s32 $0x2A10;
	s21 =	simm.s32 $0x9C10  }
0x5: {  	s22 =	simm.s32 $0x2A90;
	s23 =	simm.s32 $0xA010;
	s24 =	simm.s32 $0x2B10  }
0x6: {  	s25 =	simm.s32 $0xA410;
	s28 =	simm.s32 $0xA810;
	s29 =	simm.s32 $0x1  }
0x7: {  	s30 =	simm.s32 $0x610;
	[smem:$0x7FF] =	sst s2;
	s1 =	sand.u32 $0x1, s1  }
0x8: {  	s4 =	sadd.s32 $0x2000E00, s0;
	s5 =	sadd.s32 $0xC00, s0;
	s3 =	ssub.s32 $0x2, s1  }
0x9: {  	v0 =	vlaneseq.u32;
	s7 =	sshll.u32 s6, $0x1;
	s6 =	sadd.s32 $0xE00, s0;
	s26 =	sshrl.u32 s3, $0x1  }
0xa: {  	v1 =	vmul.u32 $0x8, v0;
	_ =	strace $0x80000047;
	s1 =	sor.u32 s1, s7;
	s31 =	ssub.s32 s3, s26  }
0xb: {  	[dreg:$0x3] =	wrdreg s5;
	s7 =	smul.u32 $0x7C00, s1;
	s0 =	smax.u32 s31, $0x1  }
0xc: {  	s1 =	simm.s32 $0x0;
	[tilespmem:$0x1FFF0] =	vst v1;
	s26 =	simm.s32 $0x2B90;
	[dreg:$0x4] =	wrdreg s0  }
.LBB2_1:
0xd: {  	[dreg:$0x5] =	wrdreg s1  }
0xe: {  	s0 =	rddreg [dreg:$0x3]  }
0xf: {  	[tilespmem:s2], [sflag:$0x2] =	stream.linear.gather [hbm4b:s0+s2], $0x10, $0x38;
	[tilespmem:$0xAC10] =	vst v63  }
0x10: {  	_ =	swait.ge [sflag:s9], $0x10  }
0x11: {  	[sflag:s9] =	ssyncset.done $0x0  }
0x12: {  	[sflag:s9] =	ssyncadd.s32 $0xFFFFFFF0  }
0x13: {  	v0 =	vld [tilespmem:$0x0];
	_ =	sdelay $0x4  }
0x14: {  	v50 =	vbroadcast v0, $0x0;
	v2 =	vbroadcast v0, $0x3  }
0x15: {  	v3 =	vbroadcast v0, $0x1;
	v4 =	vbroadcast v0, $0x4  }
0x16: {  	s31 =	simm.s32 $0x0;
	v5 =	vbroadcast v0, $0x2;
	v6 =	vbroadcast v0, $0x5  }
.LBB2_2:
0x17: {  	s0 =	sshll.u32 s31, $0x9  }
0x18: {  	s0 =	sadd.s32 s7, s0  }
0x19: {  	s1 =	smul.u32 $0x3, s0;
	_ =	sdelay $0x1  }
0x1a: {  	s3 =	rddreg [dreg:$0x0];
	s1 =	sshrl.u32 s1, $0x3  }
0x1b: {  	s16 =	simm.s32 $0x10;
	s1 =	sadd.s32 s3, s1  }
0x1c: {  	[tilespmem:s16], [sflag:$0x2] =	stream.linear.gather [hbm4b:s1+s2], $0x600, $0x38;
	[tilespmem:$0xAC10] =	vst v63  }
0x1d: {  	_ =	swait.ge [sflag:s9], $0x600  }
0x1e: {  	[sflag:s9] =	ssyncset.done $0x0  }
0x1f: {  	s17 =	simm.s32 $0x230;
	[sflag:s9] =	ssyncadd.s32 $0xFFFFFA00  }
0x20: {  	v0 =	vld [tilespmem:s17+$0xFFFFFDF0]  }
0x21: {  	v7 =	vld [tilespmem:s17+$0x200]  }
0x22: {  	v8 =	vld [tilespmem:s17+$0x1E0]  }
0x23: {  	v9 =	vld [tilespmem:s17+$0x0]  }
0x24: {  	v10 =	vld [tilespmem:s17+$0xFFFFFFF0]  }
0x25: {  	v12 =	vld [tilespmem:s17+$0xFFFFFE00]  }
0x26: {  	v13 =	vld [tilespmem:s17+$0x1F0]  }
0x27: {  	v14 =	vld [tilespmem:s17+$0xFFFFFDE0]  }
0x28: {  	v15 =	vld [tilespmem:s17+$0x10]  }
0x29: {  	v0 =	vsub.f32 v0, v50;
	v7 =	vsub.f32 v7, v5  }
0x2a: {  	v11 =	vld [tilespmem:s17+$0x210];
	v8 =	vsub.f32 v8, v5;
	v9 =	vsub.f32 v9, v3  }
0x2b: {  	v10 =	vsub.f32 v10, v3;
	v12 =	vsub.f32 v12, v50  }
0x2c: {  	v13 =	vsub.f32 v13, v5;
	v14 =	vsub.f32 v14, v50;
	v0 =	vmul.f32 v0, v2  }
0x2d: {  	v17 =	vld [tilespmem:s17+$0xFFFFFFE0];
	v15 =	vsub.f32 v15, v3;
	v7 =	vmul.f32 v7, v6;
	v8 =	vmul.f32 v8, v6  }
0x2e: {  	v10 =	vmul.f32 v10, v4;
	v27 =	vmul.f32 v12, v2;
	v0 =	vmax.f32 v0, $0.0e+00  }
0x2f: {  	v16 =	vmax.f32 v7, $0.0e+00;
	v7 =	vsub.f32 v11, v5;
	v8 =	vmax.f32 v8, $0.0e+00  }
0x30: {  	v10 =	vmax.f32 v10, $0.0e+00;
	v0 =	vmin.f32 v0, $1.270000000e+02;
	v18 =	vmin.f32 v8, $1.270000000e+02  }
0x31: {  	v19 =	vmin.f32 v10, $1.270000000e+02;
	v8 =	vmul.f32 v13, v6;
	v10 =	vmul.f32 v14, v2  }
0x32: {  	v17 =	vsub.f32 v17, v3;
	v11 =	vtrunc.f32 v0;
	v7 =	vmul.f32 v7, v6  }
0x33: {  	v34 =	vmin.f32 v16, $1.270000000e+02;
	v12 =	vtrunc.f32 v18;
	v20 =	vcvt.f32.s32 v11  }
0x34: {  	v13 =	vld [tilespmem:s17+$0xFFFFFE10];
	v54 =	vtrunc.f32 v34;
	v8 =	vmax.f32 v8, $0.0e+00;
	v30 =	vcvt.f32.s32 v12  }
0x35: {  	v7 =	vmax.f32 v7, $0.0e+00;
	v11 =	vcvt.s32.f32 v20;
	v14 =	vadd.s32 $0x1, v20  }
0x36: {  	v21 =	vmin.f32 v7, $1.270000000e+02;
	v7 =	vmin.f32 v8, $1.270000000e+02;
	v8 =	vmul.f32 v17, v4  }
0x37: {  	v17 =	vtrunc.f32 v19;
	v37 =	vcvt.s32.f32 v30;
	v20 =	vshll.u32 v20, $0xE  }
0x38: {  	vm0 =	vlt.s32 v14, $0x7F;
	v22 =	vsub.f32 v0, v11;
	v0 =	vmul.f32 v15, v4  }
0x39: {  	v13 =	vsub.f32 v13, v50;
	v11 =	vtrunc.f32 v21;
	v15 =	vtrunc.f32 v7  }
0x3a: {  	v24 =	vmax.f32 v8, $0.0e+00;
	v8 =	vnsel vm0, $0x7F, v14;
	v14 =	vmul.f32 v9, v4  }
0x3b: {  	v8 =	vshll.u32 v8, $0xE;
	v9 =	vcvt.f32.s32 v11;
	v11 =	vcvt.f32.s32 v17  }
0x3c: {  	v13 =	vmul.f32 v13, v2;
	v23 =	vmax.f32 v0, $0.0e+00;
	v14 =	vmax.f32 v14, $0.0e+00  }
0x3d: {  	v0 =	vcvt.f32.s32 v15;
	v15 =	vmin.f32 v23, $1.270000000e+02;
	v14 =	vmin.f32 v14, $1.270000000e+02  }
0x3e: {  	v13 =	vmax.f32 v13, $0.0e+00;
	v29 =	vshll.u32 v11, $0x7;
	v39 =	vadd.s32 $0x1, v9  }
0x3f: {  	v23 =	vcvt.s32.f32 v0;
	v25 =	vadd.s32 $0x1, v0;
	v17 =	vtrunc.f32 v15  }
0x40: {  	v16 =	vtrunc.f32 v14;
	v32 =	vmin.f32 v13, $1.270000000e+02;
	vm1 =	vlt.s32 v39, $0x7F  }
0x41: {  	vm0 =	vlt.s32 v25, $0x7F;
	v28 =	vcvt.f32.s32 v17;
	v31 =	vcvt.f32.s32 v16  }
0x42: {  	v16 =	vmax.f32 v10, $0.0e+00;
	v26 =	vsub.f32 v7, v23;
	v7 =	vnsel vm0, $0x7F, v25  }
0x43: {  	v23 =	vadd.s32 $0x1, v11;
	v13 =	vmin.f32 v16, $1.270000000e+02;
	v16 =	vmin.f32 v24, $1.270000000e+02  }
0x44: {  	v24 =	vcvt.s32.f32 v11;
	v11 =	vadd.s32 v29, v8;
	v29 =	vadd.s32 v20, v29  }
0x45: {  	vm0 =	vlt.s32 v23, $0x7F;
	v25 =	vtrunc.f32 v13;
	v35 =	vadd.s32 $0x1, v31  }
0x46: {  	s8 =	simm.s32 $0x1630;
	v57 =	vadd.s32 v0, v29;
	v59 =	vadd.s32 v0, v11;
	v17 =	vnsel vm0, $0x7F, v23  }
0x47: {  	[tilespmem:s8+$0xFFFFFFF0] =	vst v22;
	v23 =	vtrunc.f32 v16;
	v25 =	vcvt.f32.s32 v25;
	v22 =	vsub.f32 v19, v24  }
0x48: {  	v24 =	vcvt.s32.f32 v9;
	v10 =	vshll.u32 v17, $0x7;
	v17 =	vtrunc.f32 v32  }
0x49: {  	v19 =	vshll.u32 v28, $0x7;
	v33 =	vcvt.f32.s32 v17;
	v17 =	vcvt.f32.s32 v23  }
0x4a: {  	s3 =	simm.s32 $0x1830;
	v23 =	vadd.s32 $0x1, v28;
	v42 =	vadd.s32 $0x1, v25;
	v43 =	vshll.u32 v25, $0xE  }
0x4b: {  	s5 =	simm.s32 $0x1A30;
	v25 =	vcvt.s32.f32 v25;
	[tilespmem:s3+$0xFFFFFFF0] =	vst v22;
	v60 =	vadd.s32 v20, v10;
	v22 =	vcvt.s32.f32 v28  }
0x4c: {  	vm3 =	vlt.s32 v23, $0x7F;
	[tilespmem:s5+$0xFFFFFFF0] =	vst v26;
	v26 =	vshll.u32 v31, $0x7;
	v36 =	vadd.s32 $0x1, v33  }
0x4d: {  	v12 =	vcvt.s32.f32 v17;
	v38 =	vshll.u32 v17, $0x7;
	v17 =	vadd.s32 $0x1, v17  }
0x4e: {  	v41 =	vshll.u32 v33, $0xE;
	v13 =	vsub.f32 v13, v25;
	v25 =	vsub.f32 v18, v37  }
0x4f: {  	v33 =	vcvt.s32.f32 v33;
	v63 =	vsub.f32 v15, v22;
	v15 =	vadd.s32 v7, v60  }
0x50: {  	vm0 =	vlt.s32 v36, $0x7F;
	vm2 =	vlt.s32 v17, $0x7F;
	v40 =	vsub.f32 v16, v12  }
0x51: {  	v16 =	vadd.s32 $0x1, v30;
	v17 =	vnsel vm2, $0x7F, v17;
	v12 =	vnsel vm1, $0x7F, v39  }
0x52: {  	vm2 =	vlt.s32 v42, $0x7F;
	v33 =	vsub.f32 v32, v33;
	v49 =	vshll.u32 v17, $0x7  }
0x53: {  	vm1 =	vlt.s32 v16, $0x7F;
	v53 =	vnsel vm2, $0x7F, v42;
	v17 =	vadd.s32 v43, v49  }
0x54: {  	[tilespmem:s8+$0xFFFFFFE0] =	vst v13;
	v44 =	vnsel vm1, $0x7F, v16;
	v16 =	vnsel vm0, $0x7F, v36;
	vm0 =	vlt.s32 v35, $0x7F  }
0x55: {  	[tilespmem:s8+$0x10] =	vst v33;
	v33 =	vadd.s32 v0, v60;
	v45 =	vadd.s32 v30, v17;
	v51 =	vadd.s32 v44, v17  }
0x56: {  	[tilespmem:s3+$0xFFFFFFE0] =	vst v40;
	v16 =	vshll.u32 v16, $0xE;
	v17 =	vnsel vm3, $0x7F, v23;
	v23 =	vadd.s32 v41, v19  }
0x57: {  	s1 =	simm.s32 $0x2410;
	[tilespmem:s5+$0xFFFFFFE0] =	vst v25;
	v25 =	vshll.u32 v53, $0xE;
	v35 =	vnsel vm0, $0x7F, v35;
	v18 =	vshll.u32 v17, $0x7  }
0x58: {  	[tilespmem:s1+$0x10] =	vst v59;
	v17 =	vadd.s32 v19, v16;
	v19 =	vadd.s32 v23, v12;
	v55 =	vadd.s32 v38, v25  }
0x59: {  	[tilespmem:s1+$0xFFFFF810] =	vst v57;
	v39 =	vadd.s32 v25, v49;
	v25 =	vsub.f32 v21, v24;
	v24 =	vadd.s32 v44, v55  }
0x5a: {  	v21 =	vadd.s32 v30, v55;
	[tilespmem:s1+$0x200] =	vst v24;
	v24 =	vmax.f32 v27, $0.0e+00;
	v27 =	vcvt.s32.f32 v31  }
0x5b: {  	v38 =	vadd.s32 v43, v38;
	[tilespmem:s1+$0x0] =	vst v21;
	v21 =	vadd.s32 v44, v39;
	v24 =	vmin.f32 v24, $1.270000000e+02  }
0x5c: {  	v28 =	vshll.u32 v35, $0x7;
	[tilespmem:s1+$0x600] =	vst v21;
	v21 =	vsub.f32 v14, v27;
	v14 =	vtrunc.f32 v24  }
0x5d: {  	[tilespmem:s3+$0x10] =	vst v63;
	v52 =	vadd.s32 v41, v18;
	v27 =	vcvt.f32.s32 v14;
	v14 =	vcvt.f32.s32 v54  }
0x5e: {  	[tilespmem:s1+$0xFFFFFE00] =	vst v51;
	v56 =	vadd.s32 v30, v39;
	v58 =	vadd.s32 v30, v38;
	v30 =	vadd.s32 v38, v44  }
0x5f: {  	[tilespmem:s1+$0xFFFFFC00] =	vst v45;
	v13 =	vadd.s32 v9, v52;
	v61 =	vcvt.s32.f32 v27;
	v62 =	vcvt.s32.f32 v14  }
0x60: {  	s12 =	simm.s32 $0x0;
	s14 =	simm.s32 $0x1870;
	s15 =	simm.s32 $0x1A70;
	[tilespmem:s1+$0x400] =	vst v56;
	v20 =	vadd.s32 v12, v52;
	v32 =	vadd.s32 $0x1, v27;
	v22 =	vadd.s32 $0x1, v14  }
0x61: {  	s10 =	simm.s32 $0x1630;
	s16 =	simm.s32 $0x270;
	s17 =	simm.s32 $0x2410;
	[tilespmem:s1+$0xFFFFF800] =	vst v58;
	vm1 =	vlt.s32 v32, $0x7F;
	v31 =	vsub.f32 v24, v61;
	v24 =	vsub.f32 v34, v62  }
.LBB2_3:
0x62: {  	v34 =	vld [tilespmem:s16+$0xFFFFFDF0];
	s12 =	sadd.s32 $0x4, s12;
	v29 =	vadd.s32 v29, v7;
	[tilespmem:s1+$0xFFFFFC10] =	vst v33;
	vm0 =	vlt.s32 v22, $0x7F;
	v33 =	vadd.s32 v9, v17;
	s17 =	sadd.s32 $0x40, s17;
	s8 =	sadd.s32 $0x40, s8  }
0x63: {  	v23 =	vadd.s32 v9, v23;
	v35 =	vld [tilespmem:s16+$0x1F0];
	p0 =	slt.u32 s12, $0x1C;
	[tilespmem:s1+$0xFFFFFA10] =	vst v29;
	v29 =	vnsel vm1, $0x7F, v32;
	v32 =	vadd.s32 v12, v17  }
0x64: {  	v11 =	vadd.s32 v7, v11;
	v16 =	vadd.s32 v16, v18;
	v17 =	vld [tilespmem:s16+$0x200];
	[tilespmem:s1+$0xFFFFFA00] =	vst v30;
	v29 =	vshll.u32 v29, $0xE  }
0x65: {  	v9 =	vadd.s32 v9, v16;
	v12 =	vadd.s32 v12, v16;
	v18 =	vld [tilespmem:s16+$0x0];
	v30 =	vadd.s32 v26, v29;
	[tilespmem:s5+$0x10] =	vst v25  }
0x66: {  	v8 =	vadd.s32 v8, v10;
	v25 =	vadd.s32 v29, v28;
	v16 =	vld [tilespmem:s16+$0x1E0];
	v10 =	vadd.s32 v14, v30;
	[tilespmem:s1+$0x430] =	vst v9  }
0x67: {  	v0 =	vadd.s32 v0, v8;
	v9 =	vld [tilespmem:s16+$0xFFFFFFF0];
	v29 =	vsub.f32 v34, v50;
	v34 =	vadd.s32 v14, v25;
	[tilespmem:s1+$0x630] =	vst v12  }
0x68: {  	v7 =	vadd.s32 v7, v8;
	v8 =	vshll.u32 v27, $0xE;
	v12 =	vld [tilespmem:s16+$0xFFFFFE00];
	[tilespmem:s1+$0xFFFFF830] =	vst v23  }
0x69: {  	v26 =	vadd.s32 v8, v26;
	v23 =	vmul.f32 v29, v2;
	v17 =	vsub.f32 v17, v5;
	v27 =	vld [tilespmem:s16+$0x210];
	[tilespmem:s1+$0xFFFFFA30] =	vst v19  }
0x6a: {  	v22 =	vnsel vm0, $0x7F, v22;
	v8 =	vadd.s32 v8, v28;
	v18 =	vsub.f32 v18, v3;
	v19 =	vld [tilespmem:s16+$0xFFFFFE10];
	[tilespmem:s10+$0x0] =	vst v31;
	s10 =	smov.u32 s8  }
0x6b: {  	v28 =	vld [tilespmem:s16+$0xFFFFFDE0];
	v16 =	vsub.f32 v16, v5;
	v23 =	vmax.f32 v23, $0.0e+00;
	v17 =	vmul.f32 v17, v6;
	[tilespmem:s3+$0x0] =	vst v21;
	s3 =	smov.u32 s14  }
0x6c: {  	v9 =	vsub.f32 v9, v3;
	v29 =	vld [tilespmem:s16+$0x10];
	[tilespmem:s5+$0x0] =	vst v24;
	v24 =	vadd.s32 v14, v26;
	v26 =	vadd.s32 v26, v22;
	s5 =	smov.u32 s15  }
0x6d: {  	v23 =	vmin.f32 v23, $1.270000000e+02;
	v16 =	vmul.f32 v16, v6;
	v31 =	vmax.f32 v17, $0.0e+00;
	[tilespmem:s1+$0x20] =	vst v10  }
0x6e: {  	v10 =	vtrunc.f32 v23;
	v12 =	vsub.f32 v12, v50;
	v17 =	vsub.f32 v27, v5;
	[tilespmem:s1+$0x420] =	vst v34  }
0x6f: {  	v21 =	vadd.s32 v22, v8;
	v9 =	vmul.f32 v9, v4;
	v16 =	vmax.f32 v16, $0.0e+00;
	[tilespmem:s1+$0xFFFFFC30] =	vst v13  }
0x70: {  	v27 =	vld [tilespmem:s16+$0xFFFFFFE0];
	v13 =	vmin.f32 v16, $1.270000000e+02;
	v16 =	vsub.f32 v35, v5;
	v34 =	vmul.f32 v17, v6;
	[tilespmem:s1+$0xFFFFFE20] =	vst v21  }
0x71: {  	v28 =	vsub.f32 v28, v50;
	v9 =	vmax.f32 v9, $0.0e+00;
	v21 =	vcvt.f32.s32 v10;
	[tilespmem:s1+$0xFFFFFE30] =	vst v20  }
0x72: {  	v17 =	vmin.f32 v9, $1.270000000e+02;
	v9 =	vmul.f32 v16, v6;
	v10 =	vmax.f32 v34, $0.0e+00;
	[tilespmem:s1+$0x30] =	vst v33  }
0x73: {  	v16 =	vmul.f32 v28, v2;
	v28 =	vcvt.s32.f32 v21;
	v33 =	vadd.s32 $0x1, v21;
	[tilespmem:s1+$0x230] =	vst v32  }
0x74: {  	v29 =	vsub.f32 v29, v3;
	v20 =	vmin.f32 v10, $1.270000000e+02;
	v9 =	vmax.f32 v9, $0.0e+00;
	[tilespmem:s1+$0x410] =	vst v0  }
0x75: {  	v23 =	vsub.f32 v23, v28;
	v0 =	vsub.f32 v27, v3;
	[tilespmem:s1+$0x610] =	vst v7;
	v7 =	vadd.s32 v22, v30  }
0x76: {  	v10 =	vmin.f32 v9, $1.270000000e+02;
	v9 =	vmul.f32 v29, v4;
	v27 =	vtrunc.f32 v20;
	[tilespmem:s1+$0x220] =	vst v7  }
0x77: {  	vm0 =	vlt.s32 v33, $0x7F;
	v7 =	vadd.s32 v14, v8;
	v0 =	vmul.f32 v0, v4;
	[tilespmem:s1+$0xFFFFF820] =	vst v24  }
0x78: {  	v14 =	vtrunc.f32 v17;
	v8 =	vtrunc.f32 v10;
	v9 =	vmax.f32 v9, $0.0e+00;
	[tilespmem:s1+$0xFFFFFC20] =	vst v7  }
0x79: {  	v24 =	vadd.s32 v22, v25;
	v7 =	vnsel vm0, $0x7F, v33;
	v28 =	vmax.f32 v0, $0.0e+00;
	[tilespmem:s1+$0xFFFFFA20] =	vst v26  }
0x7a: {  	v19 =	vsub.f32 v19, v50;
	v22 =	vmin.f32 v9, $1.270000000e+02;
	v0 =	vcvt.f32.s32 v8;
	[tilespmem:s1+$0x620] =	vst v24  }
0x7b: {  	v18 =	vmul.f32 v18, v4;
	v8 =	vshll.u32 v7, $0xE;
	[tilespmem:s1+$0x210] =	vst v11  }
0x7c: {  	v9 =	vcvt.f32.s32 v27;
	v7 =	vcvt.s32.f32 v0;
	v11 =	vadd.s32 $0x1, v0  }
0x7d: {  	v25 =	vcvt.f32.s32 v14;
	v26 =	vtrunc.f32 v22;
	vm0 =	vlt.s32 v11, $0x7F;
	[tilespmem:s1+$0xFFFFFE10] =	vst v15;
	s1 =	smov.u32 s17  }
0x7e: {  	v27 =	vmul.f32 v12, v2;
	v14 =	vsub.f32 v10, v7;
	v7 =	vnsel vm0, $0x7F, v11  }
0x7f: {  	v12 =	vtrunc.f32 v13;
	v10 =	vadd.s32 $0x1, v25;
	v11 =	vmax.f32 v18, $0.0e+00  }
0x80: {  	vm0 =	vlt.s32 v10, $0x7F;
	v32 =	vmin.f32 v11, $1.270000000e+02;
	v11 =	vmul.f32 v19, v2  }
0x81: {  	v24 =	vmin.f32 v31, $1.270000000e+02;
	v26 =	vcvt.f32.s32 v26;
	v15 =	vtrunc.f32 v32  }
0x82: {  	v10 =	vnsel vm0, $0x7F, v10;
	v15 =	vcvt.f32.s32 v15;
	v11 =	vmax.f32 v11, $0.0e+00  }
0x83: {  	v16 =	vmax.f32 v16, $0.0e+00;
	v10 =	vshll.u32 v10, $0x7;
	v31 =	vmin.f32 v11, $1.270000000e+02  }
0x84: {  	v18 =	vmin.f32 v16, $1.270000000e+02;
	v16 =	vmin.f32 v28, $1.270000000e+02;
	v19 =	vtrunc.f32 v31  }
0x85: {  	v29 =	vcvt.s32.f32 v25;
	v30 =	vshll.u32 v25, $0x7;
	v28 =	vtrunc.f32 v16  }
0x86: {  	v25 =	vtrunc.f32 v18;
	v11 =	vadd.s32 v30, v8;
	v33 =	vcvt.f32.s32 v19  }
0x87: {  	v34 =	vadd.s32 $0x1, v26;
	v19 =	vcvt.f32.s32 v28;
	v28 =	vcvt.f32.s32 v12  }
0x88: {  	v25 =	vcvt.f32.s32 v25;
	v35 =	vadd.s32 $0x1, v15;
	v36 =	vadd.s32 $0x1, v33  }
0x89: {  	v12 =	vcvt.s32.f32 v19;
	v37 =	vcvt.s32.f32 v28;
	vm0 =	vlt.s32 v36, $0x7F  }
0x8a: {  	v39 =	vadd.s32 $0x1, v9;
	v38 =	vshll.u32 v19, $0x7;
	v19 =	vadd.s32 $0x1, v19  }
0x8b: {  	vm1 =	vlt.s32 v39, $0x7F;
	v41 =	vshll.u32 v33, $0xE;
	v40 =	vsub.f32 v16, v12  }
0x8c: {  	v42 =	vadd.s32 $0x1, v25;
	vm2 =	vlt.s32 v19, $0x7F;
	v16 =	vadd.s32 $0x1, v28  }
0x8d: {  	v43 =	vshll.u32 v25, $0xE;
	v19 =	vnsel vm2, $0x7F, v19;
	v12 =	vnsel vm1, $0x7F, v39  }
0x8e: {  	v25 =	vcvt.s32.f32 v25;
	vm1 =	vlt.s32 v16, $0x7F;
	v39 =	vshll.u32 v19, $0x7  }
0x8f: {  	vm3 =	vlt.s32 v34, $0x7F;
	vm2 =	vlt.s32 v42, $0x7F;
	v19 =	vadd.s32 v43, v39  }
0x90: {  	v44 =	vnsel vm1, $0x7F, v16;
	v16 =	vnsel vm0, $0x7F, v36;
	v45 =	vadd.s32 v28, v19  }
0x91: {  	v36 =	vadd.s32 v44, v19;
	v16 =	vshll.u32 v16, $0xE;
	v19 =	vnsel vm3, $0x7F, v34  }
0x92: {  	v25 =	vsub.f32 v18, v25;
	v34 =	vsub.f32 v13, v37;
	v18 =	vshll.u32 v19, $0x7  }
0x93: {  	v37 =	vsub.f32 v17, v29;
	v29 =	vcvt.s32.f32 v9;
	v13 =	vshll.u32 v26, $0x7;
	[tilespmem:s8+$0xFFFFFFF0] =	vst v23  }
0x94: {  	vm0 =	vlt.s32 v35, $0x7F;
	v17 =	vadd.s32 v13, v16;
	v46 =	vadd.s32 v41, v18;
	[tilespmem:s8+$0xFFFFFFE0] =	vst v25  }
0x95: {  	v19 =	vnsel vm2, $0x7F, v42;
	v23 =	vadd.s32 v41, v13;
	v13 =	vadd.s32 v9, v46;
	[tilespmem:s14+$0xFFFFFFE0] =	vst v40  }
0x96: {  	v25 =	vshll.u32 v19, $0xE;
	v19 =	vadd.s32 v23, v12;
	[tilespmem:s15+$0xFFFFFFE0] =	vst v34;
	v34 =	vtrunc.f32 v24  }
0x97: {  	v39 =	vadd.s32 v25, v39;
	[tilespmem:s17+$0xFFFFFE00] =	vst v36;
	v36 =	vadd.s32 v38, v25;
	v25 =	vsub.f32 v20, v29  }
0x98: {  	[tilespmem:s17+$0xFFFFFC00] =	vst v45;
	v20 =	vadd.s32 v28, v36;
	v29 =	vadd.s32 v44, v36;
	v36 =	vadd.s32 v28, v39  }
0x99: {  	v35 =	vnsel vm0, $0x7F, v35;
	[tilespmem:s17+$0x0] =	vst v20;
	v20 =	vadd.s32 v44, v39;
	v39 =	vshll.u32 v21, $0xE  }
0x9a: {  	v21 =	vmax.f32 v27, $0.0e+00;
	v27 =	vcvt.s32.f32 v15;
	[tilespmem:s17+$0x200] =	vst v29;
	v29 =	vadd.s32 v39, v30  }
0x9b: {  	v30 =	vadd.s32 v43, v38;
	v40 =	vmin.f32 v21, $1.270000000e+02;
	[tilespmem:s17+$0x600] =	vst v20;
	v38 =	vadd.s32 v0, v29  }
0x9c: {  	v20 =	vadd.s32 v28, v30;
	v30 =	vadd.s32 v30, v44;
	v21 =	vsub.f32 v32, v27;
	[tilespmem:s17+$0x400] =	vst v36  }
0x9d: {  	v28 =	vadd.s32 v0, v11;
	v32 =	vcvt.s32.f32 v33;
	[tilespmem:s17+$0xFFFFF800] =	vst v20;
	v20 =	vtrunc.f32 v40  }
0x9e: {  	v33 =	vcvt.s32.f32 v26;
	v36 =	vadd.s32 v39, v10;
	[tilespmem:s14+$0xFFFFFFF0] =	vst v37;
	v27 =	vcvt.f32.s32 v20  }
.Ltmp0:
0x9f: {  	v31 =	vsub.f32 v31, v32;
	v20 =	vadd.s32 v12, v46;
	[tilespmem:s15+$0xFFFFFFF0] =	vst v14;
	v14 =	vcvt.f32.s32 v34;
	(pc) =	sbr.rel @p0 .LBB2_3-.Ltmp0, $4  }
0xa0: {  	v26 =	vshll.u32 v15, $0x7;
	[tilespmem:s17+$0x10] =	vst v28;
	v34 =	vcvt.s32.f32 v27;
	v28 =	vshll.u32 v35, $0x7  }
0xa1: {  	v37 =	vsub.f32 v22, v33;
	v32 =	vadd.s32 $0x1, v27;
	v35 =	vcvt.s32.f32 v14;
	[tilespmem:s8+$0x10] =	vst v31  }
0xa2: {  	v33 =	vadd.s32 v0, v36;
	v22 =	vadd.s32 $0x1, v14;
	vm1 =	vlt.s32 v32, $0x7F;
	[tilespmem:s17+$0xFFFFF810] =	vst v38  }
0xa3: {  	s16 =	sadd.s32 $0x40, s16;
	v15 =	vadd.s32 v7, v36;
	s14 =	sadd.s32 $0x40, s14;
	s15 =	sadd.s32 $0x40, s15;
	v31 =	vsub.f32 v40, v34;
	v24 =	vsub.f32 v24, v35;
	[tilespmem:s3+$0x10] =	vst v37  }
0xa4: {  	[tilespmem:s1+$0xFFFFFC10] =	vst v33  }
0xa5: {  	[tilespmem:s1+$0xFFFFFA00] =	vst v30  }
0xa6: {  	[tilespmem:s5+$0x10] =	vst v25  }
0xa7: {  	v29 =	vadd.s32 v29, v7;
	[tilespmem:s1+$0xFFFFFE10] =	vst v15  }
0xa8: {  	v52 =	vadd.s32 v9, v23;
	[tilespmem:s1+$0xFFFFFA10] =	vst v29  }
0xa9: {  	[tilespmem:s1+$0xFFFFF830] =	vst v52  }
0xaa: {  	[tilespmem:s1+$0xFFFFFA30] =	vst v19  }
0xab: {  	[tilespmem:s10+$0x0] =	vst v31  }
0xac: {  	[tilespmem:s1+$0xFFFFFC30] =	vst v13  }
0xad: {  	v61 =	vadd.s32 v9, v17;
	[tilespmem:s1+$0xFFFFFE30] =	vst v20  }
0xae: {  	v16 =	vadd.s32 v16, v18;
	v62 =	vadd.s32 v12, v17;
	[tilespmem:s1+$0x30] =	vst v61  }
0xaf: {  	v18 =	vadd.s32 v9, v16;
	[tilespmem:s1+$0x230] =	vst v62  }
0xb0: {  	v16 =	vadd.s32 v12, v16;
	[tilespmem:s1+$0x430] =	vst v18  }
0xb1: {  	v8 =	vadd.s32 v8, v10;
	[tilespmem:s1+$0x630] =	vst v16  }
0xb2: {  	v0 =	vadd.s32 v0, v8;
	[tilespmem:s3+$0x0] =	vst v21  }
0xb3: {  	v8 =	vadd.s32 v7, v8;
	[tilespmem:s1+$0x410] =	vst v0  }
0xb4: {  	vm0 =	vlt.s32 v22, $0x7F;
	v57 =	vshll.u32 v27, $0xE;
	v7 =	vadd.s32 v7, v11;
	[tilespmem:s1+$0x610] =	vst v8  }
0xb5: {  	v58 =	vnsel vm0, $0x7F, v22;
	v59 =	vadd.s32 v57, v28;
	[tilespmem:s1+$0x210] =	vst v7  }
0xb6: {  	v53 =	vnsel vm1, $0x7F, v32;
	v60 =	vadd.s32 v58, v59;
	v0 =	vadd.s32 v57, v26;
	[tilespmem:s5+$0x0] =	vst v24  }
0xb7: {  	v16 =	vshll.u32 v53, $0xE;
	v63 =	vadd.s32 v14, v0;
	[tilespmem:s1+$0xFFFFFE20] =	vst v60  }
0xb8: {  	v54 =	vadd.s32 v26, v16;
	v0 =	vadd.s32 v0, v58;
	[tilespmem:s1+$0xFFFFF820] =	vst v63  }
0xb9: {  	v16 =	vadd.s32 v16, v28;
	v55 =	vadd.s32 v14, v54;
	[tilespmem:s1+$0xFFFFFA20] =	vst v0  }
0xba: {  	v56 =	vadd.s32 v14, v16;
	[tilespmem:s1+$0x20] =	vst v55  }
0xbb: {  	v8 =	vadd.s32 v58, v54;
	[tilespmem:s1+$0x420] =	vst v56  }
0xbc: {  	v0 =	vadd.s32 v58, v16;
	[tilespmem:s1+$0x220] =	vst v8  }
0xbd: {  	v8 =	vadd.s32 v14, v59;
	[tilespmem:s1+$0x620] =	vst v0  }
0xbe: {  	s12 =	simm.s32 $0x1C10;
	[tilespmem:s1+$0xFFFFFC20] =	vst v8  }
0xbf: {  	[tilespmem:s13], [sflag:$0x1] =	stream.indirect.gather [hbm4b:s4+s11], $0x8, s12, s11, $0xb8;
	[tilespmem:$0xAC10] =	vst v63  }
0xc0: {  	s14 =	simm.s32 $0x1C90;
	s15 =	simm.s32 $0x3010  }
0xc1: {  	[tilespmem:s15], [sflag:$0x1] =	stream.indirect.gather [hbm4b:s4+s11], $0x8, s14, s11, $0xb8;
	[tilespmem:$0xAC10] =	vst v63  }
0xc2: {  	s16 =	simm.s32 $0x1D10;
	s17 =	simm.s32 $0x3410  }
0xc3: {  	[tilespmem:s17], [sflag:$0x1] =	stream.indirect.gather [hbm4b:s4+s11], $0x8, s16, s11, $0xb8;
	[tilespmem:$0xAC10] =	vst v63  }
0xc4: {  	s8 =	simm.s32 $0x3810;
	s5 =	simm.s32 $0x1D90  }
0xc5: {  	[tilespmem:s8], [sflag:$0x1] =	stream.indirect.gather [hbm4b:s4+s11], $0x8, s5, s11, $0xb8;
	[tilespmem:$0xAC10] =	vst v63  }
0xc6: {  	s10 =	simm.s32 $0x1E10;
	s12 =	simm.s32 $0x3C10  }
0xc7: {  	[tilespmem:s12], [sflag:$0x1] =	stream.indirect.gather [hbm4b:s4+s11], $0x8, s10, s11, $0xb8;
	[tilespmem:$0xAC10] =	vst v63  }
0xc8: {  	s14 =	simm.s32 $0x1E90;
	s15 =	simm.s32 $0x4010  }
0xc9: {  	[tilespmem:s15], [sflag:$0x1] =	stream.indirect.gather [hbm4b:s4+s11], $0x8, s14, s11, $0xb8;
	[tilespmem:$0xAC10] =	vst v63  }
0xca: {  	s16 =	simm.s32 $0x1F10;
	s17 =	simm.s32 $0x4410  }
0xcb: {  	[tilespmem:s17], [sflag:$0x1] =	stream.indirect.gather [hbm4b:s4+s11], $0x8, s16, s11, $0xb8;
	[tilespmem:$0xAC10] =	vst v63  }
0xcc: {  	s5 =	simm.s32 $0x1F90;
	s8 =	simm.s32 $0x4810  }
0xcd: {  	[tilespmem:s8], [sflag:$0x1] =	stream.indirect.gather [hbm4b:s4+s11], $0x8, s5, s11, $0xb8;
	[tilespmem:$0xAC10] =	vst v63  }
0xce: {  	s10 =	simm.s32 $0x2010;
	s12 =	simm.s32 $0x4C10  }
0xcf: {  	[tilespmem:s12], [sflag:$0x1] =	stream.indirect.gather [hbm4b:s4+s11], $0x8, s10, s11, $0xb8;
	[tilespmem:$0xAC10] =	vst v63  }
0xd0: {  	s14 =	simm.s32 $0x2090;
	s15 =	simm.s32 $0x5010  }
0xd1: {  	[tilespmem:s15], [sflag:$0x1] =	stream.indirect.gather [hbm4b:s4+s11], $0x8, s14, s11, $0xb8;
	[tilespmem:$0xAC10] =	vst v63  }
0xd2: {  	s16 =	simm.s32 $0x2110;
	s17 =	simm.s32 $0x5410  }
0xd3: {  	[tilespmem:s17], [sflag:$0x1] =	stream.indirect.gather [hbm4b:s4+s11], $0x8, s16, s11, $0xb8;
	[tilespmem:$0xAC10] =	vst v63  }
0xd4: {  	s5 =	simm.s32 $0x2190;
	s8 =	simm.s32 $0x5810  }
0xd5: {  	[tilespmem:s8], [sflag:$0x1] =	stream.indirect.gather [hbm4b:s4+s11], $0x8, s5, s11, $0xb8;
	[tilespmem:$0xAC10] =	vst v63  }
0xd6: {  	s10 =	simm.s32 $0x2210;
	s12 =	simm.s32 $0x5C10  }
0xd7: {  	[tilespmem:s12], [sflag:$0x1] =	stream.indirect.gather [hbm4b:s4+s11], $0x8, s10, s11, $0xb8;
	[tilespmem:$0xAC10] =	vst v63  }
0xd8: {  	s14 =	simm.s32 $0x2290;
	s15 =	simm.s32 $0x6010  }
0xd9: {  	[tilespmem:s15], [sflag:$0x1] =	stream.indirect.gather [hbm4b:s4+s11], $0x8, s14, s11, $0xb8;
	[tilespmem:$0xAC10] =	vst v63  }
0xda: {  	s16 =	simm.s32 $0x2310;
	s17 =	simm.s32 $0x6410  }
0xdb: {  	[tilespmem:s17], [sflag:$0x1] =	stream.indirect.gather [hbm4b:s4+s11], $0x8, s16, s11, $0xb8;
	[tilespmem:$0xAC10] =	vst v63  }
0xdc: {  	s5 =	simm.s32 $0x2390;
	s8 =	simm.s32 $0x6810  }
0xdd: {  	[tilespmem:s8], [sflag:$0x1] =	stream.indirect.gather [hbm4b:s4+s11], $0x8, s5, s11, $0xb8;
	[tilespmem:$0xAC10] =	vst v63  }
0xde: {  	s10 =	simm.s32 $0x2410;
	s12 =	simm.s32 $0x6C10  }
0xdf: {  	[tilespmem:s12], [sflag:$0x1] =	stream.indirect.gather [hbm4b:s4+s11], $0x8, s10, s11, $0xb8;
	[tilespmem:$0xAC10] =	vst v63  }
0xe0: {  	s14 =	simm.s32 $0x2490;
	s15 =	simm.s32 $0x7010  }
0xe1: {  	[tilespmem:s15], [sflag:$0x1] =	stream.indirect.gather [hbm4b:s4+s11], $0x8, s14, s11, $0xb8;
	[tilespmem:$0xAC10] =	vst v63  }
0xe2: {  	s16 =	simm.s32 $0x2510;
	s17 =	simm.s32 $0x7410  }
0xe3: {  	[tilespmem:s17], [sflag:$0x1] =	stream.indirect.gather [hbm4b:s4+s11], $0x8, s16, s11, $0xb8;
	[tilespmem:$0xAC10] =	vst v63  }
0xe4: {  	s5 =	simm.s32 $0x2590;
	s8 =	simm.s32 $0x7810  }
0xe5: {  	[tilespmem:s8], [sflag:$0x1] =	stream.indirect.gather [hbm4b:s4+s11], $0x8, s5, s11, $0xb8;
	[tilespmem:$0xAC10] =	vst v63  }
0xe6: {  	s10 =	simm.s32 $0x2610;
	s12 =	simm.s32 $0x7C10  }
0xe7: {  	[tilespmem:s12], [sflag:$0x1] =	stream.indirect.gather [hbm4b:s4+s11], $0x8, s10, s11, $0xb8;
	[tilespmem:$0xAC10] =	vst v63  }
0xe8: {  	s14 =	simm.s32 $0x2690;
	s15 =	simm.s32 $0x8010  }
0xe9: {  	[tilespmem:s15], [sflag:$0x1] =	stream.indirect.gather [hbm4b:s4+s11], $0x8, s14, s11, $0xb8;
	[tilespmem:$0xAC10] =	vst v63  }
0xea: {  	s16 =	simm.s32 $0x2710;
	s17 =	simm.s32 $0x8410  }
0xeb: {  	[tilespmem:s17], [sflag:$0x1] =	stream.indirect.gather [hbm4b:s4+s11], $0x8, s16, s11, $0xb8;
	[tilespmem:$0xAC10] =	vst v63  }
0xec: {  	s5 =	simm.s32 $0x2790;
	s8 =	simm.s32 $0x8810  }
0xed: {  	[tilespmem:s8], [sflag:$0x1] =	stream.indirect.gather [hbm4b:s4+s11], $0x8, s5, s11, $0xb8;
	[tilespmem:$0xAC10] =	vst v63  }
0xee: {  	s10 =	simm.s32 $0x2810;
	s12 =	simm.s32 $0x8C10  }
0xef: {  	[tilespmem:s12], [sflag:$0x1] =	stream.indirect.gather [hbm4b:s4+s11], $0x8, s10, s11, $0xb8;
	[tilespmem:$0xAC10] =	vst v63  }
0xf0: {  	s14 =	simm.s32 $0x2890;
	s15 =	simm.s32 $0x9010  }
0xf1: {  	[tilespmem:s15], [sflag:$0x1] =	stream.indirect.gather [hbm4b:s4+s11], $0x8, s14, s11, $0xb8;
	[tilespmem:$0xAC10] =	vst v63  }
0xf2: {  	s16 =	simm.s32 $0x2910;
	s17 =	simm.s32 $0x9410  }
0xf3: {  	[tilespmem:s17], [sflag:$0x1] =	stream.indirect.gather [hbm4b:s4+s11], $0x8, s16, s11, $0xb8;
	[tilespmem:$0xAC10] =	vst v63  }
0xf4: {  	_ = 	snop  }
0xf5: {  	[tilespmem:s19], [sflag:$0x1] =	stream.indirect.gather [hbm4b:s4+s11], $0x8, s18, s11, $0xb8;
	[tilespmem:$0xAC10] =	vst v63  }
0xf6: {  	_ = 	snop  }
0xf7: {  	[tilespmem:s21], [sflag:$0x1] =	stream.indirect.gather [hbm4b:s4+s11], $0x8, s20, s11, $0xb8;
	[tilespmem:$0xAC10] =	vst v63  }
0xf8: {  	_ = 	snop  }
0xf9: {  	[tilespmem:s23], [sflag:$0x1] =	stream.indirect.gather [hbm4b:s4+s11], $0x8, s22, s11, $0xb8;
	[tilespmem:$0xAC10] =	vst v63  }
0xfa: {  	_ = 	snop  }
0xfb: {  	[tilespmem:s25], [sflag:$0x1] =	stream.indirect.gather [hbm4b:s4+s11], $0x8, s24, s11, $0xb8;
	[tilespmem:$0xAC10] =	vst v63  }
0xfc: {  	_ = 	snop  }
0xfd: {  	[tilespmem:s28], [sflag:$0x1] =	stream.indirect.gather [hbm4b:s4+s11], $0x8, s26, s11, $0xb8;
	[tilespmem:$0xAC10] =	vst v63  }
0xfe: {  	_ =	swait.ge [sflag:s29], $0x400  }
0xff: {  	[sflag:s29] =	ssyncset.done $0x0  }
0x100: {  	[sflag:s29] =	ssyncadd.s32 $0xFFFFFC00  }
0x101: {  	_ =	swait.ge [sflag:s29], $0x400  }
0x102: {  	[sflag:s29] =	ssyncset.done $0x0  }
0x103: {  	[sflag:s29] =	ssyncadd.s32 $0xFFFFFC00  }
0x104: {  	_ =	swait.ge [sflag:s29], $0x400  }
0x105: {  	[sflag:s29] =	ssyncset.done $0x0  }
0x106: {  	[sflag:s29] =	ssyncadd.s32 $0xFFFFFC00  }
0x107: {  	_ =	swait.ge [sflag:s29], $0x400  }
0x108: {  	[sflag:s29] =	ssyncset.done $0x0  }
0x109: {  	[sflag:s29] =	ssyncadd.s32 $0xFFFFFC00  }
0x10a: {  	_ =	swait.ge [sflag:s29], $0x400  }
0x10b: {  	[sflag:s29] =	ssyncset.done $0x0  }
0x10c: {  	[sflag:s29] =	ssyncadd.s32 $0xFFFFFC00  }
0x10d: {  	_ =	swait.ge [sflag:s29], $0x400  }
0x10e: {  	[sflag:s29] =	ssyncset.done $0x0  }
0x10f: {  	[sflag:s29] =	ssyncadd.s32 $0xFFFFFC00  }
0x110: {  	_ =	swait.ge [sflag:s29], $0x400  }
0x111: {  	[sflag:s29] =	ssyncset.done $0x0  }
0x112: {  	[sflag:s29] =	ssyncadd.s32 $0xFFFFFC00  }
0x113: {  	_ =	swait.ge [sflag:s29], $0x400  }
0x114: {  	[sflag:s29] =	ssyncset.done $0x0  }
0x115: {  	[sflag:s29] =	ssyncadd.s32 $0xFFFFFC00  }
0x116: {  	_ =	swait.ge [sflag:s29], $0x400  }
0x117: {  	[sflag:s29] =	ssyncset.done $0x0  }
0x118: {  	[sflag:s29] =	ssyncadd.s32 $0xFFFFFC00  }
0x119: {  	_ =	swait.ge [sflag:s29], $0x400  }
0x11a: {  	[sflag:s29] =	ssyncset.done $0x0  }
0x11b: {  	[sflag:s29] =	ssyncadd.s32 $0xFFFFFC00  }
0x11c: {  	_ =	swait.ge [sflag:s29], $0x400  }
0x11d: {  	[sflag:s29] =	ssyncset.done $0x0  }
0x11e: {  	[sflag:s29] =	ssyncadd.s32 $0xFFFFFC00  }
0x11f: {  	_ =	swait.ge [sflag:s29], $0x400  }
0x120: {  	[sflag:s29] =	ssyncset.done $0x0  }
0x121: {  	[sflag:s29] =	ssyncadd.s32 $0xFFFFFC00  }
0x122: {  	_ =	swait.ge [sflag:s29], $0x400  }
0x123: {  	[sflag:s29] =	ssyncset.done $0x0  }
0x124: {  	[sflag:s29] =	ssyncadd.s32 $0xFFFFFC00  }
0x125: {  	_ =	swait.ge [sflag:s29], $0x400  }
0x126: {  	[sflag:s29] =	ssyncset.done $0x0  }
0x127: {  	[sflag:s29] =	ssyncadd.s32 $0xFFFFFC00  }
0x128: {  	_ =	swait.ge [sflag:s29], $0x400  }
0x129: {  	[sflag:s29] =	ssyncset.done $0x0  }
0x12a: {  	[sflag:s29] =	ssyncadd.s32 $0xFFFFFC00  }
0x12b: {  	_ =	swait.ge [sflag:s29], $0x400  }
0x12c: {  	[sflag:s29] =	ssyncset.done $0x0  }
0x12d: {  	[sflag:s29] =	ssyncadd.s32 $0xFFFFFC00  }
0x12e: {  	_ =	swait.ge [sflag:s29], $0x400  }
0x12f: {  	[sflag:s29] =	ssyncset.done $0x0  }
0x130: {  	[sflag:s29] =	ssyncadd.s32 $0xFFFFFC00  }
0x131: {  	_ =	swait.ge [sflag:s29], $0x400  }
0x132: {  	[sflag:s29] =	ssyncset.done $0x0  }
0x133: {  	[sflag:s29] =	ssyncadd.s32 $0xFFFFFC00  }
0x134: {  	_ =	swait.ge [sflag:s29], $0x400  }
0x135: {  	[sflag:s29] =	ssyncset.done $0x0  }
0x136: {  	[sflag:s29] =	ssyncadd.s32 $0xFFFFFC00  }
0x137: {  	_ =	swait.ge [sflag:s29], $0x400  }
0x138: {  	[sflag:s29] =	ssyncset.done $0x0  }
0x139: {  	[sflag:s29] =	ssyncadd.s32 $0xFFFFFC00  }
0x13a: {  	_ =	swait.ge [sflag:s29], $0x400  }
0x13b: {  	[sflag:s29] =	ssyncset.done $0x0  }
0x13c: {  	[sflag:s29] =	ssyncadd.s32 $0xFFFFFC00  }
0x13d: {  	_ =	swait.ge [sflag:s29], $0x400  }
0x13e: {  	[sflag:s29] =	ssyncset.done $0x0  }
0x13f: {  	[sflag:s29] =	ssyncadd.s32 $0xFFFFFC00  }
0x140: {  	_ =	swait.ge [sflag:s29], $0x400  }
0x141: {  	[sflag:s29] =	ssyncset.done $0x0  }
0x142: {  	[sflag:s29] =	ssyncadd.s32 $0xFFFFFC00  }
0x143: {  	_ =	swait.ge [sflag:s29], $0x400  }
0x144: {  	[sflag:s29] =	ssyncset.done $0x0  }
0x145: {  	[sflag:s29] =	ssyncadd.s32 $0xFFFFFC00  }
0x146: {  	_ =	swait.ge [sflag:s29], $0x400  }
0x147: {  	[sflag:s29] =	ssyncset.done $0x0  }
0x148: {  	[sflag:s29] =	ssyncadd.s32 $0xFFFFFC00  }
0x149: {  	_ =	swait.ge [sflag:s29], $0x400  }
0x14a: {  	[sflag:s29] =	ssyncset.done $0x0  }
0x14b: {  	[sflag:s29] =	ssyncadd.s32 $0xFFFFFC00  }
0x14c: {  	_ =	swait.ge [sflag:s29], $0x400  }
0x14d: {  	[sflag:s29] =	ssyncset.done $0x0  }
0x14e: {  	[sflag:s29] =	ssyncadd.s32 $0xFFFFFC00  }
0x14f: {  	_ =	swait.ge [sflag:s29], $0x400  }
0x150: {  	[sflag:s29] =	ssyncset.done $0x0  }
0x151: {  	[sflag:s29] =	ssyncadd.s32 $0xFFFFFC00  }
0x152: {  	_ =	swait.ge [sflag:s29], $0x400  }
0x153: {  	[sflag:s29] =	ssyncset.done $0x0  }
0x154: {  	[sflag:s29] =	ssyncadd.s32 $0xFFFFFC00  }
0x155: {  	_ =	swait.ge [sflag:s29], $0x400  }
0x156: {  	[sflag:s29] =	ssyncset.done $0x0  }
0x157: {  	[sflag:s29] =	ssyncadd.s32 $0xFFFFFC00  }
0x158: {  	_ =	swait.ge [sflag:s29], $0x400  }
0x159: {  	[sflag:s29] =	ssyncset.done $0x0  }
0x15a: {  	[sflag:s29] =	ssyncadd.s32 $0xFFFFFC00  }
0x15b: {  	s3 =	simm.s32 $0xFFFFFFFC;
	_ =	swait.ge [sflag:s29], $0x400  }
0x15c: {  	s1 =	simm.s32 $0x1830;
	s5 =	simm.s32 $0x0;
	[sflag:s29] =	ssyncset.done $0x0  }
0x15d: {  	s8 =	simm.s32 $0x1630;
	s10 =	simm.s32 $0x1A30;
	[sflag:s29] =	ssyncadd.s32 $0xFFFFFC00  }
.LBB2_5:
0x15e: {  	_ =	sdelay $0x1  }
0x15f: {  	v0 =	vmov s5  }
0x160: {  	v14 =	vld [tilespmem:s8+$0xFFFFFFE0];
	v0 =	vshll.u32 v0, $0x3  }
0x161: {  	v15 =	vld [tilespmem:s1+$0xFFFFFFE0];
	v36 =	vor.u32 v1, v0;
	v13 =	vor.u32 $0x1000, v1  }
0x162: {  	v38 =	vor.u32 v13, v0  }
0x163: {  	v16 =	vld [tilespmem:s10+$0xFFFFFFE0];
	v12 =	vor.u32 $0x2000, v1  }
0x164: {  	v37 =	vor.u32 v12, v0  }
0x165: {  	v22 =	vor.u32 $0x3000, v1  }
0x166: {  	v7 =	vsub.f32 $1.000000000e+00, v14;
	v19 =	vsub.f32 $1.000000000e+00, v15;
	v39 =	vor.u32 v22, v0;
	v18 =	vld.idx.msk [tilespmem:v36+s13+$0x0], $0xffff  }
0x167: {  	v29 =	vor.u32 $0x4000, v1;
	v20 =	vld.idx.msk [tilespmem:v38+s13+$0x0], $0xffff  }
0x168: {  	v21 =	vsub.f32 $1.000000000e+00, v16;
	v42 =	vor.u32 v29, v0;
	v9 =	vmul.f32 v19, v7  }
0x169: {  	v61 =	vor.u32 $0x5000, v1;
	v7 =	vmul.f32 v15, v7;
	v23 =	vld.idx.msk [tilespmem:v37+s13+$0x0], $0xffff  }
0x16a: {  	v32 =	vor.u32 v61, v0;
	v10 =	vmul.f32 v21, v9;
	v30 =	vmul.f32 v9, v16  }
0x16b: {  	v31 =	vor.u32 $0x6000, v1;
	v24 =	vor.u32 $0x7000, v1;
	v17 =	vmul.f32 v21, v7;
	v25 =	vld.idx.msk [tilespmem:v39+s13+$0x0], $0xffff  }
0x16c: {  	v33 =	vor.u32 v31, v0;
	v26 =	vmul.f32 v10, v18;
	v20 =	vmul.f32 v20, v30  }
0x16d: {  	v43 =	vor.u32 v24, v0;
	v27 =	vmul.f32 v19, v14;
	v28 =	vld.idx.msk [tilespmem:v42+s13+$0x0], $0xffff  }
0x16e: {  	v11 =	vmul.f32 v16, v7;
	v23 =	vmul.f32 v23, v17;
	v20 =	vadd.f32 v20, v26  }
0x16f: {  	v0 =	vld.idx.msk [tilespmem:v32+s13+$0x0], $0xffff  }
0x170: {  	v18 =	vmovc v10;
	v10 =	vmul.f32 v21, v27;
	v44 =	vmul.f32 v25, v11;
	v20 =	vadd.f32 v23, v20  }
0x171: {  	v14 =	vmul.f32 v15, v14;
	v45 =	vld.idx.msk [tilespmem:v33+s13+$0x0], $0xffff  }
0x172: {  	v9 =	vmul.f32 v27, v16;
	v46 =	vmul.f32 v28, v10;
	v20 =	vadd.f32 v44, v20  }
0x173: {  	v47 =	vld.idx.msk [tilespmem:v43+s13+$0x0], $0xffff  }
0x174: {  	v8 =	vmul.f32 v21, v14;
	v0 =	vmul.f32 v0, v9;
	v20 =	vadd.f32 v46, v20;
	_ =	sdelay $0x1  }
0x175: {  	v7 =	vmul.f32 v16, v14;
	v48 =	vmul.f32 v45, v8;
	v0 =	vadd.f32 v0, v20;
	_ =	sdelay $0x1  }
0x176: {  	v51 =	vor.u32 $0x1, v36;
	v49 =	vmul.f32 v47, v7;
	v0 =	vadd.f32 v48, v0  }
0x177: {  	v55 =	vor.u32 $0x1, v38  }
0x178: {  	v0 =	vadd.f32 v49, v0  }
0x179: {  	v56 =	vor.u32 $0x1, v37  }
0x17a: {  	[tilespmem:v36+s30+$0x0] =	vst.idx.msk $0xffff, v0  }
0x17b: {  	v57 =	vor.u32 $0x1, v39;
	v0 =	vld.idx.msk [tilespmem:v51+s13+$0x0], $0xffff  }
0x17c: {  	v16 =	vld.idx.msk [tilespmem:v55+s13+$0x0], $0xffff  }
0x17d: {  	v58 =	vor.u32 $0x1, v42  }
0x17e: {  	v14 =	vld.idx.msk [tilespmem:v56+s13+$0x0], $0xffff  }
0x17f: {  	v59 =	vor.u32 $0x1, v32  }
0x180: {  	v20 =	vld.idx.msk [tilespmem:v57+s13+$0x0], $0xffff  }
0x181: {  	v60 =	vor.u32 $0x1, v33;
	v0 =	vmul.f32 v0, v18;
	v16 =	vmul.f32 v16, v30  }
0x182: {  	v21 =	vld.idx.msk [tilespmem:v58+s13+$0x0], $0xffff  }
0x183: {  	v63 =	vor.u32 $0x1, v43;
	v14 =	vmul.f32 v14, v17;
	v0 =	vadd.f32 v16, v0  }
0x184: {  	v62 =	vld.idx.msk [tilespmem:v59+s13+$0x0], $0xffff  }
0x185: {  	v26 =	vmul.f32 v20, v11;
	v0 =	vadd.f32 v14, v0  }
0x186: {  	v27 =	vld.idx.msk [tilespmem:v60+s13+$0x0], $0xffff  }
0x187: {  	v28 =	vmul.f32 v21, v10;
	v0 =	vadd.f32 v26, v0  }
0x188: {  	v35 =	vld.idx.msk [tilespmem:v63+s13+$0x0], $0xffff  }
0x189: {  	v19 =	vmov v30;
	v30 =	vmul.f32 v62, v9;
	v0 =	vadd.f32 v28, v0  }
0x18a: {  	s12 =	sadd.s32 $0x10, s5  }
0x18b: {  	[tilespmem:$0x1FB80] =	vst v31;
	v34 =	vmovc v32;
	v32 =	vmovc v43;
	v43 =	vmov s12;
	v40 =	vmul.f32 v27, v8;
	v0 =	vadd.f32 v30, v0  }
0x18c: {  	[tilespmem:$0x1FB90] =	vst v24;
	v20 =	vshll.u32 v43, $0x3  }
0x18d: {  	[tilespmem:$0x1FE00] =	vst v36;
	v41 =	vmul.f32 v35, v7;
	v54 =	vor.u32 v13, v20;
	v0 =	vadd.f32 v40, v0  }
0x18e: {  	[tilespmem:$0x1FD20] =	vst v38;
	v23 =	vld [tilespmem:s8+$0xFFFFFFF0];
	v53 =	vor.u32 v29, v20  }
0x18f: {  	[tilespmem:$0x1FDA0] =	vst v37;
	v35 =	vor.u32 v1, v20;
	v14 =	vld [tilespmem:s1+$0xFFFFFFF0];
	v0 =	vadd.f32 v41, v0  }
0x190: {  	[tilespmem:$0x1FDC0] =	vst v39;
	v16 =	vor.u32 $0x2, v36  }
0x191: {  	v44 =	vor.u32 $0x2, v38;
	[tilespmem:v51+s30+$0x0] =	vst.idx.msk $0xffff, v0;
	v0 =	vld [tilespmem:s10+$0xFFFFFFF0]  }
0x192: {  	[tilespmem:$0x1FDD0] =	vst v42;
	v63 =	vmovc v38;
	v38 =	vor.u32 $0x2, v39;
	v60 =	vmov v39;
	v55 =	vor.u32 v12, v20;
	v39 =	vld.idx.msk [tilespmem:v54+s13+$0x0], $0xffff  }
0x193: {  	[tilespmem:$0x1FC90] =	vst v33;
	v45 =	vor.u32 $0x2, v37;
	v46 =	vsub.f32 $1.000000000e+00, v23;
	v49 =	vld.idx.msk [tilespmem:v53+s13+$0x0], $0xffff  }
0x194: {  	[tilespmem:$0x1FDF0] =	vst v34;
	v56 =	vor.u32 v22, v20;
	v28 =	vld.idx.msk [tilespmem:v35+s13+$0x0], $0xffff;
	v27 =	vsub.f32 $1.000000000e+00, v14  }
0x195: {  	[tilespmem:$0x1FEB0] =	vst v17;
	v26 =	vmul.f32 v14, v46;
	v15 =	vld.idx.msk [tilespmem:v16+s13+$0x0], $0xffff  }
0x196: {  	v59 =	vmovc v42;
	v62 =	vmovc v37;
	v47 =	vmul.f32 v27, v46;
	v41 =	vor.u32 $0x2, v42;
	v21 =	vld.idx.msk [tilespmem:v44+s13+$0x0], $0xffff;
	v40 =	vsub.f32 $1.000000000e+00, v0  }
0x197: {  	v57 =	vor.u32 v61, v20;
	v14 =	vmul.f32 v14, v23;
	v48 =	vmul.f32 v27, v23;
	v42 =	vld.idx.msk [tilespmem:v55+s13+$0x0], $0xffff  }
0x198: {  	v37 =	vor.u32 v31, v20;
	v43 =	vld.idx.msk [tilespmem:v45+s13+$0x0], $0xffff;
	v30 =	vmul.f32 v47, v0;
	v25 =	vmul.f32 v40, v47  }
0x199: {  	[tilespmem:$0x1FEA0] =	vst v19;
	v44 =	vor.u32 $0x2, v34;
	v45 =	vld.idx.msk [tilespmem:v56+s13+$0x0], $0xffff;
	v23 =	vmul.f32 v48, v0;
	v58 =	vmul.f32 v40, v26  }
0x19a: {  	v46 =	vld.idx.msk [tilespmem:v38+s13+$0x0], $0xffff;
	v38 =	vor.u32 v24, v20;
	v39 =	vmul.f32 v39, v30;
	v28 =	vmul.f32 v25, v28  }
0x19b: {  	[tilespmem:$0x1FE90] =	vst v18;
	v41 =	vld.idx.msk [tilespmem:v41+s13+$0x0], $0xffff;
	v15 =	vmul.f32 v15, v18;
	v21 =	vmul.f32 v21, v19;
	v47 =	vor.u32 $0x2, v33  }
0x19c: {  	[tilespmem:$0x1FE20] =	vst v32;
	v26 =	vmul.f32 v0, v26;
	v42 =	vmul.f32 v42, v58;
	v28 =	vadd.f32 v39, v28  }
0x19d: {  	v27 =	vmul.f32 v40, v48;
	v31 =	vmov v58;
	v58 =	vmul.f32 v43, v17;
	v43 =	vld.idx.msk [tilespmem:v57+s13+$0x0], $0xffff  }
0x19e: {  	v44 =	vld.idx.msk [tilespmem:v44+s13+$0x0], $0xffff;
	v15 =	vadd.f32 v21, v15;
	v45 =	vmul.f32 v45, v26;
	v42 =	vadd.f32 v42, v28  }
0x19f: {  	v49 =	vmul.f32 v49, v27;
	v39 =	vmul.f32 v46, v11;
	v46 =	vld.idx.msk [tilespmem:v37+s13+$0x0], $0xffff  }
0x1a0: {  	v15 =	vadd.f32 v58, v15;
	v58 =	vmul.f32 v41, v10;
	v41 =	vld.idx.msk [tilespmem:v38+s13+$0x0], $0xffff;
	v42 =	vadd.f32 v45, v42  }
0x1a1: {  	v24 =	vmul.f32 v40, v14;
	v21 =	vor.u32 $0x2, v32;
	v47 =	vld.idx.msk [tilespmem:v47+s13+$0x0], $0xffff  }
0x1a2: {  	v15 =	vadd.f32 v39, v15;
	v39 =	vmul.f32 v43, v23;
	v28 =	vadd.f32 v49, v42  }
0x1a3: {  	v51 =	vmov v18;
	v18 =	vmul.f32 v0, v14  }
0x1a4: {  	v15 =	vadd.f32 v58, v15;
	v58 =	vmul.f32 v46, v24;
	v0 =	vadd.f32 v39, v28  }
0x1a5: {  	v52 =	vmovc v19;
	v19 =	vand.u32 $0x7FFFFEF8, v35;
	v48 =	vmul.f32 v44, v9;
	v41 =	vmul.f32 v41, v18  }
0x1a6: {  	v20 =	vmovc v24;
	[tilespmem:$0x1FFC0] =	vst v24;
	v24 =	vmul.f32 v47, v8;
	v28 =	vor.u32 $0x1, v35;
	v14 =	vadd.f32 v58, v0  }
0x1a7: {  	v45 =	vor.u32 $0x1, v54;
	v49 =	vld.idx.msk [tilespmem:v21+s13+$0x0], $0xffff  }
0x1a8: {  	v15 =	vadd.f32 v48, v15;
	v58 =	vor.u32 $0x1, v55;
	v14 =	vadd.f32 v41, v14  }
0x1a9: {  	[tilespmem:$0x1FD00] =	vst v56;
	v48 =	vor.u32 $0x1, v56  }
0x1aa: {  	v15 =	vadd.f32 v24, v15;
	v24 =	vmov v56;
	v56 =	vor.u32 $0x1, v53;
	[tilespmem:v19+s30+$0x0] =	vst.idx.msk $0xffff, v14  }
0x1ab: {  	v21 =	vor.u32 $0x1, v37;
	v14 =	vld.idx.msk [tilespmem:v28+s13+$0x0], $0xffff  }
0x1ac: {  	[tilespmem:$0x1FE40] =	vst v54;
	v47 =	vor.u32 $0x3, v36;
	v46 =	vmul.f32 v49, v7;
	v0 =	vmov v54;
	v54 =	vld.idx.msk [tilespmem:v45+s13+$0x0], $0xffff  }
0x1ad: {  	v63 =	vor.u32 $0x3, v63;
	v41 =	vld.idx.msk [tilespmem:v58+s13+$0x0], $0xffff  }
0x1ae: {  	v49 =	vor.u32 $0x3, v62;
	v15 =	vadd.f32 v46, v15;
	v42 =	vld.idx.msk [tilespmem:v48+s13+$0x0], $0xffff  }
0x1af: {  	v62 =	vor.u32 $0x3, v60;
	v44 =	vld.idx.msk [tilespmem:v56+s13+$0x0], $0xffff  }
0x1b0: {  	[tilespmem:v16+s30+$0x0] =	vst.idx.msk $0xffff, v15;
	v58 =	vor.u32 $0x1, v57;
	v56 =	vld.idx.msk [tilespmem:v21+s13+$0x0], $0xffff  }
0x1b1: {  	[tilespmem:$0x1FCC0] =	vst v55;
	v36 =	vmov v55;
	v28 =	vmov v53;
	v53 =	vor.u32 $0x1, v38;
	v55 =	vld.idx.msk [tilespmem:v47+s13+$0x0], $0xffff  }
0x1b2: {  	v43 =	vld.idx.msk [tilespmem:v63+s13+$0x0], $0xffff  }
0x1b3: {  	[tilespmem:$0x1FD30] =	vst v25;
	v39 =	vmov v25;
	v15 =	vld.idx.msk [tilespmem:v49+s13+$0x0], $0xffff;
	v14 =	vmul.f32 v14, v25;
	v25 =	vor.u32 $0x3, v59  }
0x1b4: {  	v46 =	vld.idx.msk [tilespmem:v62+s13+$0x0], $0xffff;
	v16 =	vmul.f32 v54, v30;
	v54 =	vor.u32 $0x3, v34  }
0x1b5: {  	v45 =	vld.idx.msk [tilespmem:v58+s13+$0x0], $0xffff  }
0x1b6: {  	[tilespmem:$0x1FD70] =	vst v37;
	v48 =	vor.u32 $0x1, v19;
	v37 =	vmul.f32 v41, v31;
	v58 =	vor.u32 $0x3, v33;
	v60 =	vld.idx.msk [tilespmem:v53+s13+$0x0], $0xffff  }
0x1b7: {  	s16 =	sadd.s32 $0x20, s5;
	[tilespmem:$0x1FBE0] =	vst v57;
	v59 =	vmul.f32 v44, v27;
	v53 =	vld [tilespmem:s8+$0x0];
	v40 =	vmul.f32 v55, v51;
	v14 =	vadd.f32 v16, v14  }
0x1b8: {  	[tilespmem:$0x1FC60] =	vst v23;
	v63 =	vmovc v57;
	v43 =	vmul.f32 v43, v52;
	v15 =	vmul.f32 v15, v17;
	v17 =	vmov s16;
	v57 =	vld.idx.msk [tilespmem:v25+s13+$0x0], $0xffff  }
0x1b9: {  	[tilespmem:$0x1FC30] =	vst v27;
	v55 =	vmul.f32 v42, v26;
	v44 =	vshll.u32 v17, $0x3;
	v14 =	vadd.f32 v37, v14;
	v41 =	vld.idx.msk [tilespmem:v54+s13+$0x0], $0xffff  }
0x1ba: {  	[tilespmem:$0x1FBA0] =	vst v47;
	v21 =	vmul.f32 v46, v11;
	v40 =	vadd.f32 v43, v40;
	v47 =	vor.u32 v22, v44;
	v54 =	vld [tilespmem:s1+$0x0]  }
0x1bb: {  	s17 =	sadd.s32 $0x30, s5;
	v33 =	vmovc v27;
	v62 =	vmul.f32 v45, v23;
	v23 =	vor.u32 $0x3, v32;
	v27 =	vld.idx.msk [tilespmem:v58+s13+$0x0], $0xffff;
	v14 =	vadd.f32 v55, v14  }
0x1bc: {  	[tilespmem:$0x1FEE0] =	vst v11;
	v52 =	vmov s17;
	v49 =	vor.u32 v1, v44;
	v25 =	vmul.f32 v56, v20;
	v56 =	vld [tilespmem:s10+$0x0]  }
0x1bd: {  	[tilespmem:$0x1FF10] =	vst v10;
	v15 =	vadd.f32 v15, v40;
	v32 =	vor.u32 v13, v44;
	v14 =	vadd.f32 v59, v14  }
0x1be: {  	[tilespmem:$0x1FC50] =	vst v38;
	v38 =	vmovc v26;
	v42 =	vld [tilespmem:$0x1FB80];
	v37 =	vmul.f32 v60, v18;
	v60 =	vor.u32 $0x2, v35;
	v20 =	vor.u32 v12, v44  }
0x1bf: {  	v15 =	vadd.f32 v21, v15;
	v45 =	vld.idx.msk [tilespmem:v47+s13+$0x0], $0xffff;
	v14 =	vadd.f32 v62, v14;
	v26 =	vmul.f32 v57, v10  }
0x1c0: {  	[tilespmem:$0x1FF20] =	vst v9;
	v41 =	vmul.f32 v41, v9;
	v62 =	vld.idx.msk [tilespmem:v23+s13+$0x0], $0xffff;
	v9 =	vsub.f32 $1.000000000e+00, v53;
	v46 =	vsub.f32 $1.000000000e+00, v54  }
0x1c1: {  	[tilespmem:$0x1FE10] =	vst v18;
	v10 =	vld.idx.msk [tilespmem:v49+s13+$0x0], $0xffff;
	v18 =	vmul.f32 v27, v8;
	v57 =	vsub.f32 $1.000000000e+00, v56;
	v14 =	vadd.f32 v25, v14  }
0x1c2: {  	[tilespmem:$0x1FCA0] =	vst v19;
	v11 =	vld.idx.msk [tilespmem:v32+s13+$0x0], $0xffff;
	v15 =	vadd.f32 v26, v15;
	v19 =	vmul.f32 v46, v9;
	v25 =	vor.u32 $0x2, v0  }
0x1c3: {  	[tilespmem:$0x1FF30] =	vst v8;
	v8 =	vld [tilespmem:s10+$0x10];
	v16 =	vmul.f32 v54, v9;
	v9 =	vshll.u32 v52, $0x3;
	v52 =	vor.u32 v61, v44  }
0x1c4: {  	v26 =	vld.idx.msk [tilespmem:v20+s13+$0x0], $0xffff;
	v23 =	vor.u32 v13, v9;
	v13 =	vmul.f32 v46, v53;
	v14 =	vadd.f32 v37, v14  }
0x1c5: {  	[tilespmem:$0x1FE30] =	vst v35;
	v15 =	vadd.f32 v41, v15;
	v21 =	vmul.f32 v57, v19;
	v35 =	vmul.f32 v19, v56;
	v19 =	vld [tilespmem:s8+$0x10]  }
0x1c6: {  	v51 =	vor.u32 v1, v9;
	v53 =	vmul.f32 v54, v53;
	v43 =	vmul.f32 v57, v16;
	v41 =	vld [tilespmem:$0x1FB90]  }
0x1c7: {  	[tilespmem:v48+s30+$0x0] =	vst.idx.msk $0xffff, v14;
	v15 =	vadd.f32 v18, v15;
	v48 =	vor.u32 v29, v44;
	v18 =	vld [tilespmem:s1+$0x10]  }
0x1c8: {  	v40 =	vor.u32 v12, v9;
	v34 =	vmul.f32 v21, v10;
	v55 =	vmul.f32 v11, v35;
	v58 =	vld.idx.msk [tilespmem:v60+s13+$0x0], $0xffff  }
0x1c9: {  	v0 =	vmul.f32 v56, v16;
	v27 =	vmul.f32 v62, v7;
	v60 =	vld.idx.msk [tilespmem:v25+s13+$0x0], $0xffff;
	v25 =	vor.u32 v42, v44  }
0x1ca: {  	[tilespmem:$0x1FFE0] =	vst v7;
	v46 =	vor.u32 $0x2, v24;
	v62 =	vmul.f32 v26, v43;
	v55 =	vadd.f32 v55, v34  }
0x1cb: {  	[tilespmem:$0x1FEC0] =	vst v30;
	v7 =	vsub.f32 $1.000000000e+00, v8;
	v45 =	vmul.f32 v45, v0;
	v17 =	vld.idx.msk [tilespmem:v52+s13+$0x0], $0xffff;
	v37 =	vadd.f32 v27, v15  }
0x1cc: {  	[tilespmem:$0x1FFB0] =	vst v0;
	v15 =	vor.u32 $0x2, v36;
	v27 =	vor.u32 v22, v9;
	v16 =	vadd.f32 v62, v55;
	v34 =	vld.idx.msk [tilespmem:v48+s13+$0x0], $0xffff  }
0x1cd: {  	v12 =	vld.idx.msk [tilespmem:v51+s13+$0x0], $0xffff;
	v36 =	vmovc v23;
	v62 =	vmul.f32 v57, v13;
	v14 =	vsub.f32 $1.000000000e+00, v18;
	v58 =	vmul.f32 v58, v39  }
0x1ce: {  	v55 =	vmovc v0;
	v0 =	vsub.f32 $1.000000000e+00, v19;
	v60 =	vmul.f32 v60, v30;
	v39 =	vor.u32 v41, v44;
	v10 =	vld.idx.msk [tilespmem:v25+s13+$0x0], $0xffff  }
0x1cf: {  	v16 =	vadd.f32 v45, v16;
	v30 =	vld.idx.msk [tilespmem:v23+s13+$0x0], $0xffff;
	v45 =	vmul.f32 v13, v56;
	v13 =	vmul.f32 v57, v53  }
0x1d0: {  	v54 =	vld.idx.msk [tilespmem:v40+s13+$0x0], $0xffff;
	v23 =	vor.u32 v29, v9;
	v1 =	vmul.f32 v14, v0;
	v0 =	vmul.f32 v18, v0  }
0x1d1: {  	v57 =	vor.u32 v61, v9;
	v26 =	vld.idx.msk [tilespmem:v27+s13+$0x0], $0xffff;
	v17 =	vmul.f32 v17, v45;
	v59 =	vmul.f32 v34, v62  }
0x1d2: {  	v58 =	vadd.f32 v60, v58;
	v60 =	vld.idx.msk [tilespmem:v15+s13+$0x0], $0xffff;
	v34 =	vmul.f32 v7, v1;
	v44 =	vmul.f32 v1, v8  }
0x1d3: {  	v24 =	vmovc v39;
	v15 =	vor.u32 $0x2, v63;
	v10 =	vmul.f32 v10, v13;
	v1 =	vld.idx.msk [tilespmem:v39+s13+$0x0], $0xffff;
	v39 =	vmul.f32 v56, v53  }
0x1d4: {  	v56 =	vor.u32 $0x2, v28;
	v11 =	vmul.f32 v30, v44;
	v30 =	vmul.f32 v7, v0  }
0x1d5: {  	v53 =	vmul.f32 v8, v0;
	v16 =	vadd.f32 v59, v16;
	v12 =	vmul.f32 v34, v12  }
0x1d6: {  	[tilespmem:$0x1FE80] =	vst v28;
	v22 =	vmul.f32 v54, v30;
	v54 =	vmov v28;
	v28 =	vor.u32 v42, v9;
	v42 =	vld.idx.msk [tilespmem:v23+s13+$0x0], $0xffff  }
0x1d7: {  	v16 =	vadd.f32 v17, v16;
	v11 =	vadd.f32 v11, v12;
	v12 =	vmul.f32 v14, v19;
	v17 =	vld.idx.msk [tilespmem:v46+s13+$0x0], $0xffff  }
0x1d8: {  	[tilespmem:$0x1FBF0] =	vst v38;
	v60 =	vmul.f32 v60, v31;
	v0 =	vmul.f32 v26, v53  }
0x1d9: {  	v15 =	vld.idx.msk [tilespmem:v15+s13+$0x0], $0xffff;
	[tilespmem:$0x1FFA0] =	vst v30;
	v30 =	vor.u32 v41, v9;
	v63 =	vmul.f32 v7, v12  }
0x1da: {  	v29 =	vmovc v53;
	v59 =	vmovc v13;
	v13 =	vor.u32 $0x1, v32;
	v11 =	vadd.f32 v22, v11;
	v22 =	vand.u32 $0x7FFFFF78, v49;
	v41 =	vld.idx.msk [tilespmem:v56+s13+$0x0], $0xffff  }
0x1db: {  	v14 =	vld.idx.msk [tilespmem:v57+s13+$0x0], $0xffff;
	v58 =	vadd.f32 v60, v58;
	v16 =	vadd.f32 v10, v16;
	v1 =	vmul.f32 v1, v39  }
0x1dc: {  	v0 =	vadd.f32 v0, v11;
	v10 =	vmul.f32 v42, v63;
	v53 =	vld.idx.msk [tilespmem:v28+s13+$0x0], $0xffff;
	v60 =	vmul.f32 v17, v38  }
0x1dd: {  	v61 =	vor.u32 $0x1, v49;
	[tilespmem:$0x1FC20] =	vst v63;
	v1 =	vadd.f32 v1, v16;
	v42 =	vor.u32 $0x1, v20;
	v63 =	vmovc v20;
	v20 =	vld [tilespmem:$0x1FD70]  }
0x1de: {  	v16 =	vmul.f32 v12, v8;
	v0 =	vadd.f32 v10, v0;
	v10 =	vadd.f32 v60, v58;
	v58 =	vld.idx.msk [tilespmem:v30+s13+$0x0], $0xffff  }
0x1df: {  	[tilespmem:v22+s30+$0x0] =	vst.idx.msk $0xffff, v1;
	v1 =	vmul.f32 v18, v19;
	v9 =	vmul.f32 v41, v33;
	v41 =	vld [tilespmem:$0x1FC50]  }
0x1e0: {  	[tilespmem:$0x1FCF0] =	vst v32;
	v46 =	vmov v32;
	v60 =	vld [tilespmem:$0x1FBA0]  }
0x1e1: {  	v32 =	vmovc v38;
	v18 =	vor.u32 $0x1, v47;
	v13 =	vld.idx.msk [tilespmem:v13+s13+$0x0], $0xffff;
	v38 =	vmul.f32 v7, v1;
	v7 =	vmul.f32 v14, v16  }
0x1e2: {  	v19 =	vor.u32 $0x1, v48;
	v17 =	vld.idx.msk [tilespmem:v61+s13+$0x0], $0xffff  }
0x1e3: {  	v0 =	vadd.f32 v7, v0;
	v7 =	vld.idx.msk [tilespmem:v42+s13+$0x0], $0xffff;
	v33 =	vmul.f32 v53, v38  }
0x1e4: {  	v26 =	vor.u32 $0x2, v20;
	v53 =	vmul.f32 v8, v1;
	v8 =	vld [tilespmem:$0x1FD20]  }
0x1e5: {  	v42 =	vor.u32 $0x2, v41;
	v0 =	vadd.f32 v33, v0;
	v33 =	vld [tilespmem:$0x1FC60]  }
0x1e6: {  	[tilespmem:$0x1FF50] =	vst v35;
	v1 =	vld.idx.msk [tilespmem:v18+s13+$0x0], $0xffff;
	v13 =	vmul.f32 v13, v35;
	v35 =	vmul.f32 v58, v53  }
0x1e7: {  	v61 =	vor.u32 $0x1, v52;
	v19 =	vld.idx.msk [tilespmem:v19+s13+$0x0], $0xffff  }
0x1e8: {  	v17 =	vmul.f32 v17, v21;
	[tilespmem:v60+s30+$0x0] =	vst.idx.msk $0xffff, v37;
	v0 =	vadd.f32 v35, v0;
	v37 =	vor.u32 $0x1, v40;
	v35 =	vld [tilespmem:$0x1FE00]  }
0x1e9: {  	v10 =	vadd.f32 v9, v10;
	v14 =	vld.idx.msk [tilespmem:v26+s13+$0x0], $0xffff  }
0x1ea: {  	v13 =	vadd.f32 v13, v17;
	v8 =	vor.u32 $0x4, v8;
	v17 =	vld.idx.msk [tilespmem:v42+s13+$0x0], $0xffff;
	v15 =	vmul.f32 v15, v33  }
0x1eb: {  	v26 =	vor.u32 $0x1, v25;
	v7 =	vmul.f32 v7, v43;
	[tilespmem:v51+s30+$0x0] =	vst.idx.msk $0xffff, v0;
	v0 =	vld [tilespmem:$0x1FFC0]  }
0x1ec: {  	v10 =	vadd.f32 v15, v10;
	v15 =	vld.idx.msk [tilespmem:v61+s13+$0x0], $0xffff  }
0x1ed: {  	[tilespmem:$0x1FEF0] =	vst v31;
	v31 =	vor.u32 $0x1, v51;
	v7 =	vadd.f32 v7, v13;
	v13 =	vld.idx.msk [tilespmem:v37+s13+$0x0], $0xffff  }
0x1ee: {  	v42 =	vor.u32 $0x1, v27;
	v37 =	vld [tilespmem:$0x1FC90]  }
0x1ef: {  	[tilespmem:$0x1FED0] =	vst v36;
	v56 =	vor.u32 $0x1, v36;
	v12 =	vmov v36;
	v36 =	vor.u32 $0x1, v24;
	v9 =	vld.idx.msk [tilespmem:v8+s13+$0x0], $0xffff  }
0x1f0: {  	v1 =	vmul.f32 v1, v55;
	v60 =	vld.idx.msk [tilespmem:v26+s13+$0x0], $0xffff  }
0x1f1: {  	v8 =	vld [tilespmem:$0x1FDA0]  }
0x1f2: {  	v1 =	vadd.f32 v1, v7;
	v7 =	vmul.f32 v19, v62;
	v26 =	vld.idx.msk [tilespmem:v31+s13+$0x0], $0xffff  }
0x1f3: {  	[tilespmem:$0x1FF40] =	vst v21;
	v21 =	vld.idx.msk [tilespmem:v42+s13+$0x0], $0xffff  }
0x1f4: {  	v20 =	vor.u32 $0x1, v23;
	v1 =	vadd.f32 v7, v1;
	v7 =	vmul.f32 v15, v45;
	v15 =	vld.idx.msk [tilespmem:v36+s13+$0x0], $0xffff  }
0x1f5: {  	v36 =	vld [tilespmem:$0x1FCA0]  }
0x1f6: {  	v61 =	vor.u32 $0x4, v8;
	v8 =	vld [tilespmem:$0x1FE10]  }
0x1f7: {  	v42 =	vld [tilespmem:$0x1FDD0]  }
0x1f8: {  	v19 =	vmul.f32 v26, v34;
	v26 =	vld [tilespmem:$0x1FFA0];
	v1 =	vadd.f32 v7, v1;
	v7 =	vor.u32 $0x1, v30  }
0x1f9: {  	v55 =	vmovc v62;
	v11 =	vor.u32 $0x4, v35;
	v0 =	vmul.f32 v14, v0;
	v62 =	vmul.f32 v15, v39;
	v15 =	vld.idx.msk [tilespmem:v20+s13+$0x0], $0xffff  }
0x1fa: {  	[tilespmem:$0x1FE60] =	vst v39;
	v58 =	vor.u32 $0x1, v57;
	v18 =	vor.u32 $0x2, v36;
	v39 =	vld [tilespmem:$0x1FDF0]  }
0x1fb: {  	[tilespmem:$0x1FF90] =	vst v43;
	v0 =	vadd.f32 v0, v10;
	v43 =	vmul.f32 v17, v8;
	v17 =	vld.idx.msk [tilespmem:v56+s13+$0x0], $0xffff  }
0x1fc: {  	v8 =	vld [tilespmem:$0x1FDC0]  }
0x1fd: {  	v7 =	vld.idx.msk [tilespmem:v7+s13+$0x0], $0xffff;
	v10 =	vadd.f32 v43, v0  }
0x1fe: {  	[tilespmem:$0x1FC10] =	vst v28;
	v0 =	vor.u32 $0x1, v28;
	v28 =	vld.idx.msk [tilespmem:v11+s13+$0x0], $0xffff  }
0x1ff: {  	v43 =	vor.u32 $0x4, v37;
	[tilespmem:v18+s30+$0x0] =	vst.idx.msk $0xffff, v10;
	v10 =	vld.idx.msk [tilespmem:v58+s13+$0x0], $0xffff  }
0x200: {  	[tilespmem:$0x1FC80] =	vst v45;
	v45 =	vor.u32 $0x4, v42;
	v58 =	vld [tilespmem:$0x1FE30]  }
0x201: {  	v20 =	vor.u32 $0x4, v39;
	v56 =	vor.u32 $0x4, v8;
	v8 =	vld.idx.msk [tilespmem:v61+s13+$0x0], $0xffff;
	v17 =	vmul.f32 v17, v44  }
0x202: {  	[tilespmem:$0x1FE70] =	vst v22;
	v14 =	vmul.f32 v60, v59;
	v61 =	vor.u32 $0x1, v22;
	v22 =	vld [tilespmem:$0x1FE90]  }
0x203: {  	v13 =	vmul.f32 v13, v26;
	v17 =	vadd.f32 v17, v19;
	v0 =	vld.idx.msk [tilespmem:v0+s13+$0x0], $0xffff  }
0x204: {  	v1 =	vadd.f32 v14, v1;
	v14 =	vld.idx.msk [tilespmem:v43+s13+$0x0], $0xffff  }
0x205: {  	[tilespmem:$0x1FD80] =	vst v52;
	v13 =	vadd.f32 v13, v17;
	v17 =	vld.idx.msk [tilespmem:v45+s13+$0x0], $0xffff  }
0x206: {  	[tilespmem:$0x1FBC0] =	vst v51;
	v18 =	vld.idx.msk [tilespmem:v20+s13+$0x0], $0xffff  }
0x207: {  	[tilespmem:$0x1FCD0] =	vst v29;
	v1 =	vadd.f32 v62, v1;
	v62 =	vmov v29;
	v45 =	vmul.f32 v21, v29;
	v29 =	vld [tilespmem:$0x1FCC0]  }
0x208: {  	[tilespmem:$0x1FE50] =	vst v16;
	v21 =	vor.u32 $0x2, v51;
	v51 =	vld [tilespmem:$0x1FD80]  }
0x209: {  	[tilespmem:$0x1FBB0] =	vst v11;
	v11 =	vmov v16;
	v10 =	vmul.f32 v10, v16;
	v16 =	vld [tilespmem:$0x1FD30]  }
0x20a: {  	v60 =	vor.u32 $0x3, v58;
	[tilespmem:v61+s30+$0x0] =	vst.idx.msk $0xffff, v1;
	v1 =	vor.u32 $0x2, v46;
	v46 =	vld [tilespmem:$0x1FC20]  }
0x20b: {  	v61 =	vld [tilespmem:$0x1FEA0]  }
0x20c: {  	[tilespmem:$0x1FCE0] =	vst v49;
	v56 =	vld.idx.msk [tilespmem:v56+s13+$0x0], $0xffff  }
0x20d: {  	[tilespmem:$0x1FD90] =	vst v27;
	v49 =	vor.u32 $0x2, v49;
	v13 =	vadd.f32 v45, v13;
	v45 =	vld [tilespmem:$0x1FE40]  }
0x20e: {  	[tilespmem:$0x1FF70] =	vst v34;
	v19 =	vmul.f32 v28, v22;
	v28 =	vld [tilespmem:$0x1FEB0]  }
0x20f: {  	[tilespmem:$0x1FD10] =	vst v63;
	v33 =	vmov v27;
	v20 =	vld.idx.msk [tilespmem:v60+s13+$0x0], $0xffff;
	v15 =	vmul.f32 v15, v46  }
0x210: {  	v27 =	vmovc v34;
	v34 =	vmovc v30;
	v30 =	vmov v63;
	v63 =	vor.u32 $0x2, v63;
	v9 =	vmul.f32 v9, v61;
	v1 =	vld.idx.msk [tilespmem:v1+s13+$0x0], $0xffff  }
0x211: {  	v61 =	vld [tilespmem:$0x1FF10];
	v13 =	vadd.f32 v15, v13  }
0x212: {  	v0 =	vmul.f32 v0, v38;
	v15 =	vor.u32 $0x3, v45;
	v9 =	vadd.f32 v9, v19;
	v19 =	vld.idx.msk [tilespmem:v49+s13+$0x0], $0xffff  }
0x213: {  	v49 =	vor.u32 $0x2, v47;
	v10 =	vadd.f32 v10, v13;
	v13 =	vor.u32 $0x3, v29;
	v29 =	vld [tilespmem:$0x1FEE0]  }
0x214: {  	[tilespmem:$0x1FD40] =	vst v47;
	v47 =	vld [tilespmem:$0x1FD00]  }
0x215: {  	v8 =	vmul.f32 v8, v28;
	v0 =	vadd.f32 v0, v10;
	v10 =	vld.idx.msk [tilespmem:v63+s13+$0x0], $0xffff  }
0x216: {  	v7 =	vmul.f32 v7, v53;
	v63 =	vmov v53;
	v53 =	vld [tilespmem:$0x1FF40]  }
0x217: {  	v8 =	vadd.f32 v8, v9;
	v9 =	vld.idx.msk [tilespmem:v15+s13+$0x0], $0xffff  }
0x218: {  	v45 =	vld.idx.msk [tilespmem:v49+s13+$0x0], $0xffff;
	v43 =	vmul.f32 v56, v29  }
0x219: {  	v49 =	vld [tilespmem:$0x1FF90];
	v56 =	vor.u32 $0x2, v48  }
0x21a: {  	v8 =	vadd.f32 v43, v8;
	v43 =	vld [tilespmem:$0x1FF50]  }
0x21b: {  	v15 =	vor.u32 $0x2, v12;
	v12 =	vld [tilespmem:$0x1FF20];
	v0 =	vadd.f32 v7, v0;
	v7 =	vmul.f32 v17, v61  }
0x21c: {  	[tilespmem:$0x1FF00] =	vst v40;
	v58 =	vor.u32 $0x3, v47;
	v13 =	vld.idx.msk [tilespmem:v13+s13+$0x0], $0xffff  }
0x21d: {  	[tilespmem:v31+s30+$0x0] =	vst.idx.msk $0xffff, v0;
	v0 =	vadd.f32 v7, v8;
	v8 =	vor.u32 $0x2, v40;
	v40 =	vld [tilespmem:$0x1FEC0]  }
0x21e: {  	v60 =	vor.u32 $0x2, v51;
	v7 =	vld.idx.msk [tilespmem:v56+s13+$0x0], $0xffff  }
0x21f: {  	v19 =	vmul.f32 v19, v53;
	v56 =	vor.u32 $0x3, v54;
	v54 =	vld [tilespmem:$0x1FFB0];
	v1 =	vmul.f32 v1, v43  }
0x220: {  	v15 =	vld.idx.msk [tilespmem:v15+s13+$0x0], $0xffff  }
0x221: {  	v20 =	vmul.f32 v20, v16;
	v1 =	vadd.f32 v1, v19;
	v19 =	vld.idx.msk [tilespmem:v58+s13+$0x0], $0xffff  }
0x222: {  	v10 =	vmul.f32 v10, v49;
	v58 =	vld [tilespmem:$0x1FE20];
	v9 =	vmul.f32 v9, v40  }
0x223: {  	v8 =	vld.idx.msk [tilespmem:v8+s13+$0x0], $0xffff  }
0x224: {  	v45 =	vmul.f32 v45, v54;
	v1 =	vadd.f32 v10, v1;
	v9 =	vadd.f32 v9, v20;
	v20 =	vld.idx.msk [tilespmem:v60+s13+$0x0], $0xffff  }
0x225: {  	v17 =	vor.u32 $0x2, v25;
	v60 =	vor.u32 $0x2, v33;
	v33 =	vld [tilespmem:$0x1FEF0]  }
0x226: {  	v1 =	vadd.f32 v45, v1;
	v45 =	vld [tilespmem:$0x1FBE0]  }
0x227: {  	v31 =	vor.u32 $0x4, v58;
	v58 =	vld.idx.msk [tilespmem:v21+s13+$0x0], $0xffff;
	_ =	sdelay $0x1  }
0x228: {  	v52 =	vmov v23;
	v10 =	vor.u32 $0x2, v23;
	v23 =	vld [tilespmem:$0x1FF30]  }
0x229: {  	v18 =	vmul.f32 v18, v12;
	v17 =	vld.idx.msk [tilespmem:v17+s13+$0x0], $0xffff;
	v40 =	vmul.f32 v13, v33  }
0x22a: {  	[tilespmem:$0x1FF60] =	vst v25;
	v15 =	vmul.f32 v15, v44;
	v19 =	vmul.f32 v19, v32;
	v32 =	vld [tilespmem:$0x1FC80];
	v25 =	vor.u32 $0x3, v45  }
0x22b: {  	v8 =	vmul.f32 v8, v26;
	v26 =	vld [tilespmem:$0x1FD70];
	v9 =	vadd.f32 v40, v9;
	v40 =	vmul.f32 v58, v27  }
0x22c: {  	v13 =	vld.idx.msk [tilespmem:v31+s13+$0x0], $0xffff  }
0x22d: {  	v0 =	vadd.f32 v18, v0;
	v14 =	vmul.f32 v14, v23;
	v15 =	vadd.f32 v15, v40;
	v40 =	vld [tilespmem:$0x1FFE0]  }
0x22e: {  	v58 =	vld.idx.msk [tilespmem:v60+s13+$0x0], $0xffff  }
0x22f: {  	[tilespmem:$0x1FBD0] =	vst v57;
	v57 =	vor.u32 $0x2, v57;
	v7 =	vmul.f32 v7, v55;
	v0 =	vadd.f32 v14, v0;
	v14 =	vld.idx.msk [tilespmem:v25+s13+$0x0], $0xffff  }
0x230: {  	v25 =	vld [tilespmem:$0x1FC10]  }
0x231: {  	v1 =	vadd.f32 v7, v1;
	v7 =	vld.idx.msk [tilespmem:v56+s13+$0x0], $0xffff  }
0x232: {  	v13 =	vmul.f32 v13, v40;
	v40 =	vld [tilespmem:$0x1FC30]  }
0x233: {  	v56 =	vor.u32 $0x2, v24;
	v10 =	vld.idx.msk [tilespmem:v10+s13+$0x0], $0xffff  }
0x234: {  	v45 =	vmovc v24;
	v24 =	vld.idx.msk [tilespmem:v57+s13+$0x0], $0xffff;
	v18 =	vor.u32 $0x3, v26;
	v8 =	vadd.f32 v8, v15;
	v62 =	vmul.f32 v58, v62  }
0x235: {  	[tilespmem:$0x1FDE0] =	vst v34;
	v16 =	vmov v34;
	v27 =	vor.u32 $0x2, v34;
	v34 =	vld [tilespmem:$0x1FD20];
	v15 =	vor.u32 $0x2, v25  }
0x236: {  	v8 =	vadd.f32 v62, v8;
	v62 =	vld [tilespmem:$0x1FC60]  }
0x237: {  	[tilespmem:$0x1FF80] =	vst v44;
	v44 =	vor.u32 $0x3, v41;
	v60 =	vld [tilespmem:$0x1FE60];
	v9 =	vadd.f32 v19, v9;
	v7 =	vmul.f32 v7, v40  }
0x238: {  	v19 =	vld.idx.msk [tilespmem:v56+s13+$0x0], $0xffff  }
0x239: {  	v7 =	vadd.f32 v7, v9;
	v9 =	vld.idx.msk [tilespmem:v18+s13+$0x0], $0xffff  }
0x23a: {  	v0 =	vadd.f32 v13, v0;
	v13 =	vld.idx.msk [tilespmem:v15+s13+$0x0], $0xffff  }
0x23b: {  	v14 =	vmul.f32 v14, v62;
	v15 =	vor.u32 $0x5, v34;
	v34 =	vld [tilespmem:$0x1FE70]  }
0x23c: {  	v18 =	vld.idx.msk [tilespmem:v44+s13+$0x0], $0xffff  }
0x23d: {  	v14 =	vadd.f32 v14, v7;
	v7 =	vld [tilespmem:$0x1FBB0]  }
0x23e: {  	v20 =	vmul.f32 v20, v32;
	v44 =	vld [tilespmem:$0x1FCE0]  }
0x23f: {  	v41 =	vmul.f32 v24, v11;
	v24 =	vld [tilespmem:$0x1FCF0]  }
0x240: {  	v17 =	vmul.f32 v17, v59;
	v1 =	vadd.f32 v20, v1;
	_ =	sdelay $0x1  }
0x241: {  	v57 =	vld [tilespmem:$0x1FFC0];
	v10 =	vmul.f32 v10, v46;
	v1 =	vadd.f32 v17, v1;
	v17 =	vor.u32 $0x2, v34  }
0x242: {  	v31 =	vld.idx.msk [tilespmem:v27+s13+$0x0], $0xffff;
	v19 =	vmul.f32 v19, v60;
	v20 =	vor.u32 $0x3, v44  }
0x243: {  	v27 =	vld [tilespmem:$0x1FD40];
	v8 =	vadd.f32 v10, v8;
	v56 =	vor.u32 $0x3, v24  }
0x244: {  	v35 =	vor.u32 $0x5, v35;
	v1 =	vadd.f32 v19, v1;
	[tilespmem:v7+s30+$0x0] =	vst.idx.msk $0xffff, v0;
	v7 =	vld [tilespmem:$0x1FDA0]  }
0x245: {  	[tilespmem:$0x1FC40] =	vst v38;
	v46 =	vmul.f32 v13, v38;
	v0 =	vadd.f32 v41, v8;
	v41 =	vmov v38;
	v38 =	vld [tilespmem:$0x1FE10]  }
0x246: {  	[tilespmem:v17+s30+$0x0] =	vst.idx.msk $0xffff, v1;
	v1 =	vld.idx.msk [tilespmem:v15+s13+$0x0], $0xffff  }
0x247: {  	v8 =	vmul.f32 v9, v57;
	v9 =	vor.u32 $0x3, v30;
	v15 =	vld.idx.msk [tilespmem:v20+s13+$0x0], $0xffff  }
0x248: {  	v17 =	vor.u32 $0x3, v27;
	v10 =	vld.idx.msk [tilespmem:v56+s13+$0x0], $0xffff  }
0x249: {  	v13 =	vor.u32 $0x3, v36;
	v30 =	vmul.f32 v31, v63;
	v36 =	vld.idx.msk [tilespmem:v35+s13+$0x0], $0xffff;
	v0 =	vadd.f32 v46, v0  }
0x24a: {  	[tilespmem:$0x1FD60] =	vst v48;
	v46 =	vor.u32 $0x3, v48;
	v48 =	vld [tilespmem:$0x1FF60]  }
0x24b: {  	v0 =	vadd.f32 v30, v0;
	v11 =	vor.u32 $0x5, v7;
	v7 =	vld [tilespmem:$0x1FDC0]  }
0x24c: {  	v9 =	vld.idx.msk [tilespmem:v9+s13+$0x0], $0xffff  }
0x24d: {  	v56 =	vor.u32 $0x5, v42;
	[tilespmem:v21+s30+$0x0] =	vst.idx.msk $0xffff, v0;
	v0 =	vld.idx.msk [tilespmem:v17+s13+$0x0], $0xffff  }
0x24e: {  	v8 =	vadd.f32 v8, v14;
	v58 =	vmul.f32 v18, v38;
	v14 =	vmul.f32 v36, v22;
	v36 =	vld [tilespmem:$0x1FED0]  }
0x24f: {  	v10 =	vmul.f32 v10, v43;
	v43 =	vor.u32 $0x5, v37;
	v37 =	vld [tilespmem:$0x1FCC0]  }
0x250: {  	v15 =	vmul.f32 v15, v53;
	v8 =	vadd.f32 v58, v8;
	v58 =	vor.u32 $0x3, v51;
	v20 =	vld.idx.msk [tilespmem:v46+s13+$0x0], $0xffff  }
0x251: {  	v30 =	vor.u32 $0x5, v39;
	v46 =	vld [tilespmem:$0x1FE30]  }
0x252: {  	v42 =	vor.u32 $0x3, v48;
	v10 =	vadd.f32 v10, v15;
	v15 =	vld.idx.msk [tilespmem:v56+s13+$0x0], $0xffff  }
0x253: {  	[tilespmem:v13+s30+$0x0] =	vst.idx.msk $0xffff, v8;
	v8 =	vld.idx.msk [tilespmem:v11+s13+$0x0], $0xffff  }
0x254: {  	v31 =	vor.u32 $0x5, v7;
	v7 =	vld [tilespmem:$0x1FEA0];
	v9 =	vmul.f32 v9, v49  }
0x255: {  	v11 =	vld.idx.msk [tilespmem:v58+s13+$0x0], $0xffff  }
0x256: {  	v9 =	vadd.f32 v9, v10;
	v10 =	vld.idx.msk [tilespmem:v30+s13+$0x0], $0xffff  }
0x257: {  	v17 =	vld.idx.msk [tilespmem:v42+s13+$0x0], $0xffff  }
0x258: {  	v0 =	vmul.f32 v0, v54;
	v42 =	vld [tilespmem:$0x1FE40]  }
0x259: {  	[tilespmem:$0x1FFD0] =	vst v55;
	v53 =	vor.u32 $0x4, v46;
	v20 =	vmul.f32 v20, v55;
	v55 =	vld [tilespmem:$0x1FD90]  }
0x25a: {  	v0 =	vadd.f32 v0, v9;
	v9 =	vld.idx.msk [tilespmem:v43+s13+$0x0], $0xffff  }
0x25b: {  	v31 =	vld.idx.msk [tilespmem:v31+s13+$0x0], $0xffff  }
0x25c: {  	v1 =	vmul.f32 v1, v7;
	v7 =	vld [tilespmem:$0x1FF00]  }
0x25d: {  	[tilespmem:$0x1FC00] =	vst v35;
	v35 =	vmov v51;
	v51 =	vor.u32 $0x3, v45;
	v8 =	vmul.f32 v8, v28;
	v28 =	vld [tilespmem:$0x1FBF0]  }
0x25e: {  	v1 =	vadd.f32 v1, v14;
	v58 =	vor.u32 $0x4, v42;
	v14 =	vld.idx.msk [tilespmem:v53+s13+$0x0], $0xffff  }
0x25f: {  	v49 =	vor.u32 $0x3, v55;
	v53 =	vld [tilespmem:$0x1FE80]  }
0x260: {  	v10 =	vmul.f32 v10, v12;
	v12 =	vld [tilespmem:$0x1FF70];
	v1 =	vadd.f32 v8, v1;
	v8 =	vmul.f32 v31, v29  }
0x261: {  	v56 =	vor.u32 $0x3, v36;
	v0 =	vadd.f32 v20, v0;
	v29 =	vld [tilespmem:$0x1FBC0]  }
0x262: {  	v11 =	vmul.f32 v11, v32;
	v1 =	vadd.f32 v8, v1;
	v8 =	vmul.f32 v15, v61;
	v15 =	vld.idx.msk [tilespmem:v51+s13+$0x0], $0xffff  }
0x263: {  	[tilespmem:$0x1FC70] =	vst v45;
	v22 =	vmov v45;
	v45 =	vor.u32 $0x4, v37;
	v21 =	vld.idx.msk [tilespmem:v58+s13+$0x0], $0xffff  }
0x264: {  	v0 =	vadd.f32 v11, v0;
	v9 =	vmul.f32 v9, v23;
	v51 =	vor.u32 $0x3, v7;
	v49 =	vld.idx.msk [tilespmem:v49+s13+$0x0], $0xffff  }
0x265: {  	v43 =	vmovc v47;
	v23 =	vmovc v24;
	v61 =	vmul.f32 v17, v59;
	v17 =	vor.u32 $0x4, v47;
	v47 =	vor.u32 $0x4, v24;
	v24 =	vld [tilespmem:$0x1FFA0]  }
0x266: {  	v1 =	vadd.f32 v8, v1;
	v8 =	vld.idx.msk [tilespmem:v56+s13+$0x0], $0xffff  }
0x267: {  	v54 =	vor.u32 $0x4, v53;
	v0 =	vadd.f32 v61, v0;
	v61 =	vld [tilespmem:$0x1FBD0]  }
0x268: {  	v1 =	vadd.f32 v10, v1;
	v10 =	vld.idx.msk [tilespmem:v45+s13+$0x0], $0xffff  }
0x269: {  	v39 =	vld.idx.msk [tilespmem:v51+s13+$0x0], $0xffff  }
0x26a: {  	v19 =	vor.u32 $0x3, v29;
	v17 =	vld.idx.msk [tilespmem:v17+s13+$0x0], $0xffff  }
0x26b: {  	v45 =	vmov v44;
	v51 =	vor.u32 $0x4, v44;
	v44 =	vld [tilespmem:$0x1FF80]  }
0x26c: {  	v58 =	vor.u32 $0x3, v52;
	v56 =	vor.u32 $0x3, v34;
	v34 =	vmul.f32 v15, v60;
	v18 =	vld.idx.msk [tilespmem:v54+s13+$0x0], $0xffff  }
0x26d: {  	v54 =	vld [tilespmem:$0x1FD10]  }
0x26e: {  	v0 =	vadd.f32 v34, v0;
	v34 =	vor.u32 $0x3, v25;
	v25 =	vld [tilespmem:$0x1FD30]  }
0x26f: {  	[tilespmem:$0x1FCB0] =	vst v59;
	v30 =	vmov v32;
	v32 =	vmov v59;
	v59 =	vor.u32 $0x3, v61;
	v31 =	vld.idx.msk [tilespmem:v19+s13+$0x0], $0xffff  }
0x270: {  	v15 =	vmul.f32 v39, v24;
	v39 =	vld [tilespmem:$0x1FEC0]  }
0x271: {  	[tilespmem:v56+s30+$0x0] =	vst.idx.msk $0xffff, v0;
	v0 =	vadd.f32 v9, v1;
	v1 =	vld.idx.msk [tilespmem:v58+s13+$0x0], $0xffff  }
0x272: {  	v10 =	vmul.f32 v10, v33;
	v33 =	vld [tilespmem:$0x1FC50]  }
0x273: {  	v13 =	vld.idx.msk [tilespmem:v51+s13+$0x0], $0xffff  }
0x274: {  	v8 =	vmul.f32 v8, v44;
	v20 =	vld.idx.msk [tilespmem:v59+s13+$0x0], $0xffff;
	v31 =	vmul.f32 v31, v12  }
0x275: {  	v14 =	vmul.f32 v14, v25;
	v59 =	vld [tilespmem:$0x1FBE0];
	v21 =	vmul.f32 v21, v39  }
0x276: {  	v8 =	vadd.f32 v8, v31;
	v31 =	vor.u32 $0x3, v16;
	v16 =	vld [tilespmem:$0x1FCD0]  }
0x277: {  	v14 =	vadd.f32 v21, v14;
	v21 =	vld.idx.msk [tilespmem:v34+s13+$0x0], $0xffff  }
0x278: {  	v34 =	vld [tilespmem:$0x1FC20]  }
0x279: {  	v58 =	vor.u32 $0x4, v26;
	v9 =	vld.idx.msk [tilespmem:v47+s13+$0x0], $0xffff  }
0x27a: {  	v51 =	vld [tilespmem:$0x1FE50]  }
0x27b: {  	v47 =	vmul.f32 v17, v28;
	v56 =	vor.u32 $0x4, v59;
	v17 =	vld.idx.msk [tilespmem:v31+s13+$0x0], $0xffff  }
0x27c: {  	v10 =	vadd.f32 v10, v14;
	v11 =	vmul.f32 v49, v16;
	v31 =	vor.u32 $0x4, v33;
	v33 =	vld [tilespmem:$0x1FD60]  }
0x27d: {  	v8 =	vadd.f32 v15, v8;
	v1 =	vmul.f32 v1, v34;
	v34 =	vmul.f32 v18, v40;
	v40 =	vld [tilespmem:$0x1FE20]  }
0x27e: {  	v15 =	vor.u32 $0x4, v54;
	v10 =	vadd.f32 v47, v10;
	v47 =	vld.idx.msk [tilespmem:v58+s13+$0x0], $0xffff  }
0x27f: {  	v58 =	vor.u32 $0x4, v7;
	v7 =	vld [tilespmem:$0x1FFE0];
	v8 =	vadd.f32 v11, v8  }
0x280: {  	v60 =	vmovc v27;
	v49 =	vmovc v26;
	v26 =	vor.u32 $0x4, v35;
	v11 =	vor.u32 $0x4, v27;
	v27 =	vmov v35;
	v35 =	vld [tilespmem:$0x1FF50]  }
0x281: {  	v20 =	vmul.f32 v20, v51;
	v1 =	vadd.f32 v1, v8;
	v8 =	vld.idx.msk [tilespmem:v56+s13+$0x0], $0xffff  }
0x282: {  	v10 =	vadd.f32 v34, v10;
	v34 =	vld [tilespmem:$0x1FF40];
	v18 =	vor.u32 $0x5, v40  }
0x283: {  	v15 =	vld.idx.msk [tilespmem:v15+s13+$0x0], $0xffff;
	v21 =	vmul.f32 v21, v41;
	v1 =	vadd.f32 v20, v1  }
0x284: {  	v56 =	vor.u32 $0x4, v33;
	v41 =	vld.idx.msk [tilespmem:v31+s13+$0x0], $0xffff  }
0x285: {  	v17 =	vmul.f32 v17, v63;
	v11 =	vld.idx.msk [tilespmem:v11+s13+$0x0], $0xffff;
	v1 =	vadd.f32 v21, v1  }
0x286: {  	v31 =	vor.u32 $0x4, v22;
	v21 =	vor.u32 $0x4, v48;
	v48 =	vld [tilespmem:$0x1FF90];
	v8 =	vmul.f32 v8, v62  }
0x287: {  	v9 =	vmul.f32 v9, v35;
	v13 =	vmul.f32 v13, v34;
	v1 =	vadd.f32 v17, v1;
	v17 =	vld.idx.msk [tilespmem:v18+s13+$0x0], $0xffff  }
0x288: {  	v22 =	vmovc v36;
	v47 =	vmul.f32 v47, v57;
	v8 =	vadd.f32 v8, v10;
	v18 =	vor.u32 $0x4, v36;
	v36 =	vld [tilespmem:$0x1FFB0]  }
0x289: {  	v9 =	vadd.f32 v9, v13;
	v13 =	vld.idx.msk [tilespmem:v56+s13+$0x0], $0xffff  }
0x28a: {  	v8 =	vadd.f32 v47, v8;
	v47 =	vld [tilespmem:$0x1FFD0]  }
0x28b: {  	v62 =	vmov v29;
	v56 =	vor.u32 $0x4, v29;
	v29 =	vld [tilespmem:$0x1FCA0];
	v15 =	vmul.f32 v15, v48;
	_ =	sdelay $0x1  }
0x28c: {  	v20 =	vld.idx.msk [tilespmem:v26+s13+$0x0], $0xffff;
	[tilespmem:v19+s30+$0x0] =	vst.idx.msk $0xffff, v1;
	v1 =	vadd.f32 v15, v9;
	v26 =	vmul.f32 v11, v36;
	_ =	sdelay $0x1  }
0x28d: {  	v1 =	vadd.f32 v26, v1;
	v26 =	vmul.f32 v13, v47;
	v13 =	vld.idx.msk [tilespmem:v31+s13+$0x0], $0xffff  }
0x28e: {  	v11 =	vor.u32 $0x4, v29;
	v31 =	vmul.f32 v17, v7;
	v7 =	vld [tilespmem:$0x1FD20]  }
0x28f: {  	v41 =	vmul.f32 v41, v38;
	_ =	sdelay $0x1  }
0x290: {  	v8 =	vadd.f32 v41, v8;
	_ =	sdelay $0x1  }
0x291: {  	[tilespmem:v11+s30+$0x0] =	vst.idx.msk $0xffff, v8;
	v8 =	vor.u32 $0x6, v7;
	v7 =	vld [tilespmem:$0x1FC00]  }
0x292: {  	v14 =	vld.idx.msk [tilespmem:v21+s13+$0x0], $0xffff;
	_ =	sdelay $0x1  }
0x293: {  	v57 =	vmov v38;
	v38 =	vor.u32 $0x5, v42  }
0x294: {  	v41 =	vmul.f32 v20, v30;
	v20 =	vld.idx.msk [tilespmem:v56+s13+$0x0], $0xffff;
	v1 =	vadd.f32 v26, v1  }
0x295: {  	v19 =	vor.u32 $0x5, v46;
	v21 =	vor.u32 $0x4, v55;
	v17 =	vld.idx.msk [tilespmem:v18+s13+$0x0], $0xffff  }
0x296: {  	v30 =	vld [tilespmem:$0x1FE70];
	v29 =	vmovc v46;
	v46 =	vmul.f32 v14, v32;
	v0 =	vadd.f32 v31, v0;
	v1 =	vadd.f32 v41, v1  }
0x297: {  	v26 =	vmov v55;
	v55 =	vld.idx.msk [tilespmem:v58+s13+$0x0], $0xffff  }
0x298: {  	v58 =	vor.u32 $0x5, v37;
	[tilespmem:v7+s30+$0x0] =	vst.idx.msk $0xffff, v0;
	v0 =	vadd.f32 v46, v1;
	v1 =	vld.idx.msk [tilespmem:v38+s13+$0x0], $0xffff  }
0x299: {  	v38 =	vld [tilespmem:$0x1FE60]  }
0x29a: {  	v17 =	vmul.f32 v17, v44;
	v44 =	vld.idx.msk [tilespmem:v21+s13+$0x0], $0xffff  }
0x29b: {  	v41 =	vor.u32 $0x5, v43;
	v43 =	vmul.f32 v20, v12;
	v12 =	vld [tilespmem:$0x1FC70]  }
0x29c: {  	v20 =	vor.u32 $0x5, v26;
	v26 =	vld [tilespmem:$0x1FF70]  }
0x29d: {  	v11 =	vld.idx.msk [tilespmem:v58+s13+$0x0], $0xffff;
	v58 =	vor.u32 $0x4, v61  }
0x29e: {  	v7 =	vld.idx.msk [tilespmem:v19+s13+$0x0], $0xffff;
	v37 =	vmul.f32 v13, v38  }
0x29f: {  	v32 =	vor.u32 $0x4, v52;
	v31 =	vor.u32 $0x4, v30;
	v19 =	vmul.f32 v44, v16;
	v16 =	vld [tilespmem:$0x1FEF0]  }
0x2a0: {  	v9 =	vadd.f32 v37, v0;
	v0 =	vld [tilespmem:$0x1FE00]  }
0x2a1: {  	v8 =	vld.idx.msk [tilespmem:v8+s13+$0x0], $0xffff  }
0x2a2: {  	v14 =	vld.idx.msk [tilespmem:v58+s13+$0x0], $0xffff  }
0x2a3: {  	v45 =	vor.u32 $0x5, v45;
	v58 =	vld [tilespmem:$0x1FDD0]  }
0x2a4: {  	[tilespmem:v31+s30+$0x0] =	vst.idx.msk $0xffff, v9;
	v9 =	vld.idx.msk [tilespmem:v32+s13+$0x0], $0xffff  }
0x2a5: {  	v32 =	vmov v61;
	v61 =	vor.u32 $0x5, v54;
	v54 =	vld [tilespmem:$0x1FC10];
	v46 =	vor.u32 $0x6, v0  }
0x2a6: {  	v17 =	vadd.f32 v17, v43;
	v10 =	vmul.f32 v55, v24;
	v13 =	vld.idx.msk [tilespmem:v41+s13+$0x0], $0xffff  }
0x2a7: {  	v55 =	vor.u32 $0x5, v23;
	v0 =	vld [tilespmem:$0x1FDA0]  }
0x2a8: {  	v10 =	vadd.f32 v10, v17;
	v17 =	vld.idx.msk [tilespmem:v45+s13+$0x0], $0xffff  }
0x2a9: {  	v45 =	vld [tilespmem:$0x1FEA0]  }
0x2aa: {  	v7 =	vmul.f32 v7, v25;
	v1 =	vmul.f32 v1, v39;
	v25 =	vor.u32 $0x4, v54;
	v43 =	vld.idx.msk [tilespmem:v46+s13+$0x0], $0xffff  }
0x2ab: {  	[tilespmem:$0x1FD50] =	vst v46;
	v46 =	vld [tilespmem:$0x1FC20]  }
0x2ac: {  	v1 =	vadd.f32 v1, v7;
	v7 =	vadd.f32 v19, v10;
	v10 =	vld.idx.msk [tilespmem:v55+s13+$0x0], $0xffff;
	v37 =	vor.u32 $0x6, v0  }
0x2ad: {  	v44 =	vor.u32 $0x5, v59;
	v41 =	vor.u32 $0x5, v53;
	v0 =	vmov v59;
	v59 =	vld [tilespmem:$0x1FDE0]  }
0x2ae: {  	v8 =	vmul.f32 v8, v45;
	v45 =	vld [tilespmem:$0x1FEB0]  }
0x2af: {  	v18 =	vld.idx.msk [tilespmem:v25+s13+$0x0], $0xffff  }
0x2b0: {  	v11 =	vmul.f32 v11, v16;
	v25 =	vld [tilespmem:$0x1FDC0];
	v9 =	vmul.f32 v9, v46  }
0x2b1: {  	v15 =	vld.idx.msk [tilespmem:v37+s13+$0x0], $0xffff;
	v37 =	vor.u32 $0x5, v60  }
0x2b2: {  	v1 =	vadd.f32 v11, v1;
	v11 =	vor.u32 $0x4, v59;
	v7 =	vadd.f32 v9, v7;
	v9 =	vld.idx.msk [tilespmem:v41+s13+$0x0], $0xffff  }
0x2b3: {  	v55 =	vor.u32 $0x5, v33;
	v41 =	vld [tilespmem:$0x1FE90]  }
0x2b4: {  	v19 =	vld.idx.msk [tilespmem:v44+s13+$0x0], $0xffff  }
0x2b5: {  	v23 =	vmovc v53;
	v13 =	vmul.f32 v13, v28;
	v33 =	vmov v28;
	v53 =	vld.idx.msk [tilespmem:v61+s13+$0x0], $0xffff;
	v28 =	vor.u32 $0x6, v25  }
0x2b6: {  	v25 =	vld.idx.msk [tilespmem:v37+s13+$0x0], $0xffff  }
0x2b7: {  	v44 =	vor.u32 $0x5, v49;
	v11 =	vld.idx.msk [tilespmem:v11+s13+$0x0], $0xffff  }
0x2b8: {  	v49 =	vmul.f32 v15, v45;
	v15 =	vld.idx.msk [tilespmem:v55+s13+$0x0], $0xffff;
	v43 =	vmul.f32 v43, v41  }
0x2b9: {  	v55 =	vld [tilespmem:$0x1FC40]  }
0x2ba: {  	v31 =	vld.idx.msk [tilespmem:v28+s13+$0x0], $0xffff;
	v8 =	vadd.f32 v8, v43  }
0x2bb: {  	v17 =	vmul.f32 v17, v34;
	v10 =	vmul.f32 v10, v35;
	v28 =	vld [tilespmem:$0x1FC50]  }
0x2bc: {  	v14 =	vmul.f32 v14, v51;
	v37 =	vor.u32 $0x5, v27;
	v8 =	vadd.f32 v49, v8;
	v49 =	vld.idx.msk [tilespmem:v44+s13+$0x0], $0xffff  }
0x2bd: {  	v10 =	vadd.f32 v10, v17;
	v44 =	vld [tilespmem:$0x1FF60]  }
0x2be: {  	v17 =	vor.u32 $0x6, v58;
	v7 =	vadd.f32 v14, v7;
	v27 =	vld [tilespmem:$0x1FC60];
	v18 =	vmul.f32 v18, v55  }
0x2bf: {  	v21 =	vmul.f32 v53, v48;
	v45 =	vmov v22;
	v43 =	vor.u32 $0x5, v22;
	v22 =	vld [tilespmem:$0x1FFC0]  }
0x2c0: {  	v41 =	vld [tilespmem:$0x1FC30];
	v11 =	vmul.f32 v11, v63;
	v60 =	vor.u32 $0x5, v28;
	v7 =	vadd.f32 v18, v7  }
0x2c1: {  	v1 =	vadd.f32 v13, v1;
	v10 =	vadd.f32 v21, v10;
	v13 =	vmul.f32 v25, v36;
	v37 =	vld.idx.msk [tilespmem:v37+s13+$0x0], $0xffff  }
0x2c2: {  	v25 =	vld [tilespmem:$0x1FEE0];
	v7 =	vadd.f32 v11, v7;
	v61 =	vor.u32 $0x5, v44  }
0x2c3: {  	v10 =	vadd.f32 v13, v10;
	v13 =	vld.idx.msk [tilespmem:v17+s13+$0x0], $0xffff  }
0x2c4: {  	[tilespmem:v56+s30+$0x0] =	vst.idx.msk $0xffff, v7;
	v7 =	vmul.f32 v49, v22;
	v49 =	vld [tilespmem:$0x1FC80]  }
0x2c5: {  	v53 =	vld.idx.msk [tilespmem:v60+s13+$0x0], $0xffff  }
0x2c6: {  	v15 =	vmul.f32 v15, v47;
	v60 =	vld [tilespmem:$0x1FF00]  }
0x2c7: {  	v9 =	vmul.f32 v9, v41;
	v14 =	vld.idx.msk [tilespmem:v61+s13+$0x0], $0xffff  }
0x2c8: {  	v58 =	vor.u32 $0x5, v12;
	v10 =	vadd.f32 v15, v10;
	v15 =	vmul.f32 v31, v25;
	v61 =	vld [tilespmem:$0x1FCA0]  }
0x2c9: {  	v19 =	vmul.f32 v19, v27;
	v1 =	vadd.f32 v9, v1;
	v31 =	vmul.f32 v37, v49;
	v37 =	vld [tilespmem:$0x1FDF0]  }
0x2ca: {  	v17 =	vor.u32 $0x5, v62;
	v8 =	vadd.f32 v15, v8;
	v15 =	vld.idx.msk [tilespmem:v43+s13+$0x0], $0xffff  }
0x2cb: {  	v1 =	vadd.f32 v19, v1;
	v11 =	vmul.f32 v53, v57;
	v53 =	vld [tilespmem:$0x1FCB0]  }
0x2cc: {  	v43 =	vld [tilespmem:$0x1FF10]  }
0x2cd: {  	v19 =	vld.idx.msk [tilespmem:v58+s13+$0x0], $0xffff;
	v1 =	vadd.f32 v7, v1;
	v7 =	vadd.f32 v31, v10;
	v31 =	vor.u32 $0x5, v61  }
0x2ce: {  	v58 =	vor.u32 $0x6, v40;
	v40 =	vld [tilespmem:$0x1FF80];
	v18 =	vor.u32 $0x6, v37  }
0x2cf: {  	v10 =	vld.idx.msk [tilespmem:v17+s13+$0x0], $0xffff  }
0x2d0: {  	v1 =	vadd.f32 v11, v1;
	v37 =	vld [tilespmem:$0x1FC90];
	v14 =	vmul.f32 v14, v53  }
0x2d1: {  	v25 =	vor.u32 $0x5, v59;
	v59 =	vld [tilespmem:$0x1FCE0];
	v21 =	vor.u32 $0x5, v60;
	v13 =	vmul.f32 v13, v43  }
0x2d2: {  	v43 =	vld [tilespmem:$0x1FCD0];
	v7 =	vadd.f32 v14, v7;
	[tilespmem:v31+s30+$0x0] =	vst.idx.msk $0xffff, v1;
	v1 =	vmul.f32 v19, v38  }
0x2d3: {  	v56 =	vor.u32 $0x5, v52;
	v8 =	vadd.f32 v13, v8;
	v13 =	vld.idx.msk [tilespmem:v18+s13+$0x0], $0xffff  }
0x2d4: {  	v1 =	vadd.f32 v1, v7;
	v7 =	vld [tilespmem:$0x1FF20]  }
0x2d5: {  	v15 =	vmul.f32 v15, v40;
	v11 =	vld.idx.msk [tilespmem:v20+s13+$0x0], $0xffff;
	v10 =	vmul.f32 v10, v26;
	v9 =	vor.u32 $0x6, v37  }
0x2d6: {  	v21 =	vld.idx.msk [tilespmem:v21+s13+$0x0], $0xffff  }
0x2d7: {  	v14 =	vor.u32 $0x6, v29;
	v10 =	vadd.f32 v15, v10;
	v15 =	vld.idx.msk [tilespmem:v58+s13+$0x0], $0xffff  }
0x2d8: {  	v19 =	vld.idx.msk [tilespmem:v56+s13+$0x0], $0xffff;
	v56 =	vor.u32 $0x5, v30  }
0x2d9: {  	v30 =	vld [tilespmem:$0x1FCC0];
	v7 =	vmul.f32 v13, v7  }
0x2da: {  	v18 =	vor.u32 $0x5, v32;
	v9 =	vld.idx.msk [tilespmem:v9+s13+$0x0], $0xffff  }
0x2db: {  	[tilespmem:$0x1FDB0] =	vst v52;
	v52 =	vor.u32 $0x5, v54;
	v7 =	vadd.f32 v7, v8;
	v8 =	vld [tilespmem:$0x1FF30]  }
0x2dc: {  	v14 =	vld.idx.msk [tilespmem:v14+s13+$0x0], $0xffff  }
0x2dd: {  	v31 =	vor.u32 $0x6, v42;
	[tilespmem:v56+s30+$0x0] =	vst.idx.msk $0xffff, v1;
	v56 =	vld.idx.msk [tilespmem:v25+s13+$0x0], $0xffff  }
0x2de: {  	v21 =	vmul.f32 v21, v24;
	v25 =	vld [tilespmem:$0x1FD00]  }
0x2df: {  	v13 =	vld.idx.msk [tilespmem:v18+s13+$0x0], $0xffff  }
0x2e0: {  	v11 =	vmul.f32 v11, v43;
	v10 =	vadd.f32 v21, v10;
	v8 =	vmul.f32 v9, v8;
	v9 =	vld.idx.msk [tilespmem:v52+s13+$0x0], $0xffff  }
0x2e1: {  	v21 =	vor.u32 $0x6, v59;
	v52 =	vld [tilespmem:$0x1FCF0]  }
0x2e2: {  	v1 =	vadd.f32 v11, v10;
	v31 =	vld.idx.msk [tilespmem:v31+s13+$0x0], $0xffff;
	v42 =	vmul.f32 v19, v46;
	v18 =	vor.u32 $0x6, v30  }
0x2e3: {  	v7 =	vadd.f32 v8, v7;
	v8 =	vld [tilespmem:$0x1FFE0]  }
0x2e4: {  	v57 =	vmovc v46;
	v46 =	vld [tilespmem:$0x1FD40];
	v1 =	vadd.f32 v42, v1;
	v58 =	vor.u32 $0x6, v25;
	v13 =	vmul.f32 v13, v51  }
0x2e5: {  	v42 =	vor.u32 $0x6, v23;
	v23 =	vld [tilespmem:$0x1FD30]  }
0x2e6: {  	v21 =	vld.idx.msk [tilespmem:v21+s13+$0x0], $0xffff;
	v1 =	vadd.f32 v13, v1;
	v38 =	vor.u32 $0x6, v52;
	v9 =	vmul.f32 v9, v55  }
0x2e7: {  	v11 =	vld.idx.msk [tilespmem:v18+s13+$0x0], $0xffff  }
0x2e8: {  	v51 =	vld [tilespmem:$0x1FD10];
	v8 =	vmul.f32 v15, v8;
	v1 =	vadd.f32 v9, v1;
	v15 =	vmul.f32 v56, v63  }
0x2e9: {  	v10 =	vmul.f32 v31, v39;
	v39 =	vor.u32 $0x6, v46;
	v9 =	vld.idx.msk [tilespmem:v58+s13+$0x0], $0xffff  }
0x2ea: {  	v7 =	vadd.f32 v8, v7;
	v8 =	vld [tilespmem:$0x1FD20];
	v1 =	vadd.f32 v15, v1  }
0x2eb: {  	v13 =	vld.idx.msk [tilespmem:v38+s13+$0x0], $0xffff  }
0x2ec: {  	v58 =	vor.u32 $0x6, v0;
	v38 =	vmovc v55;
	v55 =	vmov v0;
	v0 =	vld [tilespmem:$0x1FD50];
	[tilespmem:v17+s30+$0x0] =	vst.idx.msk $0xffff, v1;
	v17 =	vor.u32 $0x6, v60  }
0x2ed: {  	v11 =	vmul.f32 v11, v16;
	v16 =	vld [tilespmem:$0x1FD70]  }
0x2ee: {  	v1 =	vld.idx.msk [tilespmem:v39+s13+$0x0], $0xffff  }
0x2ef: {  	v29 =	vmovc v24;
	v24 =	vor.u32 $0x6, v51;
	v39 =	vmov v33;
	v9 =	vmul.f32 v9, v33;
	v33 =	vld [tilespmem:$0x1FD90]  }
0x2f0: {  	v15 =	vld.idx.msk [tilespmem:v42+s13+$0x0], $0xffff;
	v42 =	vmul.f32 v21, v34;
	v13 =	vmul.f32 v13, v35  }
0x2f1: {  	v8 =	vor.u32 $0x7, v8;
	v17 =	vld.idx.msk [tilespmem:v17+s13+$0x0], $0xffff  }
0x2f2: {  	v56 =	vadd.f32 v13, v42;
	v13 =	vld.idx.msk [tilespmem:v58+s13+$0x0], $0xffff  }
0x2f3: {  	v58 =	vor.u32 $0x6, v16;
	v42 =	vld [tilespmem:$0x1FD80]  }
0x2f4: {  	v31 =	vor.u32 $0x6, v33;
	[tilespmem:v0+s30+$0x0] =	vst.idx.msk $0xffff, v7;
	v7 =	vld.idx.msk [tilespmem:v24+s13+$0x0], $0xffff  }
0x2f5: {  	v14 =	vmul.f32 v14, v23;
	v24 =	vor.u32 $0x6, v45;
	v45 =	vld [tilespmem:$0x1FD60]  }
0x2f6: {  	v8 =	vld.idx.msk [tilespmem:v8+s13+$0x0], $0xffff  }
0x2f7: {  	v0 =	vadd.f32 v10, v14;
	v14 =	vor.u32 $0x6, v62;
	v17 =	vmul.f32 v17, v29;
	v29 =	vld [tilespmem:$0x1FE10]  }
0x2f8: {  	v18 =	vld.idx.msk [tilespmem:v58+s13+$0x0], $0xffff  }
0x2f9: {  	v60 =	vor.u32 $0x6, v42;
	v31 =	vld.idx.msk [tilespmem:v31+s13+$0x0], $0xffff  }
0x2fa: {  	v7 =	vmul.f32 v7, v48;
	v10 =	vld.idx.msk [tilespmem:v24+s13+$0x0], $0xffff  }
0x2fb: {  	v15 =	vmul.f32 v15, v41;
	v0 =	vadd.f32 v11, v0;
	v20 =	vor.u32 $0x6, v45;
	v24 =	vld [tilespmem:$0x1FDA0]  }
0x2fc: {  	v35 =	vor.u32 $0x6, v28;
	v1 =	vmul.f32 v1, v36;
	v21 =	vld.idx.msk [tilespmem:v14+s13+$0x0], $0xffff;
	v7 =	vadd.f32 v7, v56  }
0x2fd: {  	v0 =	vadd.f32 v9, v0;
	v13 =	vmul.f32 v13, v27;
	v48 =	vmovc v41;
	v41 =	vmov v27;
	v27 =	vld [tilespmem:$0x1FE60]  }
0x2fe: {  	v1 =	vadd.f32 v1, v7;
	v7 =	vld.idx.msk [tilespmem:v60+s13+$0x0], $0xffff  }
0x2ff: {  	v0 =	vadd.f32 v15, v0;
	v60 =	vld [tilespmem:$0x1FDC0]  }
0x300: {  	v9 =	vor.u32 $0x7, v24;
	v34 =	vld.idx.msk [tilespmem:v20+s13+$0x0], $0xffff  }
0x301: {  	v0 =	vadd.f32 v13, v0;
	v18 =	vmul.f32 v18, v22;
	v20 =	vld.idx.msk [tilespmem:v35+s13+$0x0], $0xffff;
	v35 =	vor.u32 $0x6, v12  }
0x302: {  	v56 =	vld [tilespmem:$0x1FEB0]  }
0x303: {  	v18 =	vadd.f32 v18, v0;
	v0 =	vld [tilespmem:$0x1FDF0]  }
0x304: {  	v36 =	vor.u32 $0x6, v44;
	v24 =	vld [tilespmem:$0x1FDB0];
	v21 =	vmul.f32 v21, v26;
	v10 =	vmul.f32 v10, v40  }
0x305: {  	v9 =	vld.idx.msk [tilespmem:v9+s13+$0x0], $0xffff  }
0x306: {  	v10 =	vadd.f32 v10, v21;
	v19 =	vor.u32 $0x7, v60;
	v21 =	vld.idx.msk [tilespmem:v35+s13+$0x0], $0xffff  }
0x307: {  	v11 =	vmul.f32 v34, v47;
	v35 =	vld [tilespmem:$0x1FE30]  }
0x308: {  	v26 =	vor.u32 $0x7, v0;
	v0 =	vld [tilespmem:$0x1FE00]  }
0x309: {  	v15 =	vor.u32 $0x6, v24;
	v1 =	vadd.f32 v11, v1;
	v11 =	vld.idx.msk [tilespmem:v36+s13+$0x0], $0xffff  }
0x30a: {  	v31 =	vmul.f32 v31, v43;
	v36 =	vld [tilespmem:$0x1FDD0]  }
0x30b: {  	v10 =	vadd.f32 v17, v10;
	v7 =	vmul.f32 v7, v49;
	v34 =	vor.u32 $0x6, v32;
	v22 =	vld.idx.msk [tilespmem:v19+s13+$0x0], $0xffff  }
0x30c: {  	v47 =	vor.u32 $0x6, v54;
	v19 =	vld [tilespmem:$0x1FDE0]  }
0x30d: {  	v1 =	vadd.f32 v7, v1;
	v7 =	vadd.f32 v31, v10;
	v10 =	vor.u32 $0x7, v37;
	v37 =	vld [tilespmem:$0x1FE40]  }
0x30e: {  	v15 =	vld.idx.msk [tilespmem:v15+s13+$0x0], $0xffff  }
0x30f: {  	v44 =	vmov v32;
	v32 =	vor.u32 $0x7, v0;
	v0 =	vld [tilespmem:$0x1FE20]  }
0x310: {  	v58 =	vld.idx.msk [tilespmem:v34+s13+$0x0], $0xffff  }
0x311: {  	v13 =	vld.idx.msk [tilespmem:v47+s13+$0x0], $0xffff;
	v17 =	vor.u32 $0x7, v36  }
0x312: {  	v47 =	vmov v61;
	v36 =	vor.u32 $0x6, v61;
	v61 =	vld [tilespmem:$0x1FEA0]  }
0x313: {  	v11 =	vmul.f32 v11, v53;
	v10 =	vld.idx.msk [tilespmem:v10+s13+$0x0], $0xffff  }
0x314: {  	v40 =	vor.u32 $0x6, v19;
	v15 =	vmul.f32 v15, v57;
	v31 =	vor.u32 $0x7, v0;
	v0 =	vmovc v57;
	v57 =	vld [tilespmem:$0x1FE50]  }
0x315: {  	v1 =	vadd.f32 v11, v1;
	v11 =	vor.u32 $0x7, v35;
	v35 =	vor.u32 $0x7, v37;
	v37 =	vld.idx.msk [tilespmem:v32+s13+$0x0], $0xffff  }
0x316: {  	v17 =	vld.idx.msk [tilespmem:v17+s13+$0x0], $0xffff  }
0x317: {  	v20 =	vmul.f32 v20, v29;
	v7 =	vadd.f32 v15, v7;
	v15 =	vld.idx.msk [tilespmem:v26+s13+$0x0], $0xffff  }
0x318: {  	v8 =	vmul.f32 v8, v61;
	v61 =	vld [tilespmem:$0x1FEE0]  }
0x319: {  	v18 =	vadd.f32 v20, v18;
	v20 =	vld.idx.msk [tilespmem:v40+s13+$0x0], $0xffff;
	v40 =	vmul.f32 v58, v57  }
0x31a: {  	v58 =	vor.u32 $0x7, v30;
	v30 =	vld [tilespmem:$0x1FE70]  }
0x31b: {  	v13 =	vmul.f32 v13, v38;
	v26 =	vor.u32 $0x7, v25;
	[tilespmem:v36+s30+$0x0] =	vst.idx.msk $0xffff, v18;
	v36 =	vld [tilespmem:$0x1FEF0];
	v7 =	vadd.f32 v40, v7  }
0x31c: {  	v11 =	vld.idx.msk [tilespmem:v11+s13+$0x0], $0xffff  }
0x31d: {  	v18 =	vld.idx.msk [tilespmem:v31+s13+$0x0], $0xffff;
	v7 =	vadd.f32 v13, v7;
	v13 =	vor.u32 $0x7, v55  }
0x31e: {  	v40 =	vmov v38;
	v38 =	vld [tilespmem:$0x1FE80]  }
0x31f: {  	v31 =	vld.idx.msk [tilespmem:v35+s13+$0x0], $0xffff;
	v60 =	vor.u32 $0x6, v30  }
0x320: {  	v21 =	vmul.f32 v21, v27;
	v25 =	vld.idx.msk [tilespmem:v26+s13+$0x0], $0xffff  }
0x321: {  	v26 =	vor.u32 $0x7, v59;
	v55 =	vor.u32 $0x7, v52;
	v52 =	vld [tilespmem:$0x1FF10]  }
0x322: {  	v1 =	vadd.f32 v21, v1;
	v20 =	vmul.f32 v20, v63;
	v13 =	vld.idx.msk [tilespmem:v13+s13+$0x0], $0xffff  }
0x323: {  	v21 =	vor.u32 $0x7, v38;
	v38 =	vld [tilespmem:$0x1FF00]  }
0x324: {  	[tilespmem:v60+s30+$0x0] =	vst.idx.msk $0xffff, v1;
	v1 =	vadd.f32 v20, v7;
	v7 =	vld.idx.msk [tilespmem:v58+s13+$0x0], $0xffff  }
0x325: {  	v58 =	vld [tilespmem:$0x1FE90]  }
0x326: {  	v11 =	vmul.f32 v11, v23;
	v20 =	vor.u32 $0x7, v28;
	v23 =	vld.idx.msk [tilespmem:v26+s13+$0x0], $0xffff  }
0x327: {  	[tilespmem:v14+s30+$0x0] =	vst.idx.msk $0xffff, v1;
	v14 =	vld.idx.msk [tilespmem:v55+s13+$0x0], $0xffff  }
0x328: {  	v1 =	vld.idx.msk [tilespmem:v21+s13+$0x0], $0xffff  }
0x329: {  	v21 =	vor.u32 $0x7, v62;
	v62 =	vor.u32 $0x7, v51;
	v51 =	vor.u32 $0x7, v38;
	v38 =	vld [tilespmem:$0x1FF30]  }
0x32a: {  	v60 =	vmul.f32 v37, v58;
	v58 =	vld [tilespmem:$0x1FEC0]  }
0x32b: {  	v55 =	vor.u32 $0x7, v46;
	v28 =	vld.idx.msk [tilespmem:v20+s13+$0x0], $0xffff  }
0x32c: {  	v7 =	vmul.f32 v7, v36;
	v36 =	vld [tilespmem:$0x1FFA0]  }
0x32d: {  	v8 =	vadd.f32 v8, v60;
	v60 =	vld [tilespmem:$0x1FED0]  }
0x32e: {  	v9 =	vmul.f32 v9, v56;
	v62 =	vld.idx.msk [tilespmem:v62+s13+$0x0], $0xffff  }
0x32f: {  	v56 =	vmul.f32 v25, v39;
	v39 =	vor.u32 $0x7, v42;
	v37 =	vor.u32 $0x7, v24;
	v42 =	vld.idx.msk [tilespmem:v51+s13+$0x0], $0xffff  }
0x330: {  	v8 =	vadd.f32 v9, v8;
	v9 =	vmul.f32 v22, v61;
	v61 =	vor.u32 $0x7, v45;
	v45 =	vld.idx.msk [tilespmem:v55+s13+$0x0], $0xffff  }
0x331: {  	v1 =	vmul.f32 v1, v48;
	v48 =	vld [tilespmem:$0x1FF40];
	v59 =	vmul.f32 v31, v58  }
0x332: {  	v51 =	vld [tilespmem:$0x1FF50]  }
0x333: {  	v58 =	vld.idx.msk [tilespmem:v21+s13+$0x0], $0xffff;
	v34 =	vor.u32 $0x7, v60;
	v11 =	vadd.f32 v59, v11  }
0x334: {  	v20 =	vld.idx.msk [tilespmem:v37+s13+$0x0], $0xffff;
	v59 =	vor.u32 $0x7, v33  }
0x335: {  	v8 =	vadd.f32 v9, v8;
	v9 =	vmul.f32 v17, v52;
	v52 =	vld [tilespmem:$0x1FF60];
	v7 =	vadd.f32 v7, v11  }
0x336: {  	v60 =	vld [tilespmem:$0x1FF20]  }
0x337: {  	v7 =	vadd.f32 v56, v7;
	v56 =	vld [tilespmem:$0x1FF70]  }
0x338: {  	v34 =	vld.idx.msk [tilespmem:v34+s13+$0x0], $0xffff  }
0x339: {  	v26 =	vld.idx.msk [tilespmem:v59+s13+$0x0], $0xffff  }
0x33a: {  	v46 =	vor.u32 $0x7, v44;
	v59 =	vld [tilespmem:$0x1FF80]  }
0x33b: {  	v8 =	vadd.f32 v9, v8;
	v9 =	vmul.f32 v15, v60;
	v15 =	vld.idx.msk [tilespmem:v61+s13+$0x0], $0xffff  }
0x33c: {  	v61 =	vld [tilespmem:$0x1FF90]  }
0x33d: {  	v8 =	vadd.f32 v9, v8;
	v9 =	vmul.f32 v10, v38;
	v10 =	vld.idx.msk [tilespmem:v39+s13+$0x0], $0xffff  }
0x33e: {  	v35 =	vor.u32 $0x7, v16;
	v23 =	vmul.f32 v23, v48;
	v14 =	vmul.f32 v14, v51;
	v39 =	vld [tilespmem:$0x1FFB0]  }
0x33f: {  	v55 =	vor.u32 $0x7, v52;
	v1 =	vadd.f32 v1, v7;
	v7 =	vmul.f32 v13, v41;
	v41 =	vld.idx.msk [tilespmem:v46+s13+$0x0], $0xffff  }
0x340: {  	v60 =	vor.u32 $0x7, v54;
	v46 =	vld [tilespmem:$0x1FFD0];
	v58 =	vmul.f32 v58, v56;
	v34 =	vmul.f32 v34, v59  }
0x341: {  	v51 =	vld [tilespmem:$0x1FFE0];
	v14 =	vadd.f32 v14, v23;
	v11 =	vmul.f32 v62, v61;
	v62 =	vor.u32 $0x7, v12  }
0x342: {  	v44 =	vld [tilespmem:$0x1FFC0];
	v37 =	vor.u32 $0x7, v19;
	v25 =	vmul.f32 v42, v36;
	v34 =	vadd.f32 v34, v58  }
0x343: {  	v31 =	vld.idx.msk [tilespmem:v35+s13+$0x0], $0xffff;
	v52 =	vmul.f32 v20, v0;
	v38 =	vadd.f32 v11, v14;
	v11 =	vmul.f32 v45, v39  }
0x344: {  	v1 =	vadd.f32 v7, v1;
	v42 =	vmul.f32 v26, v43;
	v43 =	vld.idx.msk [tilespmem:v55+s13+$0x0], $0xffff;
	v7 =	vadd.f32 v25, v34  }
0x345: {  	v8 =	vadd.f32 v9, v8;
	v48 =	vld.idx.msk [tilespmem:v60+s13+$0x0], $0xffff;
	v9 =	vadd.f32 v11, v38;
	v11 =	vmul.f32 v15, v46  }
0x346: {  	v18 =	vmul.f32 v18, v51;
	v56 =	vmul.f32 v28, v29;
	v54 =	vld.idx.msk [tilespmem:v62+s13+$0x0], $0xffff;
	v7 =	vadd.f32 v42, v7  }
0x347: {  	v55 =	vld.idx.msk [tilespmem:v37+s13+$0x0], $0xffff;
	v60 =	vor.u32 $0x7, v30;
	v10 =	vmul.f32 v10, v49;
	v9 =	vadd.f32 v11, v9  }
0x348: {  	v13 =	vmul.f32 v41, v57;
	v45 =	vmul.f32 v31, v44;
	v7 =	vadd.f32 v52, v7  }
0x349: {  	v58 =	vor.u32 $0x7, v47;
	v59 =	vmul.f32 v43, v53;
	v9 =	vadd.f32 v10, v9  }
0x34a: {  	s3 =	sadd.s32 $0x4, s3;
	v1 =	vadd.f32 v45, v1;
	v61 =	vmul.f32 v48, v40;
	v7 =	vadd.f32 v13, v7  }
0x34b: {  	p0 =	slt.u32 s3, $0x1C;
	v8 =	vadd.f32 v18, v8;
	v9 =	vadd.f32 v59, v9;
	v62 =	vmul.f32 v54, v27  }
.Ltmp1:
0x34c: {  	v1 =	vadd.f32 v56, v1;
	v11 =	vmul.f32 v55, v63;
	v7 =	vadd.f32 v61, v7;
	(pc) =	sbr.rel @p0 .LBB2_5-.Ltmp1, $4  }
0x34d: {  	[tilespmem:v32+s30+$0x0] =	vst.idx.msk $0xffff, v8;
	v0 =	vadd.f32 v62, v9  }
0x34e: {  	[tilespmem:v58+s30+$0x0] =	vst.idx.msk $0xffff, v1;
	v1 =	vadd.f32 v11, v7  }
0x34f: {  	s5 =	sadd.s32 $0x40, s5;
	[tilespmem:v60+s30+$0x0] =	vst.idx.msk $0xffff, v0  }
0x350: {  	s10 =	sadd.s32 $0x40, s10;
	s8 =	sadd.s32 $0x40, s8;
	s1 =	sadd.s32 $0x40, s1;
	[tilespmem:v21+s30+$0x0] =	vst.idx.msk $0xffff, v1;
	v1 =	vld [tilespmem:$0x1FFF0]  }
0x351: {  	s31 =	sadd.s32 $0x1, s31  }
0x352: {  	p0 =	sne.s32 s31, $0x3E  }
.Ltmp2:
0x353: {  	s0 =	sadd.s32 s6, s0;
	(pc) =	sbr.rel @p0 .LBB2_2-.Ltmp2, $4  }
0x354: {  	[hbm4b:s0+s2] =	stream.linear.scatter [tilespmem:s30], [sflag:$0x2], $0x1000, $0x38;
	[tilespmem:$0xAC10] =	vst v63  }
0x355: {  	_ =	swait.ge [sflag:s9], $0x1000  }
0x356: {  	[sflag:s9] =	ssyncset.done $0x0  }
0x357: {  	[sflag:s9] =	ssyncadd.s32 $0xFFFFF000  }
0x358: {  	s1 =	rddreg [dreg:$0x5]  }
0x359: {  	s0 =	rddreg [dreg:$0x4];
	s1 =	sadd.s32 $0x1, s1  }
0x35a: {  	p0 =	sne.s32 s1, s0  }
.Ltmp3:
0x35b: {  	_ = 	snop;
	(pc) =	sbr.rel @p0 .LBB2_1-.Ltmp3, $1  }
0x35c: {  	_ =	sdelay $0x3  }
0x35d: {  	_ =	sfence.sel $0x180000  }
0x35e: {  	[bflag:$0x0] =	sbarrier.arrive $0xFFFF  }
0x35f: {  	_ =	strace $0x90000047  }
0x360: {  	s0 =	stileid.u32;
	[bflag:$0x2] =	sbarrier.arrive $0xFFFF  }
0x361: {  	p0 =	sne.s32 s0, $0x0;
	s0 =	rddreg [dreg:$0x2]  }
0x362: {  	s0 =	sadd.s32 @!p0 $0x100000, s0  }
0x363: {  	[sflag:s0] =	ssyncadd.tile.s32 @!p0 $0x1;
	_ =	shalt  }
.Lfunc_end2:
_tile_overlayer_lowered:
.L_overlay_start_2:
0x364: {  	(tag) =	ssettag $0x2  }
0x365: {  	s0 =	rddreg [dreg:$0x0];
	s2 =	stileid.u32  }
0x366: {  	s1 =	rddreg [dreg:$0x1];
	p0 =	sne.s32 s2, $0x0  }
0x367: {  	s3 =	rddreg [dreg:$0x2];
	[bflag:$0x3] =	sbarrier.arrive $0xFFFF;
	s2 =	simm.s32 @!p0 $0x1C02  }
0x368: {  	[timem:s3], [sflag:s2] =	dma.local @!p0 [hbm:s0], s1  }
0x369: {  	s0 =	simm.s32 @!p0 $0x2  }
0x36a: {  	_ =	swait.ge @!p0 [sflag:s0], s1  }
0x36b: {  	s1 =	ssub.s32 @!p0 $0x0, s1;
	[sflag:s0] =	ssyncset.done @!p0 $0x0  }
0x36c: {  	[sflag:s0] =	ssyncadd.s32 @!p0 s1  }
0x36d: {  	[bflag:$0x3] =	sbarrier.arrive $0xFFFF  }
0x36e: {  	_ =	shalt  }

</sc_bundles>
